<compile_context>
chip_gen: v7x
topology: tpu7x:2x2x1
jax: 0.10.2.dev20260603
libtpu: 0.0.44.dev20260713+nightly
codegen_flags: <defaults>
</compile_context>

<pallas_src>
import functools

import jax
import jax.numpy as jnp
from jax import lax
from jax.experimental import pallas as pl
from jax.experimental.pallas import tpu as pltpu
from jax.experimental.pallas import tpu_sc as plsc

N_NODES = 5000
N_EDGES = 320000
DIM = 128
EPS = 1e-5

NS = 16
PAD = 5120
K = 80
EDGES_PER_TILE = N_EDGES // NS
CHUNKS = EDGES_PER_TILE // K
OUT_STRIDE = 312

_mesh = plsc.VectorSubcoreMesh(core_axis_name="c", subcore_axis_name="s")


@functools.partial(
    pl.kernel,
    out_type=(
        jax.ShapeDtypeStruct((N_NODES, DIM), jnp.float32),
        jax.ShapeDtypeStruct((NS, PAD), jnp.float32),
        jax.ShapeDtypeStruct((N_NODES, DIM), jnp.float32),
        jax.ShapeDtypeStruct((NS, PAD), jnp.float32),
    ),
    mesh=_mesh,
    compiler_params=pltpu.CompilerParams(needs_layout_passes=False),
    scratch_types=[
        pltpu.VMEM_SHARED((PAD, DIM), jnp.float32),
    ] + [
        s
        for _ in range(4)
        for s in (pltpu.VMEM((K,), jnp.int32),
                  pltpu.VMEM((K,), jnp.int32),
                  pltpu.VMEM((K, DIM), jnp.float32),
                  pltpu.SemaphoreType.DMA,
                  pltpu.SemaphoreType.DMA,
                  pltpu.SemaphoreType.DMA)
    ] + [
        pltpu.VMEM((PAD,), jnp.float32),
    ],
)
def _sc_aggregate(uf_hbm, if_hbm, ui_src, ui_dst, iu_src, iu_dst, zero_f,
                  item_sum, item_deg, user_sum, user_deg,
                  acc_sh, *rest):
  sets = tuple(rest[6 * x:6 * x + 6] for x in range(4))
  degl = rest[24]
  cid = lax.axis_index("c")
  sid = lax.axis_index("s")
  row0 = sid * (PAD // NS)
  edge0 = sid * EDGES_PER_TILE
  zeros16 = jnp.zeros((16,), jnp.float32)
  ones16 = jnp.ones((16,), jnp.float32)

  pltpu.sync_copy(zero_f, acc_sh.at[pl.ds(row0, PAD // NS)])

  def zrow(i, _):
    degl[pl.ds(i * 16, 16)] = zeros16
    return ()
  lax.fori_loop(0, PAD // 16, zrow, ())
  plsc.subcore_barrier()

  def run(feat_hbm, src_hbm, dst_hbm, deg_out):
    def fire_idx(c, s):
      off = edge0 + c * K
      pltpu.async_copy(src_hbm.at[pl.ds(off, K)], s[0], s[3])
      pltpu.async_copy(dst_hbm.at[pl.ds(off, K)], s[1], s[3])

    def wait_idx(c, s):
      off = edge0 + c * K
      pltpu.make_async_copy(src_hbm.at[pl.ds(off, K)], s[0], s[3]).wait()
      pltpu.make_async_copy(dst_hbm.at[pl.ds(off, K)], s[1], s[3]).wait()

    def fire_gather(s):
      pltpu.async_copy(feat_hbm.at[s[0]], s[2], s[4])

    def wait_gather(s):
      pltpu.make_async_copy(feat_hbm.at[s[0]], s[2], s[4]).wait()

    def fire_scatter(s):
      pltpu.async_copy(s[2], acc_sh.at[s[1]], s[5], add=True)

    def wait_scatter(s):
      pltpu.make_async_copy(s[2], acc_sh.at[s[1]], s[5]).wait()

    def anchor(c, sk, drain=True, pf_idx=True, pf_gather=True):
      s = sets[sk]
      wait_gather(s)
      for i in range(K // 16):
        plsc.addupdate_scatter(degl, [s[1][pl.ds(i * 16, 16)]], ones16)
      fire_scatter(s)
      if pf_idx:
        y = sets[(sk + 2) % 4]
        if drain:
          wait_scatter(y)
        fire_idx(c + 2, y)
      if pf_gather:
        z = sets[(sk + 1) % 4]
        wait_idx(c + 1, z)
        fire_gather(z)

    fire_idx(0, sets[0])
    fire_idx(1, sets[1])
    wait_idx(0, sets[0])
    fire_gather(sets[0])
    anchor(0, 0, drain=False)
    anchor(1, 1, drain=False)

    def step(i, _):
      c0 = 4 * i + 2
      for k in range(4):
        anchor(c0 + k, (2 + k) % 4)
      return ()
    lax.fori_loop(0, (CHUNKS - 6) // 4, step, ())

    anchor(CHUNKS - 4, (CHUNKS - 4) % 4)
    anchor(CHUNKS - 3, (CHUNKS - 3) % 4)
    anchor(CHUNKS - 2, (CHUNKS - 2) % 4, pf_idx=False)
    anchor(CHUNKS - 1, (CHUNKS - 1) % 4, pf_idx=False, pf_gather=False)
    for k in range(4):
      wait_scatter(sets[(CHUNKS - 4 + k) % 4])

    pltpu.sync_copy(degl, deg_out.at[sid])

  @pl.when(cid == 0)
  def _():
    run(uf_hbm, ui_src, ui_dst, item_deg)

  @pl.when(cid == 1)
  def _():
    run(if_hbm, iu_src, iu_dst, user_deg)

  plsc.subcore_barrier()

  out0 = sid * OUT_STRIDE

  @pl.when(cid == 0)
  def _():
    pltpu.sync_copy(acc_sh.at[pl.ds(out0, 320)], item_sum.at[pl.ds(out0, 320)])

  @pl.when(cid == 1)
  def _():
    pltpu.sync_copy(acc_sh.at[pl.ds(out0, 320)], user_sum.at[pl.ds(out0, 320)])


def _tc_head_body(feat, msum, mdeg, ones_c, w_t, b, gamma, beta, out):
  d = lax.dot_general(mdeg[...], ones_c[...], (((0,), (0,)), ((), ())),
                      preferred_element_type=jnp.float32)
  r = 1.0 / jnp.maximum(d, 1.0)
  x = feat[...] + msum[...] * r
  h = jnp.dot(x, w_t[...], preferred_element_type=jnp.float32) + b[...]
  h = jnp.maximum(h, 0.0)
  mu = jnp.mean(h, axis=1, keepdims=True)
  var = jnp.mean((h - mu) ** 2, axis=1, keepdims=True)
  out[...] = (h - mu) * lax.rsqrt(var + EPS) * gamma[...] + beta[...]


def _tc_head(feat, msum, mdeg, ones_c, w_t, b, gamma, beta):
  bm = 1024
  grid = PAD // bm
  return pl.pallas_call(
      _tc_head_body,
      grid=(grid,),
      in_specs=[
          pl.BlockSpec((bm, DIM), lambda i: (i, 0)),
          pl.BlockSpec((bm, DIM), lambda i: (i, 0)),
          pl.BlockSpec((NS, bm), lambda i: (0, i)),
          pl.BlockSpec((NS, 1), lambda i: (0, 0)),
          pl.BlockSpec((DIM, DIM), lambda i: (0, 0)),
          pl.BlockSpec((1, DIM), lambda i: (0, 0)),
          pl.BlockSpec((1, DIM), lambda i: (0, 0)),
          pl.BlockSpec((1, DIM), lambda i: (0, 0)),
      ],
      out_specs=pl.BlockSpec((bm, DIM), lambda i: (i, 0)),
      out_shape=jax.ShapeDtypeStruct((N_NODES, DIM), jnp.float32),
  )(feat, msum, mdeg, ones_c, w_t, b, gamma, beta)


@jax.jit
def kernel(user_features, item_features, user_item_edge_index,
           item_user_edge_index, Wu, bu, Wi, bi, gamma, beta):
  ui_src = user_item_edge_index[0].astype(jnp.int32)
  ui_dst = user_item_edge_index[1].astype(jnp.int32)
  iu_src = item_user_edge_index[0].astype(jnp.int32)
  iu_dst = item_user_edge_index[1].astype(jnp.int32)
  zero_f = jnp.zeros((PAD // NS, DIM), jnp.float32)

  item_sum, item_deg, user_sum, user_deg = _sc_aggregate(
      user_features, item_features, ui_src, ui_dst, iu_src, iu_dst, zero_f)

  ones_c = jnp.ones((NS, 1), jnp.float32)
  g = gamma.reshape(1, DIM)
  bt = beta.reshape(1, DIM)
  user_new = _tc_head(user_features, user_sum, user_deg, ones_c,
                      Wu.T, bu.reshape(1, DIM), g, bt)
  item_new = _tc_head(item_features, item_sum, item_deg, ones_c,
                      Wi.T, bi.reshape(1, DIM), g, bt)
  return (user_new, item_new)

# --- scband reference (transcript-rebuilt; emitter-appended) ---
"""Pipeline reference for scband-bipartite-graph-layer-4415226380865 (READ-ONLY COPY).

The authoritative reference and input builder live on the scoring server;
editing this copy changes nothing except your own understanding.
"""

import jax, jax.numpy as jnp
import numpy as np

NUM_USERS = 5000
NUM_ITEMS = 5000
NUM_EDGES = 320000
IN_DIM = 128
OUT_DIM = 128
EPS = 1e-5


def setup_inputs(seed: int = 0) -> dict:
    key = jax.random.key(seed)
    ks = jax.random.split(key, 12)
    user_features = jax.random.normal(ks[0], (NUM_USERS, IN_DIM), dtype=jnp.float32)
    item_features = jax.random.normal(ks[1], (NUM_ITEMS, IN_DIM), dtype=jnp.float32)
    ui_src = jax.random.randint(ks[2], (NUM_EDGES,), 0, NUM_USERS)
    ui_dst = jax.random.randint(ks[3], (NUM_EDGES,), 0, NUM_ITEMS)
    user_item_edge_index = jnp.stack([ui_src, ui_dst], axis=0)
    iu_src = jax.random.randint(ks[4], (NUM_EDGES,), 0, NUM_ITEMS)
    iu_dst = jax.random.randint(ks[5], (NUM_EDGES,), 0, NUM_USERS)
    item_user_edge_index = jnp.stack([iu_src, iu_dst], axis=0)
    s = 1.0 / np.sqrt(IN_DIM)
    Wu = jax.random.uniform(ks[6], (OUT_DIM, IN_DIM), dtype=jnp.float32, minval=-s, maxval=s)
    bu = jax.random.uniform(ks[7], (OUT_DIM,), dtype=jnp.float32, minval=-s, maxval=s)
    Wi = jax.random.uniform(ks[8], (OUT_DIM, IN_DIM), dtype=jnp.float32, minval=-s, maxval=s)
    bi = jax.random.uniform(ks[9], (OUT_DIM,), dtype=jnp.float32, minval=-s, maxval=s)
    gamma = jnp.ones((OUT_DIM,), dtype=jnp.float32)
    beta = jnp.zeros((OUT_DIM,), dtype=jnp.float32)
    return {
        'user_features': user_features,
        'item_features': item_features,
        'user_item_edge_index': user_item_edge_index,
        'item_user_edge_index': item_user_edge_index,
        'Wu': Wu, 'bu': bu, 'Wi': Wi, 'bi': bi,
        'gamma': gamma, 'beta': beta,
    }


def _aggregate_messages(source_features, edge_index, num_target_nodes):
    source_idx = edge_index[0]
    target_idx = edge_index[1]
    messages = jnp.take(source_features, source_idx, axis=0)
    aggregated = jnp.zeros((num_target_nodes, source_features.shape[1]), dtype=source_features.dtype)
    aggregated = aggregated.at[target_idx].add(messages)
    degree = jnp.zeros((num_target_nodes,), dtype=jnp.float32).at[target_idx].add(1.0)
    degree = jnp.maximum(degree, 1.0)[:, None]
    return aggregated / degree


def _layer_norm(x, gamma, beta):
    mean = jnp.mean(x, axis=-1, keepdims=True)
    var = jnp.mean((x - mean) ** 2, axis=-1, keepdims=True)
    return (x - mean) / jnp.sqrt(var + EPS) * gamma + beta


def reference(user_features, item_features, user_item_edge_index, item_user_edge_index, Wu, bu, Wi, bi, gamma, beta):
    item_messages = _aggregate_messages(user_features, user_item_edge_index, item_features.shape[0])
    user_messages = _aggregate_messages(item_features, item_user_edge_index, user_features.shape[0])
    user_new = (user_features + user_messages) @ Wu.T + bu
    item_new = (item_features + item_messages) @ Wi.T + bi
    user_new = _layer_norm(jax.nn.relu(user_new), gamma, beta)
    item_new = _layer_norm(jax.nn.relu(item_new), gamma, beta)
    return (user_new, item_new)

if __name__ == "__main__":
    import jax
    _d = setup_inputs()
    print(jax.jit(kernel)(*tuple(_d.values())))

</pallas_src>

<mosaic_0001>
#map = affine_map<(d0, d1) -> (0, 0)>
#map1 = affine_map<(d0, d1) -> (0)>
module attributes {stable_mosaic.version = 14 : i64} {
  func.func @_sc_aggregate(%arg0: i32, %arg1: i32, %arg2: memref<5000x128xf32, #tpu.memory_space<hbm>>, %arg3: memref<5000x128xf32, #tpu.memory_space<hbm>>, %arg4: memref<320000xi32, #tpu.memory_space<hbm>>, %arg5: memref<320000xi32, #tpu.memory_space<hbm>>, %arg6: memref<320000xi32, #tpu.memory_space<hbm>>, %arg7: memref<320000xi32, #tpu.memory_space<hbm>>, %arg8: memref<320x128xf32, #tpu.memory_space<hbm>>, %arg9: memref<5000x128xf32, #tpu.memory_space<hbm>>, %arg10: memref<16x5120xf32, #tpu.memory_space<hbm>>, %arg11: memref<5000x128xf32, #tpu.memory_space<hbm>>, %arg12: memref<16x5120xf32, #tpu.memory_space<hbm>>, %arg13: memref<5120x128xf32, #tpu.memory_space<vmem_shared>>, %arg14: memref<80xi32, #tpu.memory_space<vmem>>, %arg15: memref<80xi32, #tpu.memory_space<vmem>>, %arg16: memref<80x128xf32, #tpu.memory_space<vmem>>, %arg17: memref<!tpu.dma_semaphore, #tpu.memory_space<semaphore_mem>>, %arg18: memref<!tpu.dma_semaphore, #tpu.memory_space<semaphore_mem>>, %arg19: memref<!tpu.dma_semaphore, #tpu.memory_space<semaphore_mem>>, %arg20: memref<80xi32, #tpu.memory_space<vmem>>, %arg21: memref<80xi32, #tpu.memory_space<vmem>>, %arg22: memref<80x128xf32, #tpu.memory_space<vmem>>, %arg23: memref<!tpu.dma_semaphore, #tpu.memory_space<semaphore_mem>>, %arg24: memref<!tpu.dma_semaphore, #tpu.memory_space<semaphore_mem>>, %arg25: memref<!tpu.dma_semaphore, #tpu.memory_space<semaphore_mem>>, %arg26: memref<80xi32, #tpu.memory_space<vmem>>, %arg27: memref<80xi32, #tpu.memory_space<vmem>>, %arg28: memref<80x128xf32, #tpu.memory_space<vmem>>, %arg29: memref<!tpu.dma_semaphore, #tpu.memory_space<semaphore_mem>>, %arg30: memref<!tpu.dma_semaphore, #tpu.memory_space<semaphore_mem>>, %arg31: memref<!tpu.dma_semaphore, #tpu.memory_space<semaphore_mem>>, %arg32: memref<80xi32, #tpu.memory_space<vmem>>, %arg33: memref<80xi32, #tpu.memory_space<vmem>>, %arg34: memref<80x128xf32, #tpu.memory_space<vmem>>, %arg35: memref<!tpu.dma_semaphore, #tpu.memory_space<semaphore_mem>>, %arg36: memref<!tpu.dma_semaphore, #tpu.memory_space<semaphore_mem>>, %arg37: memref<!tpu.dma_semaphore, #tpu.memory_space<semaphore_mem>>, %arg38: memref<5120xf32, #tpu.memory_space<vmem>>) attributes {dimension_semantics = [#tpu.dimension_semantics<core_parallel>, #tpu.dimension_semantics<subcore_parallel>], iteration_bounds = array<i64: 2, 16>, scalar_prefetch = 0 : i64, scratch_operands = 26 : i64, tpu.core_type = #tpu.core_type<sc_vector_subcore>, window_params = [{transform_indices = #map}, {transform_indices = #map}, {transform_indices = #map1}, {transform_indices = #map1}, {transform_indices = #map1}, {transform_indices = #map1}, {transform_indices = #map}, {transform_indices = #map}, {transform_indices = #map}, {transform_indices = #map}, {transform_indices = #map}]} {
    %mul3A = arith.constant 320 : i32
    %mul3A_0 = arith.muli %arg1, %mul3A : i32
    %mul3A_1 = arith.constant 20000 : i32
    %mul3A_2 = arith.muli %arg1, %mul3A_1 : i32
    %broadcast_in_dim3A = arith.constant 0.000000e+00 : f32
    %broadcast_in_dim3A_3 = vector.broadcast %broadcast_in_dim3A : f32 to vector<16xf32>
    %broadcast_in_dim3A_4 = arith.constant 1.000000e+00 : f32
    %broadcast_in_dim3A_5 = vector.broadcast %broadcast_in_dim3A_4 : f32 to vector<16xf32>
    "tpu.region"() ({
      %run_scoped3A = tpu.sem_alloc : memref<!tpu.dma_semaphore, #tpu.memory_space<semaphore_mem>>
      %dma_start3A = arith.constant 0 : i32
      %dma_start3A_30 = tpu.memref_slice %arg13[%mul3A_0, %dma_start3A] : memref<5120x128xf32, #tpu.memory_space<vmem_shared>> -> memref<320x128xf32, #tpu.memory_space<vmem_shared>>
      tpu.enqueue_dma source(%arg8 : memref<320x128xf32, #tpu.memory_space<hbm>>) target(%dma_start3A_30 : memref<320x128xf32, #tpu.memory_space<vmem_shared>>) target_semaphore(%run_scoped3A : memref<!tpu.dma_semaphore, #tpu.memory_space<semaphore_mem>>)
      %dma_wait3A = arith.constant 0 : i32
      %dma_wait3A_31 = tpu.memref_slice %arg13[%mul3A_0, %dma_wait3A] : memref<5120x128xf32, #tpu.memory_space<vmem_shared>> -> memref<320x128xf32, #tpu.memory_space<vmem_shared>>
      tpu.wait_dma2 semaphore(%run_scoped3A : memref<!tpu.dma_semaphore, #tpu.memory_space<semaphore_mem>>) src(%arg8 : memref<320x128xf32, #tpu.memory_space<hbm>>) dst(%dma_wait3A_31 : memref<320x128xf32, #tpu.memory_space<vmem_shared>>)
      tpu.yield
    }) : () -> ()
    %scan3A = arith.constant 0 : i32
    %scan3A_6 = arith.constant 320 : i32
    %scan3A_7 = arith.addi %scan3A, %scan3A_6 : i32
    %scan3A_8 = arith.constant 1 : i32
    scf.for %scan3A_30 = %scan3A to %scan3A_7 step %scan3A_8  : i32 {
      %mul3A_31 = arith.constant 16 : i32
      %mul3A_32 = arith.muli %scan3A_30, %mul3A_31 : i32
      %swap3A = arith.index_cast %mul3A_32 : i32 to index
      %swap3A_33 = tpu.vector_load %arg38[%swap3A] {strides = array<i32>} : memref<5120xf32, #tpu.memory_space<vmem>>, vector<16xf32>,
      tpu.vector_store %arg38[%swap3A], %broadcast_in_dim3A_3 {strides = array<i32>} : memref<5120xf32, #tpu.memory_space<vmem>>, vector<16xf32>,
    }
    %scan3A_9 = arith.constant 320 : i32
    %barrier3A = arith.constant 0 : index
    tpu.barrier barrier_id(%barrier3A)
    %eq3A = arith.constant 0 : i32
    %eq3A_10 = arith.cmpi eq, %arg0, %eq3A : i32
    %convert_element_type3A = arith.extui %eq3A_10 : i1 to i32
    %cond3A = arith.constant 0 : i32
    %cond3A_11 = arith.cmpi ne, %convert_element_type3A, %cond3A : i32
    scf.if %cond3A_11 {
      %add3A = arith.constant 0 : i32
      %add3A_30 = arith.addi %mul3A_2, %add3A : i32
      %dma_start3A = tpu.memref_slice %arg4[%add3A_30] : memref<320000xi32, #tpu.memory_space<hbm>> -> memref<80xi32, #tpu.memory_space<hbm>>
      %dma_start3A_31 = tpu.memref_slice %arg4[%add3A_30] : memref<320000xi32, #tpu.memory_space<hbm>> -> memref<80xi32, #tpu.memory_space<hbm>>
      tpu.enqueue_dma source(%dma_start3A_31 : memref<80xi32, #tpu.memory_space<hbm>>) target(%arg14 : memref<80xi32, #tpu.memory_space<vmem>>) target_semaphore(%arg17 : memref<!tpu.dma_semaphore, #tpu.memory_space<semaphore_mem>>)
      %dma_start3A_32 = tpu.memref_slice %arg5[%add3A_30] : memref<320000xi32, #tpu.memory_space<hbm>> -> memref<80xi32, #tpu.memory_space<hbm>>
      %dma_start3A_33 = tpu.memref_slice %arg5[%add3A_30] : memref<320000xi32, #tpu.memory_space<hbm>> -> memref<80xi32, #tpu.memory_space<hbm>>
      tpu.enqueue_dma source(%dma_start3A_33 : memref<80xi32, #tpu.memory_space<hbm>>) target(%arg15 : memref<80xi32, #tpu.memory_space<vmem>>) target_semaphore(%arg17 : memref<!tpu.dma_semaphore, #tpu.memory_space<semaphore_mem>>)
      %add3A_34 = arith.constant 80 : i32
      %add3A_35 = arith.addi %mul3A_2, %add3A_34 : i32
      %dma_start3A_36 = tpu.memref_slice %arg4[%add3A_35] : memref<320000xi32, #tpu.memory_space<hbm>> -> memref<80xi32, #tpu.memory_space<hbm>>
      %dma_start3A_37 = tpu.memref_slice %arg4[%add3A_35] : memref<320000xi32, #tpu.memory_space<hbm>> -> memref<80xi32, #tpu.memory_space<hbm>>
      tpu.enqueue_dma source(%dma_start3A_37 : memref<80xi32, #tpu.memory_space<hbm>>) target(%arg20 : memref<80xi32, #tpu.memory_space<vmem>>) target_semaphore(%arg23 : memref<!tpu.dma_semaphore, #tpu.memory_space<semaphore_mem>>)
      %dma_start3A_38 = tpu.memref_slice %arg5[%add3A_35] : memref<320000xi32, #tpu.memory_space<hbm>> -> memref<80xi32, #tpu.memory_space<hbm>>
      %dma_start3A_39 = tpu.memref_slice %arg5[%add3A_35] : memref<320000xi32, #tpu.memory_space<hbm>> -> memref<80xi32, #tpu.memory_space<hbm>>
      tpu.enqueue_dma source(%dma_start3A_39 : memref<80xi32, #tpu.memory_space<hbm>>) target(%arg21 : memref<80xi32, #tpu.memory_space<vmem>>) target_semaphore(%arg23 : memref<!tpu.dma_semaphore, #tpu.memory_space<semaphore_mem>>)
      %add3A_40 = arith.constant 0 : i32
      %add3A_41 = arith.addi %mul3A_2, %add3A_40 : i32
      %dma_wait3A = tpu.memref_slice %arg4[%add3A_41] : memref<320000xi32, #tpu.memory_space<hbm>> -> memref<80xi32, #tpu.memory_space<hbm>>
      %dma_wait3A_42 = tpu.memref_slice %arg4[%add3A_41] : memref<320000xi32, #tpu.memory_space<hbm>> -> memref<80xi32, #tpu.memory_space<hbm>>
      tpu.wait_dma2 semaphore(%arg17 : memref<!tpu.dma_semaphore, #tpu.memory_space<semaphore_mem>>) src(%dma_wait3A_42 : memref<80xi32, #tpu.memory_space<hbm>>) dst(%arg14 : memref<80xi32, #tpu.memory_space<vmem>>)
      %dma_wait3A_43 = tpu.memref_slice %arg5[%add3A_41] : memref<320000xi32, #tpu.memory_space<hbm>> -> memref<80xi32, #tpu.memory_space<hbm>>
      %dma_wait3A_44 = tpu.memref_slice %arg5[%add3A_41] : memref<320000xi32, #tpu.memory_space<hbm>> -> memref<80xi32, #tpu.memory_space<hbm>>
      tpu.wait_dma2 semaphore(%arg17 : memref<!tpu.dma_semaphore, #tpu.memory_space<semaphore_mem>>) src(%dma_wait3A_44 : memref<80xi32, #tpu.memory_space<hbm>>) dst(%arg15 : memref<80xi32, #tpu.memory_space<vmem>>)
      %dma_start3A_45 = arith.constant 0 : i32
      %dma_start3A_46 = arith.constant 0 : i32
      %dma_start3A_47 = tpu.memref_slice %arg2[%dma_start3A_45, %dma_start3A_46] : memref<5000x128xf32, #tpu.memory_space<hbm>> -> memref<5000x128xf32, #tpu.memory_space<hbm>>
      tpu.enqueue_indirect_dma source(%dma_start3A_47 : memref<5000x128xf32, #tpu.memory_space<hbm>>) target(%arg16 : memref<80x128xf32, #tpu.memory_space<vmem>>) offsets(%arg14 : memref<80xi32, #tpu.memory_space<vmem>>) semaphore(%arg18 : memref<!tpu.dma_semaphore, #tpu.memory_space<semaphore_mem>>)
      %dma_wait3A_48 = arith.constant 0 : i32
      %dma_wait3A_49 = arith.constant 0 : i32
      %dma_wait3A_50 = tpu.memref_slice %arg2[%dma_wait3A_48, %dma_wait3A_49] : memref<5000x128xf32, #tpu.memory_space<hbm>> -> memref<5000x128xf32, #tpu.memory_space<hbm>>
      tpu.wait_indirect_dma semaphore(%arg18 : memref<!tpu.dma_semaphore, #tpu.memory_space<semaphore_mem>>) src(%dma_wait3A_50 : memref<5000x128xf32, #tpu.memory_space<hbm>>) dst(%arg16 : memref<80x128xf32, #tpu.memory_space<vmem>>)
      %get3A = arith.constant 0 : index
      %get3A_51 = tpu.vector_load %arg15[%get3A] {strides = array<i32>} : memref<80xi32, #tpu.memory_space<vmem>>, vector<16xi32>,
      tpu.vector_store_idx %arg38[%get3A_51], %broadcast_in_dim3A_5 {add = true} : memref<5120xf32, #tpu.memory_space<vmem>>[vector<16xi32>], vector<16xf32>,
      %get3A_52 = arith.constant 16 : index
      %get3A_53 = tpu.vector_load %arg15[%get3A_52] {strides = array<i32>} : memref<80xi32, #tpu.memory_space<vmem>>, vector<16xi32>,
      tpu.vector_store_idx %arg38[%get3A_53], %broadcast_in_dim3A_5 {add = true} : memref<5120xf32, #tpu.memory_space<vmem>>[vector<16xi32>], vector<16xf32>,
      %get3A_54 = arith.constant 32 : index
      %get3A_55 = tpu.vector_load %arg15[%get3A_54] {strides = array<i32>} : memref<80xi32, #tpu.memory_space<vmem>>, vector<16xi32>,
      tpu.vector_store_idx %arg38[%get3A_55], %broadcast_in_dim3A_5 {add = true} : memref<5120xf32, #tpu.memory_space<vmem>>[vector<16xi32>], vector<16xf32>,
      %get3A_56 = arith.constant 48 : index
      %get3A_57 = tpu.vector_load %arg15[%get3A_56] {strides = array<i32>} : memref<80xi32, #tpu.memory_space<vmem>>, vector<16xi32>,
      tpu.vector_store_idx %arg38[%get3A_57], %broadcast_in_dim3A_5 {add = true} : memref<5120xf32, #tpu.memory_space<vmem>>[vector<16xi32>], vector<16xf32>,
      %get3A_58 = arith.constant 64 : index
      %get3A_59 = tpu.vector_load %arg15[%get3A_58] {strides = array<i32>} : memref<80xi32, #tpu.memory_space<vmem>>, vector<16xi32>,
      tpu.vector_store_idx %arg38[%get3A_59], %broadcast_in_dim3A_5 {add = true} : memref<5120xf32, #tpu.memory_space<vmem>>[vector<16xi32>], vector<16xf32>,
      %dma_start3A_60 = arith.constant 0 : i32
      %dma_start3A_61 = arith.constant 0 : i32
      %dma_start3A_62 = tpu.memref_slice %arg13[%dma_start3A_60, %dma_start3A_61] : memref<5120x128xf32, #tpu.memory_space<vmem_shared>> -> memref<5120x128xf32, #tpu.memory_space<vmem_shared>>
      tpu.enqueue_indirect_dma source(%arg16 : memref<80x128xf32, #tpu.memory_space<vmem>>) target(%dma_start3A_62 : memref<5120x128xf32, #tpu.memory_space<vmem_shared>>) offsets(%arg15 : memref<80xi32, #tpu.memory_space<vmem>>) semaphore(%arg19 : memref<!tpu.dma_semaphore, #tpu.memory_space<semaphore_mem>>) {add = true}
      %add3A_63 = arith.constant 160 : i32
      %add3A_64 = arith.addi %mul3A_2, %add3A_63 : i32
      %dma_start3A_65 = tpu.memref_slice %arg4[%add3A_64] : memref<320000xi32, #tpu.memory_space<hbm>> -> memref<80xi32, #tpu.memory_space<hbm>>
      %dma_start3A_66 = tpu.memref_slice %arg4[%add3A_64] : memref<320000xi32, #tpu.memory_space<hbm>> -> memref<80xi32, #tpu.memory_space<hbm>>
      tpu.enqueue_dma source(%dma_start3A_66 : memref<80xi32, #tpu.memory_space<hbm>>) target(%arg26 : memref<80xi32, #tpu.memory_space<vmem>>) target_semaphore(%arg29 : memref<!tpu.dma_semaphore, #tpu.memory_space<semaphore_mem>>)
      %dma_start3A_67 = tpu.memref_slice %arg5[%add3A_64] : memref<320000xi32, #tpu.memory_space<hbm>> -> memref<80xi32, #tpu.memory_space<hbm>>
      %dma_start3A_68 = tpu.memref_slice %arg5[%add3A_64] : memref<320000xi32, #tpu.memory_space<hbm>> -> memref<80xi32, #tpu.memory_space<hbm>>
      tpu.enqueue_dma source(%dma_start3A_68 : memref<80xi32, #tpu.memory_space<hbm>>) target(%arg27 : memref<80xi32, #tpu.memory_space<vmem>>) target_semaphore(%arg29 : memref<!tpu.dma_semaphore, #tpu.memory_space<semaphore_mem>>)
      %add3A_69 = arith.constant 80 : i32
      %add3A_70 = arith.addi %mul3A_2, %add3A_69 : i32
      %dma_wait3A_71 = tpu.memref_slice %arg4[%add3A_70] : memref<320000xi32, #tpu.memory_space<hbm>> -> memref<80xi32, #tpu.memory_space<hbm>>
      %dma_wait3A_72 = tpu.memref_slice %arg4[%add3A_70] : memref<320000xi32, #tpu.memory_space<hbm>> -> memref<80xi32, #tpu.memory_space<hbm>>
      tpu.wait_dma2 semaphore(%arg23 : memref<!tpu.dma_semaphore, #tpu.memory_space<semaphore_mem>>) src(%dma_wait3A_72 : memref<80xi32, #tpu.memory_space<hbm>>) dst(%arg20 : memref<80xi32, #tpu.memory_space<vmem>>)
      %dma_wait3A_73 = tpu.memref_slice %arg5[%add3A_70] : memref<320000xi32, #tpu.memory_space<hbm>> -> memref<80xi32, #tpu.memory_space<hbm>>
      %dma_wait3A_74 = tpu.memref_slice %arg5[%add3A_70] : memref<320000xi32, #tpu.memory_space<hbm>> -> memref<80xi32, #tpu.memory_space<hbm>>
      tpu.wait_dma2 semaphore(%arg23 : memref<!tpu.dma_semaphore, #tpu.memory_space<semaphore_mem>>) src(%dma_wait3A_74 : memref<80xi32, #tpu.memory_space<hbm>>) dst(%arg21 : memref<80xi32, #tpu.memory_space<vmem>>)
      %dma_start3A_75 = arith.constant 0 : i32
      %dma_start3A_76 = arith.constant 0 : i32
      %dma_start3A_77 = tpu.memref_slice %arg2[%dma_start3A_75, %dma_start3A_76] : memref<5000x128xf32, #tpu.memory_space<hbm>> -> memref<5000x128xf32, #tpu.memory_space<hbm>>
      tpu.enqueue_indirect_dma source(%dma_start3A_77 : memref<5000x128xf32, #tpu.memory_space<hbm>>) target(%arg22 : memref<80x128xf32, #tpu.memory_space<vmem>>) offsets(%arg20 : memref<80xi32, #tpu.memory_space<vmem>>) semaphore(%arg24 : memref<!tpu.dma_semaphore, #tpu.memory_space<semaphore_mem>>)
      %dma_wait3A_78 = arith.constant 0 : i32
      %dma_wait3A_79 = arith.constant 0 : i32
      %dma_wait3A_80 = tpu.memref_slice %arg2[%dma_wait3A_78, %dma_wait3A_79] : memref<5000x128xf32, #tpu.memory_space<hbm>> -> memref<5000x128xf32, #tpu.memory_space<hbm>>
      tpu.wait_indirect_dma semaphore(%arg24 : memref<!tpu.dma_semaphore, #tpu.memory_space<semaphore_mem>>) src(%dma_wait3A_80 : memref<5000x128xf32, #tpu.memory_space<hbm>>) dst(%arg22 : memref<80x128xf32, #tpu.memory_space<vmem>>)
      %get3A_81 = arith.constant 0 : index
      %get3A_82 = tpu.vector_load %arg21[%get3A_81] {strides = array<i32>} : memref<80xi32, #tpu.memory_space<vmem>>, vector<16xi32>,
      tpu.vector_store_idx %arg38[%get3A_82], %broadcast_in_dim3A_5 {add = true} : memref<5120xf32, #tpu.memory_space<vmem>>[vector<16xi32>], vector<16xf32>,
      %get3A_83 = arith.constant 16 : index
      %get3A_84 = tpu.vector_load %arg21[%get3A_83] {strides = array<i32>} : memref<80xi32, #tpu.memory_space<vmem>>, vector<16xi32>,
      tpu.vector_store_idx %arg38[%get3A_84], %broadcast_in_dim3A_5 {add = true} : memref<5120xf32, #tpu.memory_space<vmem>>[vector<16xi32>], vector<16xf32>,
      %get3A_85 = arith.constant 32 : index
      %get3A_86 = tpu.vector_load %arg21[%get3A_85] {strides = array<i32>} : memref<80xi32, #tpu.memory_space<vmem>>, vector<16xi32>,
      tpu.vector_store_idx %arg38[%get3A_86], %broadcast_in_dim3A_5 {add = true} : memref<5120xf32, #tpu.memory_space<vmem>>[vector<16xi32>], vector<16xf32>,
      %get3A_87 = arith.constant 48 : index
      %get3A_88 = tpu.vector_load %arg21[%get3A_87] {strides = array<i32>} : memref<80xi32, #tpu.memory_space<vmem>>, vector<16xi32>,
      tpu.vector_store_idx %arg38[%get3A_88], %broadcast_in_dim3A_5 {add = true} : memref<5120xf32, #tpu.memory_space<vmem>>[vector<16xi32>], vector<16xf32>,
      %get3A_89 = arith.constant 64 : index
      %get3A_90 = tpu.vector_load %arg21[%get3A_89] {strides = array<i32>} : memref<80xi32, #tpu.memory_space<vmem>>, vector<16xi32>,
      tpu.vector_store_idx %arg38[%get3A_90], %broadcast_in_dim3A_5 {add = true} : memref<5120xf32, #tpu.memory_space<vmem>>[vector<16xi32>], vector<16xf32>,
      %dma_start3A_91 = arith.constant 0 : i32
      %dma_start3A_92 = arith.constant 0 : i32
      %dma_start3A_93 = tpu.memref_slice %arg13[%dma_start3A_91, %dma_start3A_92] : memref<5120x128xf32, #tpu.memory_space<vmem_shared>> -> memref<5120x128xf32, #tpu.memory_space<vmem_shared>>
      tpu.enqueue_indirect_dma source(%arg22 : memref<80x128xf32, #tpu.memory_space<vmem>>) target(%dma_start3A_93 : memref<5120x128xf32, #tpu.memory_space<vmem_shared>>) offsets(%arg21 : memref<80xi32, #tpu.memory_space<vmem>>) semaphore(%arg25 : memref<!tpu.dma_semaphore, #tpu.memory_space<semaphore_mem>>) {add = true}
      %add3A_94 = arith.constant 240 : i32
      %add3A_95 = arith.addi %mul3A_2, %add3A_94 : i32
      %dma_start3A_96 = tpu.memref_slice %arg4[%add3A_95] : memref<320000xi32, #tpu.memory_space<hbm>> -> memref<80xi32, #tpu.memory_space<hbm>>
      %dma_start3A_97 = tpu.memref_slice %arg4[%add3A_95] : memref<320000xi32, #tpu.memory_space<hbm>> -> memref<80xi32, #tpu.memory_space<hbm>>
      tpu.enqueue_dma source(%dma_start3A_97 : memref<80xi32, #tpu.memory_space<hbm>>) target(%arg32 : memref<80xi32, #tpu.memory_space<vmem>>) target_semaphore(%arg35 : memref<!tpu.dma_semaphore, #tpu.memory_space<semaphore_mem>>)
      %dma_start3A_98 = tpu.memref_slice %arg5[%add3A_95] : memref<320000xi32, #tpu.memory_space<hbm>> -> memref<80xi32, #tpu.memory_space<hbm>>
      %dma_start3A_99 = tpu.memref_slice %arg5[%add3A_95] : memref<320000xi32, #tpu.memory_space<hbm>> -> memref<80xi32, #tpu.memory_space<hbm>>
      tpu.enqueue_dma source(%dma_start3A_99 : memref<80xi32, #tpu.memory_space<hbm>>) target(%arg33 : memref<80xi32, #tpu.memory_space<vmem>>) target_semaphore(%arg35 : memref<!tpu.dma_semaphore, #tpu.memory_space<semaphore_mem>>)
      %add3A_100 = arith.constant 160 : i32
      %add3A_101 = arith.addi %mul3A_2, %add3A_100 : i32
      %dma_wait3A_102 = tpu.memref_slice %arg4[%add3A_101] : memref<320000xi32, #tpu.memory_space<hbm>> -> memref<80xi32, #tpu.memory_space<hbm>>
      %dma_wait3A_103 = tpu.memref_slice %arg4[%add3A_101] : memref<320000xi32, #tpu.memory_space<hbm>> -> memref<80xi32, #tpu.memory_space<hbm>>
      tpu.wait_dma2 semaphore(%arg29 : memref<!tpu.dma_semaphore, #tpu.memory_space<semaphore_mem>>) src(%dma_wait3A_103 : memref<80xi32, #tpu.memory_space<hbm>>) dst(%arg26 : memref<80xi32, #tpu.memory_space<vmem>>)
      %dma_wait3A_104 = tpu.memref_slice %arg5[%add3A_101] : memref<320000xi32, #tpu.memory_space<hbm>> -> memref<80xi32, #tpu.memory_space<hbm>>
      %dma_wait3A_105 = tpu.memref_slice %arg5[%add3A_101] : memref<320000xi32, #tpu.memory_space<hbm>> -> memref<80xi32, #tpu.memory_space<hbm>>
      tpu.wait_dma2 semaphore(%arg29 : memref<!tpu.dma_semaphore, #tpu.memory_space<semaphore_mem>>) src(%dma_wait3A_105 : memref<80xi32, #tpu.memory_space<hbm>>) dst(%arg27 : memref<80xi32, #tpu.memory_space<vmem>>)
      %dma_start3A_106 = arith.constant 0 : i32
      %dma_start3A_107 = arith.constant 0 : i32
      %dma_start3A_108 = tpu.memref_slice %arg2[%dma_start3A_106, %dma_start3A_107] : memref<5000x128xf32, #tpu.memory_space<hbm>> -> memref<5000x128xf32, #tpu.memory_space<hbm>>
      tpu.enqueue_indirect_dma source(%dma_start3A_108 : memref<5000x128xf32, #tpu.memory_space<hbm>>) target(%arg28 : memref<80x128xf32, #tpu.memory_space<vmem>>) offsets(%arg26 : memref<80xi32, #tpu.memory_space<vmem>>) semaphore(%arg30 : memref<!tpu.dma_semaphore, #tpu.memory_space<semaphore_mem>>)
      %scan3A_109 = arith.constant 0 : i32
      %scan3A_110 = arith.constant 61 : i32
      %scan3A_111 = arith.addi %scan3A_109, %scan3A_110 : i32
      %scan3A_112 = arith.constant 1 : i32
      scf.for %scan3A_235 = %scan3A_109 to %scan3A_111 step %scan3A_112  : i32 {
        %mul3A_236 = arith.constant 4 : i32
        %mul3A_237 = arith.muli %mul3A_236, %scan3A_235 : i32
        %add3A_238 = arith.constant 2 : i32
        %add3A_239 = arith.addi %mul3A_237, %add3A_238 : i32
        %add3A_240 = arith.constant 0 : i32
        %add3A_241 = arith.addi %add3A_239, %add3A_240 : i32
        %dma_wait3A_242 = arith.constant 0 : i32
        %dma_wait3A_243 = arith.constant 0 : i32
        %dma_wait3A_244 = tpu.memref_slice %arg2[%dma_wait3A_242, %dma_wait3A_243] : memref<5000x128xf32, #tpu.memory_space<hbm>> -> memref<5000x128xf32, #tpu.memory_space<hbm>>
        tpu.wait_indirect_dma semaphore(%arg30 : memref<!tpu.dma_semaphore, #tpu.memory_space<semaphore_mem>>) src(%dma_wait3A_244 : memref<5000x128xf32, #tpu.memory_space<hbm>>) dst(%arg28 : memref<80x128xf32, #tpu.memory_space<vmem>>)
        %get3A_245 = arith.constant 0 : index
        %get3A_246 = tpu.vector_load %arg27[%get3A_245] {strides = array<i32>} : memref<80xi32, #tpu.memory_space<vmem>>, vector<16xi32>,
        tpu.vector_store_idx %arg38[%get3A_246], %broadcast_in_dim3A_5 {add = true} : memref<5120xf32, #tpu.memory_space<vmem>>[vector<16xi32>], vector<16xf32>,
        %get3A_247 = arith.constant 16 : index
        %get3A_248 = tpu.vector_load %arg27[%get3A_247] {strides = array<i32>} : memref<80xi32, #tpu.memory_space<vmem>>, vector<16xi32>,
        tpu.vector_store_idx %arg38[%get3A_248], %broadcast_in_dim3A_5 {add = true} : memref<5120xf32, #tpu.memory_space<vmem>>[vector<16xi32>], vector<16xf32>,
        %get3A_249 = arith.constant 32 : index
        %get3A_250 = tpu.vector_load %arg27[%get3A_249] {strides = array<i32>} : memref<80xi32, #tpu.memory_space<vmem>>, vector<16xi32>,
        tpu.vector_store_idx %arg38[%get3A_250], %broadcast_in_dim3A_5 {add = true} : memref<5120xf32, #tpu.memory_space<vmem>>[vector<16xi32>], vector<16xf32>,
        %get3A_251 = arith.constant 48 : index
        %get3A_252 = tpu.vector_load %arg27[%get3A_251] {strides = array<i32>} : memref<80xi32, #tpu.memory_space<vmem>>, vector<16xi32>,
        tpu.vector_store_idx %arg38[%get3A_252], %broadcast_in_dim3A_5 {add = true} : memref<5120xf32, #tpu.memory_space<vmem>>[vector<16xi32>], vector<16xf32>,
        %get3A_253 = arith.constant 64 : index
        %get3A_254 = tpu.vector_load %arg27[%get3A_253] {strides = array<i32>} : memref<80xi32, #tpu.memory_space<vmem>>, vector<16xi32>,
        tpu.vector_store_idx %arg38[%get3A_254], %broadcast_in_dim3A_5 {add = true} : memref<5120xf32, #tpu.memory_space<vmem>>[vector<16xi32>], vector<16xf32>,
        %dma_start3A_255 = arith.constant 0 : i32
        %dma_start3A_256 = arith.constant 0 : i32
        %dma_start3A_257 = tpu.memref_slice %arg13[%dma_start3A_255, %dma_start3A_256] : memref<5120x128xf32, #tpu.memory_space<vmem_shared>> -> memref<5120x128xf32, #tpu.memory_space<vmem_shared>>
        tpu.enqueue_indirect_dma source(%arg28 : memref<80x128xf32, #tpu.memory_space<vmem>>) target(%dma_start3A_257 : memref<5120x128xf32, #tpu.memory_space<vmem_shared>>) offsets(%arg27 : memref<80xi32, #tpu.memory_space<vmem>>) semaphore(%arg31 : memref<!tpu.dma_semaphore, #tpu.memory_space<semaphore_mem>>) {add = true}
        %dma_wait3A_258 = arith.constant 0 : i32
        %dma_wait3A_259 = arith.constant 0 : i32
        %dma_wait3A_260 = tpu.memref_slice %arg13[%dma_wait3A_258, %dma_wait3A_259] : memref<5120x128xf32, #tpu.memory_space<vmem_shared>> -> memref<5120x128xf32, #tpu.memory_space<vmem_shared>>
        tpu.wait_indirect_dma semaphore(%arg19 : memref<!tpu.dma_semaphore, #tpu.memory_space<semaphore_mem>>) src(%arg16 : memref<80x128xf32, #tpu.memory_space<vmem>>) dst(%dma_wait3A_260 : memref<5120x128xf32, #tpu.memory_space<vmem_shared>>)
        %add3A_261 = arith.constant 2 : i32
        %add3A_262 = arith.addi %add3A_241, %add3A_261 : i32
        %mul3A_263 = arith.constant 80 : i32
        %mul3A_264 = arith.muli %add3A_262, %mul3A_263 : i32
        %add3A_265 = arith.addi %mul3A_2, %mul3A_264 : i32
        %dma_start3A_266 = tpu.memref_slice %arg4[%add3A_265] : memref<320000xi32, #tpu.memory_space<hbm>> -> memref<80xi32, #tpu.memory_space<hbm>>
        %dma_start3A_267 = tpu.memref_slice %arg4[%add3A_265] : memref<320000xi32, #tpu.memory_space<hbm>> -> memref<80xi32, #tpu.memory_space<hbm>>
        tpu.enqueue_dma source(%dma_start3A_267 : memref<80xi32, #tpu.memory_space<hbm>>) target(%arg14 : memref<80xi32, #tpu.memory_space<vmem>>) target_semaphore(%arg17 : memref<!tpu.dma_semaphore, #tpu.memory_space<semaphore_mem>>)
        %dma_start3A_268 = tpu.memref_slice %arg5[%add3A_265] : memref<320000xi32, #tpu.memory_space<hbm>> -> memref<80xi32, #tpu.memory_space<hbm>>
        %dma_start3A_269 = tpu.memref_slice %arg5[%add3A_265] : memref<320000xi32, #tpu.memory_space<hbm>> -> memref<80xi32, #tpu.memory_space<hbm>>
        tpu.enqueue_dma source(%dma_start3A_269 : memref<80xi32, #tpu.memory_space<hbm>>) target(%arg15 : memref<80xi32, #tpu.memory_space<vmem>>) target_semaphore(%arg17 : memref<!tpu.dma_semaphore, #tpu.memory_space<semaphore_mem>>)
        %add3A_270 = arith.constant 1 : i32
        %add3A_271 = arith.addi %add3A_241, %add3A_270 : i32
        %mul3A_272 = arith.constant 80 : i32
        %mul3A_273 = arith.muli %add3A_271, %mul3A_272 : i32
        %add3A_274 = arith.addi %mul3A_2, %mul3A_273 : i32
        %dma_wait3A_275 = tpu.memref_slice %arg4[%add3A_274] : memref<320000xi32, #tpu.memory_space<hbm>> -> memref<80xi32, #tpu.memory_space<hbm>>
        %dma_wait3A_276 = tpu.memref_slice %arg4[%add3A_274] : memref<320000xi32, #tpu.memory_space<hbm>> -> memref<80xi32, #tpu.memory_space<hbm>>
        tpu.wait_dma2 semaphore(%arg35 : memref<!tpu.dma_semaphore, #tpu.memory_space<semaphore_mem>>) src(%dma_wait3A_276 : memref<80xi32, #tpu.memory_space<hbm>>) dst(%arg32 : memref<80xi32, #tpu.memory_space<vmem>>)
        %dma_wait3A_277 = tpu.memref_slice %arg5[%add3A_274] : memref<320000xi32, #tpu.memory_space<hbm>> -> memref<80xi32, #tpu.memory_space<hbm>>
        %dma_wait3A_278 = tpu.memref_slice %arg5[%add3A_274] : memref<320000xi32, #tpu.memory_space<hbm>> -> memref<80xi32, #tpu.memory_space<hbm>>
        tpu.wait_dma2 semaphore(%arg35 : memref<!tpu.dma_semaphore, #tpu.memory_space<semaphore_mem>>) src(%dma_wait3A_278 : memref<80xi32, #tpu.memory_space<hbm>>) dst(%arg33 : memref<80xi32, #tpu.memory_space<vmem>>)
        %dma_start3A_279 = arith.constant 0 : i32
        %dma_start3A_280 = arith.constant 0 : i32
        %dma_start3A_281 = tpu.memref_slice %arg2[%dma_start3A_279, %dma_start3A_280] : memref<5000x128xf32, #tpu.memory_space<hbm>> -> memref<5000x128xf32, #tpu.memory_space<hbm>>
        tpu.enqueue_indirect_dma source(%dma_start3A_281 : memref<5000x128xf32, #tpu.memory_space<hbm>>) target(%arg34 : memref<80x128xf32, #tpu.memory_space<vmem>>) offsets(%arg32 : memref<80xi32, #tpu.memory_space<vmem>>) semaphore(%arg36 : memref<!tpu.dma_semaphore, #tpu.memory_space<semaphore_mem>>)
        %add3A_282 = arith.constant 1 : i32
        %add3A_283 = arith.addi %add3A_239, %add3A_282 : i32
        %dma_wait3A_284 = arith.constant 0 : i32
        %dma_wait3A_285 = arith.constant 0 : i32
        %dma_wait3A_286 = tpu.memref_slice %arg2[%dma_wait3A_284, %dma_wait3A_285] : memref<5000x128xf32, #tpu.memory_space<hbm>> -> memref<5000x128xf32, #tpu.memory_space<hbm>>
        tpu.wait_indirect_dma semaphore(%arg36 : memref<!tpu.dma_semaphore, #tpu.memory_space<semaphore_mem>>) src(%dma_wait3A_286 : memref<5000x128xf32, #tpu.memory_space<hbm>>) dst(%arg34 : memref<80x128xf32, #tpu.memory_space<vmem>>)
        %get3A_287 = arith.constant 0 : index
        %get3A_288 = tpu.vector_load %arg33[%get3A_287] {strides = array<i32>} : memref<80xi32, #tpu.memory_space<vmem>>, vector<16xi32>,
        tpu.vector_store_idx %arg38[%get3A_288], %broadcast_in_dim3A_5 {add = true} : memref<5120xf32, #tpu.memory_space<vmem>>[vector<16xi32>], vector<16xf32>,
        %get3A_289 = arith.constant 16 : index
        %get3A_290 = tpu.vector_load %arg33[%get3A_289] {strides = array<i32>} : memref<80xi32, #tpu.memory_space<vmem>>, vector<16xi32>,
        tpu.vector_store_idx %arg38[%get3A_290], %broadcast_in_dim3A_5 {add = true} : memref<5120xf32, #tpu.memory_space<vmem>>[vector<16xi32>], vector<16xf32>,
        %get3A_291 = arith.constant 32 : index
        %get3A_292 = tpu.vector_load %arg33[%get3A_291] {strides = array<i32>} : memref<80xi32, #tpu.memory_space<vmem>>, vector<16xi32>,
        tpu.vector_store_idx %arg38[%get3A_292], %broadcast_in_dim3A_5 {add = true} : memref<5120xf32, #tpu.memory_space<vmem>>[vector<16xi32>], vector<16xf32>,
        %get3A_293 = arith.constant 48 : index
        %get3A_294 = tpu.vector_load %arg33[%get3A_293] {strides = array<i32>} : memref<80xi32, #tpu.memory_space<vmem>>, vector<16xi32>,
        tpu.vector_store_idx %arg38[%get3A_294], %broadcast_in_dim3A_5 {add = true} : memref<5120xf32, #tpu.memory_space<vmem>>[vector<16xi32>], vector<16xf32>,
        %get3A_295 = arith.constant 64 : index
        %get3A_296 = tpu.vector_load %arg33[%get3A_295] {strides = array<i32>} : memref<80xi32, #tpu.memory_space<vmem>>, vector<16xi32>,
        tpu.vector_store_idx %arg38[%get3A_296], %broadcast_in_dim3A_5 {add = true} : memref<5120xf32, #tpu.memory_space<vmem>>[vector<16xi32>], vector<16xf32>,
        %dma_start3A_297 = arith.constant 0 : i32
        %dma_start3A_298 = arith.constant 0 : i32
        %dma_start3A_299 = tpu.memref_slice %arg13[%dma_start3A_297, %dma_start3A_298] : memref<5120x128xf32, #tpu.memory_space<vmem_shared>> -> memref<5120x128xf32, #tpu.memory_space<vmem_shared>>
        tpu.enqueue_indirect_dma source(%arg34 : memref<80x128xf32, #tpu.memory_space<vmem>>) target(%dma_start3A_299 : memref<5120x128xf32, #tpu.memory_space<vmem_shared>>) offsets(%arg33 : memref<80xi32, #tpu.memory_space<vmem>>) semaphore(%arg37 : memref<!tpu.dma_semaphore, #tpu.memory_space<semaphore_mem>>) {add = true}
        %dma_wait3A_300 = arith.constant 0 : i32
        %dma_wait3A_301 = arith.constant 0 : i32
        %dma_wait3A_302 = tpu.memref_slice %arg13[%dma_wait3A_300, %dma_wait3A_301] : memref<5120x128xf32, #tpu.memory_space<vmem_shared>> -> memref<5120x128xf32, #tpu.memory_space<vmem_shared>>
        tpu.wait_indirect_dma semaphore(%arg25 : memref<!tpu.dma_semaphore, #tpu.memory_space<semaphore_mem>>) src(%arg22 : memref<80x128xf32, #tpu.memory_space<vmem>>) dst(%dma_wait3A_302 : memref<5120x128xf32, #tpu.memory_space<vmem_shared>>)
        %add3A_303 = arith.constant 2 : i32
        %add3A_304 = arith.addi %add3A_283, %add3A_303 : i32
        %mul3A_305 = arith.constant 80 : i32
        %mul3A_306 = arith.muli %add3A_304, %mul3A_305 : i32
        %add3A_307 = arith.addi %mul3A_2, %mul3A_306 : i32
        %dma_start3A_308 = tpu.memref_slice %arg4[%add3A_307] : memref<320000xi32, #tpu.memory_space<hbm>> -> memref<80xi32, #tpu.memory_space<hbm>>
        %dma_start3A_309 = tpu.memref_slice %arg4[%add3A_307] : memref<320000xi32, #tpu.memory_space<hbm>> -> memref<80xi32, #tpu.memory_space<hbm>>
        tpu.enqueue_dma source(%dma_start3A_309 : memref<80xi32, #tpu.memory_space<hbm>>) target(%arg20 : memref<80xi32, #tpu.memory_space<vmem>>) target_semaphore(%arg23 : memref<!tpu.dma_semaphore, #tpu.memory_space<semaphore_mem>>)
        %dma_start3A_310 = tpu.memref_slice %arg5[%add3A_307] : memref<320000xi32, #tpu.memory_space<hbm>> -> memref<80xi32, #tpu.memory_space<hbm>>
        %dma_start3A_311 = tpu.memref_slice %arg5[%add3A_307] : memref<320000xi32, #tpu.memory_space<hbm>> -> memref<80xi32, #tpu.memory_space<hbm>>
        tpu.enqueue_dma source(%dma_start3A_311 : memref<80xi32, #tpu.memory_space<hbm>>) target(%arg21 : memref<80xi32, #tpu.memory_space<vmem>>) target_semaphore(%arg23 : memref<!tpu.dma_semaphore, #tpu.memory_space<semaphore_mem>>)
        %add3A_312 = arith.constant 1 : i32
        %add3A_313 = arith.addi %add3A_283, %add3A_312 : i32
        %mul3A_314 = arith.constant 80 : i32
        %mul3A_315 = arith.muli %add3A_313, %mul3A_314 : i32
        %add3A_316 = arith.addi %mul3A_2, %mul3A_315 : i32
        %dma_wait3A_317 = tpu.memref_slice %arg4[%add3A_316] : memref<320000xi32, #tpu.memory_space<hbm>> -> memref<80xi32, #tpu.memory_space<hbm>>
        %dma_wait3A_318 = tpu.memref_slice %arg4[%add3A_316] : memref<320000xi32, #tpu.memory_space<hbm>> -> memref<80xi32, #tpu.memory_space<hbm>>
        tpu.wait_dma2 semaphore(%arg17 : memref<!tpu.dma_semaphore, #tpu.memory_space<semaphore_mem>>) src(%dma_wait3A_318 : memref<80xi32, #tpu.memory_space<hbm>>) dst(%arg14 : memref<80xi32, #tpu.memory_space<vmem>>)
        %dma_wait3A_319 = tpu.memref_slice %arg5[%add3A_316] : memref<320000xi32, #tpu.memory_space<hbm>> -> memref<80xi32, #tpu.memory_space<hbm>>
        %dma_wait3A_320 = tpu.memref_slice %arg5[%add3A_316] : memref<320000xi32, #tpu.memory_space<hbm>> -> memref<80xi32, #tpu.memory_space<hbm>>
        tpu.wait_dma2 semaphore(%arg17 : memref<!tpu.dma_semaphore, #tpu.memory_space<semaphore_mem>>) src(%dma_wait3A_320 : memref<80xi32, #tpu.memory_space<hbm>>) dst(%arg15 : memref<80xi32, #tpu.memory_space<vmem>>)
        %dma_start3A_321 = arith.constant 0 : i32
        %dma_start3A_322 = arith.constant 0 : i32
        %dma_start3A_323 = tpu.memref_slice %arg2[%dma_start3A_321, %dma_start3A_322] : memref<5000x128xf32, #tpu.memory_space<hbm>> -> memref<5000x128xf32, #tpu.memory_space<hbm>>
        tpu.enqueue_indirect_dma source(%dma_start3A_323 : memref<5000x128xf32, #tpu.memory_space<hbm>>) target(%arg16 : memref<80x128xf32, #tpu.memory_space<vmem>>) offsets(%arg14 : memref<80xi32, #tpu.memory_space<vmem>>) semaphore(%arg18 : memref<!tpu.dma_semaphore, #tpu.memory_space<semaphore_mem>>)
        %add3A_324 = arith.constant 2 : i32
        %add3A_325 = arith.addi %add3A_239, %add3A_324 : i32
        %dma_wait3A_326 = arith.constant 0 : i32
        %dma_wait3A_327 = arith.constant 0 : i32
        %dma_wait3A_328 = tpu.memref_slice %arg2[%dma_wait3A_326, %dma_wait3A_327] : memref<5000x128xf32, #tpu.memory_space<hbm>> -> memref<5000x128xf32, #tpu.memory_space<hbm>>
        tpu.wait_indirect_dma semaphore(%arg18 : memref<!tpu.dma_semaphore, #tpu.memory_space<semaphore_mem>>) src(%dma_wait3A_328 : memref<5000x128xf32, #tpu.memory_space<hbm>>) dst(%arg16 : memref<80x128xf32, #tpu.memory_space<vmem>>)
        %get3A_329 = arith.constant 0 : index
        %get3A_330 = tpu.vector_load %arg15[%get3A_329] {strides = array<i32>} : memref<80xi32, #tpu.memory_space<vmem>>, vector<16xi32>,
        tpu.vector_store_idx %arg38[%get3A_330], %broadcast_in_dim3A_5 {add = true} : memref<5120xf32, #tpu.memory_space<vmem>>[vector<16xi32>], vector<16xf32>,
        %get3A_331 = arith.constant 16 : index
        %get3A_332 = tpu.vector_load %arg15[%get3A_331] {strides = array<i32>} : memref<80xi32, #tpu.memory_space<vmem>>, vector<16xi32>,
        tpu.vector_store_idx %arg38[%get3A_332], %broadcast_in_dim3A_5 {add = true} : memref<5120xf32, #tpu.memory_space<vmem>>[vector<16xi32>], vector<16xf32>,
        %get3A_333 = arith.constant 32 : index
        %get3A_334 = tpu.vector_load %arg15[%get3A_333] {strides = array<i32>} : memref<80xi32, #tpu.memory_space<vmem>>, vector<16xi32>,
        tpu.vector_store_idx %arg38[%get3A_334], %broadcast_in_dim3A_5 {add = true} : memref<5120xf32, #tpu.memory_space<vmem>>[vector<16xi32>], vector<16xf32>,
        %get3A_335 = arith.constant 48 : index
        %get3A_336 = tpu.vector_load %arg15[%get3A_335] {strides = array<i32>} : memref<80xi32, #tpu.memory_space<vmem>>, vector<16xi32>,
        tpu.vector_store_idx %arg38[%get3A_336], %broadcast_in_dim3A_5 {add = true} : memref<5120xf32, #tpu.memory_space<vmem>>[vector<16xi32>], vector<16xf32>,
        %get3A_337 = arith.constant 64 : index
        %get3A_338 = tpu.vector_load %arg15[%get3A_337] {strides = array<i32>} : memref<80xi32, #tpu.memory_space<vmem>>, vector<16xi32>,
        tpu.vector_store_idx %arg38[%get3A_338], %broadcast_in_dim3A_5 {add = true} : memref<5120xf32, #tpu.memory_space<vmem>>[vector<16xi32>], vector<16xf32>,
        %dma_start3A_339 = arith.constant 0 : i32
        %dma_start3A_340 = arith.constant 0 : i32
        %dma_start3A_341 = tpu.memref_slice %arg13[%dma_start3A_339, %dma_start3A_340] : memref<5120x128xf32, #tpu.memory_space<vmem_shared>> -> memref<5120x128xf32, #tpu.memory_space<vmem_shared>>
        tpu.enqueue_indirect_dma source(%arg16 : memref<80x128xf32, #tpu.memory_space<vmem>>) target(%dma_start3A_341 : memref<5120x128xf32, #tpu.memory_space<vmem_shared>>) offsets(%arg15 : memref<80xi32, #tpu.memory_space<vmem>>) semaphore(%arg19 : memref<!tpu.dma_semaphore, #tpu.memory_space<semaphore_mem>>) {add = true}
        %dma_wait3A_342 = arith.constant 0 : i32
        %dma_wait3A_343 = arith.constant 0 : i32
        %dma_wait3A_344 = tpu.memref_slice %arg13[%dma_wait3A_342, %dma_wait3A_343] : memref<5120x128xf32, #tpu.memory_space<vmem_shared>> -> memref<5120x128xf32, #tpu.memory_space<vmem_shared>>
        tpu.wait_indirect_dma semaphore(%arg31 : memref<!tpu.dma_semaphore, #tpu.memory_space<semaphore_mem>>) src(%arg28 : memref<80x128xf32, #tpu.memory_space<vmem>>) dst(%dma_wait3A_344 : memref<5120x128xf32, #tpu.memory_space<vmem_shared>>)
        %add3A_345 = arith.constant 2 : i32
        %add3A_346 = arith.addi %add3A_325, %add3A_345 : i32
        %mul3A_347 = arith.constant 80 : i32
        %mul3A_348 = arith.muli %add3A_346, %mul3A_347 : i32
        %add3A_349 = arith.addi %mul3A_2, %mul3A_348 : i32
        %dma_start3A_350 = tpu.memref_slice %arg4[%add3A_349] : memref<320000xi32, #tpu.memory_space<hbm>> -> memref<80xi32, #tpu.memory_space<hbm>>
        %dma_start3A_351 = tpu.memref_slice %arg4[%add3A_349] : memref<320000xi32, #tpu.memory_space<hbm>> -> memref<80xi32, #tpu.memory_space<hbm>>
        tpu.enqueue_dma source(%dma_start3A_351 : memref<80xi32, #tpu.memory_space<hbm>>) target(%arg26 : memref<80xi32, #tpu.memory_space<vmem>>) target_semaphore(%arg29 : memref<!tpu.dma_semaphore, #tpu.memory_space<semaphore_mem>>)
        %dma_start3A_352 = tpu.memref_slice %arg5[%add3A_349] : memref<320000xi32, #tpu.memory_space<hbm>> -> memref<80xi32, #tpu.memory_space<hbm>>
        %dma_start3A_353 = tpu.memref_slice %arg5[%add3A_349] : memref<320000xi32, #tpu.memory_space<hbm>> -> memref<80xi32, #tpu.memory_space<hbm>>
        tpu.enqueue_dma source(%dma_start3A_353 : memref<80xi32, #tpu.memory_space<hbm>>) target(%arg27 : memref<80xi32, #tpu.memory_space<vmem>>) target_semaphore(%arg29 : memref<!tpu.dma_semaphore, #tpu.memory_space<semaphore_mem>>)
        %add3A_354 = arith.constant 1 : i32
        %add3A_355 = arith.addi %add3A_325, %add3A_354 : i32
        %mul3A_356 = arith.constant 80 : i32
        %mul3A_357 = arith.muli %add3A_355, %mul3A_356 : i32
        %add3A_358 = arith.addi %mul3A_2, %mul3A_357 : i32
        %dma_wait3A_359 = tpu.memref_slice %arg4[%add3A_358] : memref<320000xi32, #tpu.memory_space<hbm>> -> memref<80xi32, #tpu.memory_space<hbm>>
        %dma_wait3A_360 = tpu.memref_slice %arg4[%add3A_358] : memref<320000xi32, #tpu.memory_space<hbm>> -> memref<80xi32, #tpu.memory_space<hbm>>
        tpu.wait_dma2 semaphore(%arg23 : memref<!tpu.dma_semaphore, #tpu.memory_space<semaphore_mem>>) src(%dma_wait3A_360 : memref<80xi32, #tpu.memory_space<hbm>>) dst(%arg20 : memref<80xi32, #tpu.memory_space<vmem>>)
        %dma_wait3A_361 = tpu.memref_slice %arg5[%add3A_358] : memref<320000xi32, #tpu.memory_space<hbm>> -> memref<80xi32, #tpu.memory_space<hbm>>
        %dma_wait3A_362 = tpu.memref_slice %arg5[%add3A_358] : memref<320000xi32, #tpu.memory_space<hbm>> -> memref<80xi32, #tpu.memory_space<hbm>>
        tpu.wait_dma2 semaphore(%arg23 : memref<!tpu.dma_semaphore, #tpu.memory_space<semaphore_mem>>) src(%dma_wait3A_362 : memref<80xi32, #tpu.memory_space<hbm>>) dst(%arg21 : memref<80xi32, #tpu.memory_space<vmem>>)
        %dma_start3A_363 = arith.constant 0 : i32
        %dma_start3A_364 = arith.constant 0 : i32
        %dma_start3A_365 = tpu.memref_slice %arg2[%dma_start3A_363, %dma_start3A_364] : memref<5000x128xf32, #tpu.memory_space<hbm>> -> memref<5000x128xf32, #tpu.memory_space<hbm>>
        tpu.enqueue_indirect_dma source(%dma_start3A_365 : memref<5000x128xf32, #tpu.memory_space<hbm>>) target(%arg22 : memref<80x128xf32, #tpu.memory_space<vmem>>) offsets(%arg20 : memref<80xi32, #tpu.memory_space<vmem>>) semaphore(%arg24 : memref<!tpu.dma_semaphore, #tpu.memory_space<semaphore_mem>>)
        %add3A_366 = arith.constant 3 : i32
        %add3A_367 = arith.addi %add3A_239, %add3A_366 : i32
        %dma_wait3A_368 = arith.constant 0 : i32
        %dma_wait3A_369 = arith.constant 0 : i32
        %dma_wait3A_370 = tpu.memref_slice %arg2[%dma_wait3A_368, %dma_wait3A_369] : memref<5000x128xf32, #tpu.memory_space<hbm>> -> memref<5000x128xf32, #tpu.memory_space<hbm>>
        tpu.wait_indirect_dma semaphore(%arg24 : memref<!tpu.dma_semaphore, #tpu.memory_space<semaphore_mem>>) src(%dma_wait3A_370 : memref<5000x128xf32, #tpu.memory_space<hbm>>) dst(%arg22 : memref<80x128xf32, #tpu.memory_space<vmem>>)
        %get3A_371 = arith.constant 0 : index
        %get3A_372 = tpu.vector_load %arg21[%get3A_371] {strides = array<i32>} : memref<80xi32, #tpu.memory_space<vmem>>, vector<16xi32>,
        tpu.vector_store_idx %arg38[%get3A_372], %broadcast_in_dim3A_5 {add = true} : memref<5120xf32, #tpu.memory_space<vmem>>[vector<16xi32>], vector<16xf32>,
        %get3A_373 = arith.constant 16 : index
        %get3A_374 = tpu.vector_load %arg21[%get3A_373] {strides = array<i32>} : memref<80xi32, #tpu.memory_space<vmem>>, vector<16xi32>,
        tpu.vector_store_idx %arg38[%get3A_374], %broadcast_in_dim3A_5 {add = true} : memref<5120xf32, #tpu.memory_space<vmem>>[vector<16xi32>], vector<16xf32>,
        %get3A_375 = arith.constant 32 : index
        %get3A_376 = tpu.vector_load %arg21[%get3A_375] {strides = array<i32>} : memref<80xi32, #tpu.memory_space<vmem>>, vector<16xi32>,
        tpu.vector_store_idx %arg38[%get3A_376], %broadcast_in_dim3A_5 {add = true} : memref<5120xf32, #tpu.memory_space<vmem>>[vector<16xi32>], vector<16xf32>,
        %get3A_377 = arith.constant 48 : index
        %get3A_378 = tpu.vector_load %arg21[%get3A_377] {strides = array<i32>} : memref<80xi32, #tpu.memory_space<vmem>>, vector<16xi32>,
        tpu.vector_store_idx %arg38[%get3A_378], %broadcast_in_dim3A_5 {add = true} : memref<5120xf32, #tpu.memory_space<vmem>>[vector<16xi32>], vector<16xf32>,
        %get3A_379 = arith.constant 64 : index
        %get3A_380 = tpu.vector_load %arg21[%get3A_379] {strides = array<i32>} : memref<80xi32, #tpu.memory_space<vmem>>, vector<16xi32>,
        tpu.vector_store_idx %arg38[%get3A_380], %broadcast_in_dim3A_5 {add = true} : memref<5120xf32, #tpu.memory_space<vmem>>[vector<16xi32>], vector<16xf32>,
        %dma_start3A_381 = arith.constant 0 : i32
        %dma_start3A_382 = arith.constant 0 : i32
        %dma_start3A_383 = tpu.memref_slice %arg13[%dma_start3A_381, %dma_start3A_382] : memref<5120x128xf32, #tpu.memory_space<vmem_shared>> -> memref<5120x128xf32, #tpu.memory_space<vmem_shared>>
        tpu.enqueue_indirect_dma source(%arg22 : memref<80x128xf32, #tpu.memory_space<vmem>>) target(%dma_start3A_383 : memref<5120x128xf32, #tpu.memory_space<vmem_shared>>) offsets(%arg21 : memref<80xi32, #tpu.memory_space<vmem>>) semaphore(%arg25 : memref<!tpu.dma_semaphore, #tpu.memory_space<semaphore_mem>>) {add = true}
        %dma_wait3A_384 = arith.constant 0 : i32
        %dma_wait3A_385 = arith.constant 0 : i32
        %dma_wait3A_386 = tpu.memref_slice %arg13[%dma_wait3A_384, %dma_wait3A_385] : memref<5120x128xf32, #tpu.memory_space<vmem_shared>> -> memref<5120x128xf32, #tpu.memory_space<vmem_shared>>
        tpu.wait_indirect_dma semaphore(%arg37 : memref<!tpu.dma_semaphore, #tpu.memory_space<semaphore_mem>>) src(%arg34 : memref<80x128xf32, #tpu.memory_space<vmem>>) dst(%dma_wait3A_386 : memref<5120x128xf32, #tpu.memory_space<vmem_shared>>)
        %add3A_387 = arith.constant 2 : i32
        %add3A_388 = arith.addi %add3A_367, %add3A_387 : i32
        %mul3A_389 = arith.constant 80 : i32
        %mul3A_390 = arith.muli %add3A_388, %mul3A_389 : i32
        %add3A_391 = arith.addi %mul3A_2, %mul3A_390 : i32
        %dma_start3A_392 = tpu.memref_slice %arg4[%add3A_391] : memref<320000xi32, #tpu.memory_space<hbm>> -> memref<80xi32, #tpu.memory_space<hbm>>
        %dma_start3A_393 = tpu.memref_slice %arg4[%add3A_391] : memref<320000xi32, #tpu.memory_space<hbm>> -> memref<80xi32, #tpu.memory_space<hbm>>
        tpu.enqueue_dma source(%dma_start3A_393 : memref<80xi32, #tpu.memory_space<hbm>>) target(%arg32 : memref<80xi32, #tpu.memory_space<vmem>>) target_semaphore(%arg35 : memref<!tpu.dma_semaphore, #tpu.memory_space<semaphore_mem>>)
        %dma_start3A_394 = tpu.memref_slice %arg5[%add3A_391] : memref<320000xi32, #tpu.memory_space<hbm>> -> memref<80xi32, #tpu.memory_space<hbm>>
        %dma_start3A_395 = tpu.memref_slice %arg5[%add3A_391] : memref<320000xi32, #tpu.memory_space<hbm>> -> memref<80xi32, #tpu.memory_space<hbm>>
        tpu.enqueue_dma source(%dma_start3A_395 : memref<80xi32, #tpu.memory_space<hbm>>) target(%arg33 : memref<80xi32, #tpu.memory_space<vmem>>) target_semaphore(%arg35 : memref<!tpu.dma_semaphore, #tpu.memory_space<semaphore_mem>>)
        %add3A_396 = arith.constant 1 : i32
        %add3A_397 = arith.addi %add3A_367, %add3A_396 : i32
        %mul3A_398 = arith.constant 80 : i32
        %mul3A_399 = arith.muli %add3A_397, %mul3A_398 : i32
        %add3A_400 = arith.addi %mul3A_2, %mul3A_399 : i32
        %dma_wait3A_401 = tpu.memref_slice %arg4[%add3A_400] : memref<320000xi32, #tpu.memory_space<hbm>> -> memref<80xi32, #tpu.memory_space<hbm>>
        %dma_wait3A_402 = tpu.memref_slice %arg4[%add3A_400] : memref<320000xi32, #tpu.memory_space<hbm>> -> memref<80xi32, #tpu.memory_space<hbm>>
        tpu.wait_dma2 semaphore(%arg29 : memref<!tpu.dma_semaphore, #tpu.memory_space<semaphore_mem>>) src(%dma_wait3A_402 : memref<80xi32, #tpu.memory_space<hbm>>) dst(%arg26 : memref<80xi32, #tpu.memory_space<vmem>>)
        %dma_wait3A_403 = tpu.memref_slice %arg5[%add3A_400] : memref<320000xi32, #tpu.memory_space<hbm>> -> memref<80xi32, #tpu.memory_space<hbm>>
        %dma_wait3A_404 = tpu.memref_slice %arg5[%add3A_400] : memref<320000xi32, #tpu.memory_space<hbm>> -> memref<80xi32, #tpu.memory_space<hbm>>
        tpu.wait_dma2 semaphore(%arg29 : memref<!tpu.dma_semaphore, #tpu.memory_space<semaphore_mem>>) src(%dma_wait3A_404 : memref<80xi32, #tpu.memory_space<hbm>>) dst(%arg27 : memref<80xi32, #tpu.memory_space<vmem>>)
        %dma_start3A_405 = arith.constant 0 : i32
        %dma_start3A_406 = arith.constant 0 : i32
        %dma_start3A_407 = tpu.memref_slice %arg2[%dma_start3A_405, %dma_start3A_406] : memref<5000x128xf32, #tpu.memory_space<hbm>> -> memref<5000x128xf32, #tpu.memory_space<hbm>>
        tpu.enqueue_indirect_dma source(%dma_start3A_407 : memref<5000x128xf32, #tpu.memory_space<hbm>>) target(%arg28 : memref<80x128xf32, #tpu.memory_space<vmem>>) offsets(%arg26 : memref<80xi32, #tpu.memory_space<vmem>>) semaphore(%arg30 : memref<!tpu.dma_semaphore, #tpu.memory_space<semaphore_mem>>)
      }
      %scan3A_113 = arith.constant 61 : i32
      %dma_wait3A_114 = arith.constant 0 : i32
      %dma_wait3A_115 = arith.constant 0 : i32
      %dma_wait3A_116 = tpu.memref_slice %arg2[%dma_wait3A_114, %dma_wait3A_115] : memref<5000x128xf32, #tpu.memory_space<hbm>> -> memref<5000x128xf32, #tpu.memory_space<hbm>>
      tpu.wait_indirect_dma semaphore(%arg30 : memref<!tpu.dma_semaphore, #tpu.memory_space<semaphore_mem>>) src(%dma_wait3A_116 : memref<5000x128xf32, #tpu.memory_space<hbm>>) dst(%arg28 : memref<80x128xf32, #tpu.memory_space<vmem>>)
      %get3A_117 = arith.constant 0 : index
      %get3A_118 = tpu.vector_load %arg27[%get3A_117] {strides = array<i32>} : memref<80xi32, #tpu.memory_space<vmem>>, vector<16xi32>,
      tpu.vector_store_idx %arg38[%get3A_118], %broadcast_in_dim3A_5 {add = true} : memref<5120xf32, #tpu.memory_space<vmem>>[vector<16xi32>], vector<16xf32>,
      %get3A_119 = arith.constant 16 : index
      %get3A_120 = tpu.vector_load %arg27[%get3A_119] {strides = array<i32>} : memref<80xi32, #tpu.memory_space<vmem>>, vector<16xi32>,
      tpu.vector_store_idx %arg38[%get3A_120], %broadcast_in_dim3A_5 {add = true} : memref<5120xf32, #tpu.memory_space<vmem>>[vector<16xi32>], vector<16xf32>,
      %get3A_121 = arith.constant 32 : index
      %get3A_122 = tpu.vector_load %arg27[%get3A_121] {strides = array<i32>} : memref<80xi32, #tpu.memory_space<vmem>>, vector<16xi32>,
      tpu.vector_store_idx %arg38[%get3A_122], %broadcast_in_dim3A_5 {add = true} : memref<5120xf32, #tpu.memory_space<vmem>>[vector<16xi32>], vector<16xf32>,
      %get3A_123 = arith.constant 48 : index
      %get3A_124 = tpu.vector_load %arg27[%get3A_123] {strides = array<i32>} : memref<80xi32, #tpu.memory_space<vmem>>, vector<16xi32>,
      tpu.vector_store_idx %arg38[%get3A_124], %broadcast_in_dim3A_5 {add = true} : memref<5120xf32, #tpu.memory_space<vmem>>[vector<16xi32>], vector<16xf32>,
      %get3A_125 = arith.constant 64 : index
      %get3A_126 = tpu.vector_load %arg27[%get3A_125] {strides = array<i32>} : memref<80xi32, #tpu.memory_space<vmem>>, vector<16xi32>,
      tpu.vector_store_idx %arg38[%get3A_126], %broadcast_in_dim3A_5 {add = true} : memref<5120xf32, #tpu.memory_space<vmem>>[vector<16xi32>], vector<16xf32>,
      %dma_start3A_127 = arith.constant 0 : i32
      %dma_start3A_128 = arith.constant 0 : i32
      %dma_start3A_129 = tpu.memref_slice %arg13[%dma_start3A_127, %dma_start3A_128] : memref<5120x128xf32, #tpu.memory_space<vmem_shared>> -> memref<5120x128xf32, #tpu.memory_space<vmem_shared>>
      tpu.enqueue_indirect_dma source(%arg28 : memref<80x128xf32, #tpu.memory_space<vmem>>) target(%dma_start3A_129 : memref<5120x128xf32, #tpu.memory_space<vmem_shared>>) offsets(%arg27 : memref<80xi32, #tpu.memory_space<vmem>>) semaphore(%arg31 : memref<!tpu.dma_semaphore, #tpu.memory_space<semaphore_mem>>) {add = true}
      %dma_wait3A_130 = arith.constant 0 : i32
      %dma_wait3A_131 = arith.constant 0 : i32
      %dma_wait3A_132 = tpu.memref_slice %arg13[%dma_wait3A_130, %dma_wait3A_131] : memref<5120x128xf32, #tpu.memory_space<vmem_shared>> -> memref<5120x128xf32, #tpu.memory_space<vmem_shared>>
      tpu.wait_indirect_dma semaphore(%arg19 : memref<!tpu.dma_semaphore, #tpu.memory_space<semaphore_mem>>) src(%arg16 : memref<80x128xf32, #tpu.memory_space<vmem>>) dst(%dma_wait3A_132 : memref<5120x128xf32, #tpu.memory_space<vmem_shared>>)
      %add3A_133 = arith.constant 19840 : i32
      %add3A_134 = arith.addi %mul3A_2, %add3A_133 : i32
      %dma_start3A_135 = tpu.memref_slice %arg4[%add3A_134] : memref<320000xi32, #tpu.memory_space<hbm>> -> memref<80xi32, #tpu.memory_space<hbm>>
      %dma_start3A_136 = tpu.memref_slice %arg4[%add3A_134] : memref<320000xi32, #tpu.memory_space<hbm>> -> memref<80xi32, #tpu.memory_space<hbm>>
      tpu.enqueue_dma source(%dma_start3A_136 : memref<80xi32, #tpu.memory_space<hbm>>) target(%arg14 : memref<80xi32, #tpu.memory_space<vmem>>) target_semaphore(%arg17 : memref<!tpu.dma_semaphore, #tpu.memory_space<semaphore_mem>>)
      %dma_start3A_137 = tpu.memref_slice %arg5[%add3A_134] : memref<320000xi32, #tpu.memory_space<hbm>> -> memref<80xi32, #tpu.memory_space<hbm>>
      %dma_start3A_138 = tpu.memref_slice %arg5[%add3A_134] : memref<320000xi32, #tpu.memory_space<hbm>> -> memref<80xi32, #tpu.memory_space<hbm>>
      tpu.enqueue_dma source(%dma_start3A_138 : memref<80xi32, #tpu.memory_space<hbm>>) target(%arg15 : memref<80xi32, #tpu.memory_space<vmem>>) target_semaphore(%arg17 : memref<!tpu.dma_semaphore, #tpu.memory_space<semaphore_mem>>)
      %add3A_139 = arith.constant 19760 : i32
      %add3A_140 = arith.addi %mul3A_2, %add3A_139 : i32
      %dma_wait3A_141 = tpu.memref_slice %arg4[%add3A_140] : memref<320000xi32, #tpu.memory_space<hbm>> -> memref<80xi32, #tpu.memory_space<hbm>>
      %dma_wait3A_142 = tpu.memref_slice %arg4[%add3A_140] : memref<320000xi32, #tpu.memory_space<hbm>> -> memref<80xi32, #tpu.memory_space<hbm>>
      tpu.wait_dma2 semaphore(%arg35 : memref<!tpu.dma_semaphore, #tpu.memory_space<semaphore_mem>>) src(%dma_wait3A_142 : memref<80xi32, #tpu.memory_space<hbm>>) dst(%arg32 : memref<80xi32, #tpu.memory_space<vmem>>)
      %dma_wait3A_143 = tpu.memref_slice %arg5[%add3A_140] : memref<320000xi32, #tpu.memory_space<hbm>> -> memref<80xi32, #tpu.memory_space<hbm>>
      %dma_wait3A_144 = tpu.memref_slice %arg5[%add3A_140] : memref<320000xi32, #tpu.memory_space<hbm>> -> memref<80xi32, #tpu.memory_space<hbm>>
      tpu.wait_dma2 semaphore(%arg35 : memref<!tpu.dma_semaphore, #tpu.memory_space<semaphore_mem>>) src(%dma_wait3A_144 : memref<80xi32, #tpu.memory_space<hbm>>) dst(%arg33 : memref<80xi32, #tpu.memory_space<vmem>>)
      %dma_start3A_145 = arith.constant 0 : i32
      %dma_start3A_146 = arith.constant 0 : i32
      %dma_start3A_147 = tpu.memref_slice %arg2[%dma_start3A_145, %dma_start3A_146] : memref<5000x128xf32, #tpu.memory_space<hbm>> -> memref<5000x128xf32, #tpu.memory_space<hbm>>
      tpu.enqueue_indirect_dma source(%dma_start3A_147 : memref<5000x128xf32, #tpu.memory_space<hbm>>) target(%arg34 : memref<80x128xf32, #tpu.memory_space<vmem>>) offsets(%arg32 : memref<80xi32, #tpu.memory_space<vmem>>) semaphore(%arg36 : memref<!tpu.dma_semaphore, #tpu.memory_space<semaphore_mem>>)
      %dma_wait3A_148 = arith.constant 0 : i32
      %dma_wait3A_149 = arith.constant 0 : i32
      %dma_wait3A_150 = tpu.memref_slice %arg2[%dma_wait3A_148, %dma_wait3A_149] : memref<5000x128xf32, #tpu.memory_space<hbm>> -> memref<5000x128xf32, #tpu.memory_space<hbm>>
      tpu.wait_indirect_dma semaphore(%arg36 : memref<!tpu.dma_semaphore, #tpu.memory_space<semaphore_mem>>) src(%dma_wait3A_150 : memref<5000x128xf32, #tpu.memory_space<hbm>>) dst(%arg34 : memref<80x128xf32, #tpu.memory_space<vmem>>)
      %get3A_151 = arith.constant 0 : index
      %get3A_152 = tpu.vector_load %arg33[%get3A_151] {strides = array<i32>} : memref<80xi32, #tpu.memory_space<vmem>>, vector<16xi32>,
      tpu.vector_store_idx %arg38[%get3A_152], %broadcast_in_dim3A_5 {add = true} : memref<5120xf32, #tpu.memory_space<vmem>>[vector<16xi32>], vector<16xf32>,
      %get3A_153 = arith.constant 16 : index
      %get3A_154 = tpu.vector_load %arg33[%get3A_153] {strides = array<i32>} : memref<80xi32, #tpu.memory_space<vmem>>, vector<16xi32>,
      tpu.vector_store_idx %arg38[%get3A_154], %broadcast_in_dim3A_5 {add = true} : memref<5120xf32, #tpu.memory_space<vmem>>[vector<16xi32>], vector<16xf32>,
      %get3A_155 = arith.constant 32 : index
      %get3A_156 = tpu.vector_load %arg33[%get3A_155] {strides = array<i32>} : memref<80xi32, #tpu.memory_space<vmem>>, vector<16xi32>,
      tpu.vector_store_idx %arg38[%get3A_156], %broadcast_in_dim3A_5 {add = true} : memref<5120xf32, #tpu.memory_space<vmem>>[vector<16xi32>], vector<16xf32>,
      %get3A_157 = arith.constant 48 : index
      %get3A_158 = tpu.vector_load %arg33[%get3A_157] {strides = array<i32>} : memref<80xi32, #tpu.memory_space<vmem>>, vector<16xi32>,
      tpu.vector_store_idx %arg38[%get3A_158], %broadcast_in_dim3A_5 {add = true} : memref<5120xf32, #tpu.memory_space<vmem>>[vector<16xi32>], vector<16xf32>,
      %get3A_159 = arith.constant 64 : index
      %get3A_160 = tpu.vector_load %arg33[%get3A_159] {strides = array<i32>} : memref<80xi32, #tpu.memory_space<vmem>>, vector<16xi32>,
      tpu.vector_store_idx %arg38[%get3A_160], %broadcast_in_dim3A_5 {add = true} : memref<5120xf32, #tpu.memory_space<vmem>>[vector<16xi32>], vector<16xf32>,
      %dma_start3A_161 = arith.constant 0 : i32
      %dma_start3A_162 = arith.constant 0 : i32
      %dma_start3A_163 = tpu.memref_slice %arg13[%dma_start3A_161, %dma_start3A_162] : memref<5120x128xf32, #tpu.memory_space<vmem_shared>> -> memref<5120x128xf32, #tpu.memory_space<vmem_shared>>
      tpu.enqueue_indirect_dma source(%arg34 : memref<80x128xf32, #tpu.memory_space<vmem>>) target(%dma_start3A_163 : memref<5120x128xf32, #tpu.memory_space<vmem_shared>>) offsets(%arg33 : memref<80xi32, #tpu.memory_space<vmem>>) semaphore(%arg37 : memref<!tpu.dma_semaphore, #tpu.memory_space<semaphore_mem>>) {add = true}
      %dma_wait3A_164 = arith.constant 0 : i32
      %dma_wait3A_165 = arith.constant 0 : i32
      %dma_wait3A_166 = tpu.memref_slice %arg13[%dma_wait3A_164, %dma_wait3A_165] : memref<5120x128xf32, #tpu.memory_space<vmem_shared>> -> memref<5120x128xf32, #tpu.memory_space<vmem_shared>>
      tpu.wait_indirect_dma semaphore(%arg25 : memref<!tpu.dma_semaphore, #tpu.memory_space<semaphore_mem>>) src(%arg22 : memref<80x128xf32, #tpu.memory_space<vmem>>) dst(%dma_wait3A_166 : memref<5120x128xf32, #tpu.memory_space<vmem_shared>>)
      %add3A_167 = arith.constant 19920 : i32
      %add3A_168 = arith.addi %mul3A_2, %add3A_167 : i32
      %dma_start3A_169 = tpu.memref_slice %arg4[%add3A_168] : memref<320000xi32, #tpu.memory_space<hbm>> -> memref<80xi32, #tpu.memory_space<hbm>>
      %dma_start3A_170 = tpu.memref_slice %arg4[%add3A_168] : memref<320000xi32, #tpu.memory_space<hbm>> -> memref<80xi32, #tpu.memory_space<hbm>>
      tpu.enqueue_dma source(%dma_start3A_170 : memref<80xi32, #tpu.memory_space<hbm>>) target(%arg20 : memref<80xi32, #tpu.memory_space<vmem>>) target_semaphore(%arg23 : memref<!tpu.dma_semaphore, #tpu.memory_space<semaphore_mem>>)
      %dma_start3A_171 = tpu.memref_slice %arg5[%add3A_168] : memref<320000xi32, #tpu.memory_space<hbm>> -> memref<80xi32, #tpu.memory_space<hbm>>
      %dma_start3A_172 = tpu.memref_slice %arg5[%add3A_168] : memref<320000xi32, #tpu.memory_space<hbm>> -> memref<80xi32, #tpu.memory_space<hbm>>
      tpu.enqueue_dma source(%dma_start3A_172 : memref<80xi32, #tpu.memory_space<hbm>>) target(%arg21 : memref<80xi32, #tpu.memory_space<vmem>>) target_semaphore(%arg23 : memref<!tpu.dma_semaphore, #tpu.memory_space<semaphore_mem>>)
      %add3A_173 = arith.constant 19840 : i32
      %add3A_174 = arith.addi %mul3A_2, %add3A_173 : i32
      %dma_wait3A_175 = tpu.memref_slice %arg4[%add3A_174] : memref<320000xi32, #tpu.memory_space<hbm>> -> memref<80xi32, #tpu.memory_space<hbm>>
      %dma_wait3A_176 = tpu.memref_slice %arg4[%add3A_174] : memref<320000xi32, #tpu.memory_space<hbm>> -> memref<80xi32, #tpu.memory_space<hbm>>
      tpu.wait_dma2 semaphore(%arg17 : memref<!tpu.dma_semaphore, #tpu.memory_space<semaphore_mem>>) src(%dma_wait3A_176 : memref<80xi32, #tpu.memory_space<hbm>>) dst(%arg14 : memref<80xi32, #tpu.memory_space<vmem>>)
      %dma_wait3A_177 = tpu.memref_slice %arg5[%add3A_174] : memref<320000xi32, #tpu.memory_space<hbm>> -> memref<80xi32, #tpu.memory_space<hbm>>
      %dma_wait3A_178 = tpu.memref_slice %arg5[%add3A_174] : memref<320000xi32, #tpu.memory_space<hbm>> -> memref<80xi32, #tpu.memory_space<hbm>>
      tpu.wait_dma2 semaphore(%arg17 : memref<!tpu.dma_semaphore, #tpu.memory_space<semaphore_mem>>) src(%dma_wait3A_178 : memref<80xi32, #tpu.memory_space<hbm>>) dst(%arg15 : memref<80xi32, #tpu.memory_space<vmem>>)
      %dma_start3A_179 = arith.constant 0 : i32
      %dma_start3A_180 = arith.constant 0 : i32
      %dma_start3A_181 = tpu.memref_slice %arg2[%dma_start3A_179, %dma_start3A_180] : memref<5000x128xf32, #tpu.memory_space<hbm>> -> memref<5000x128xf32, #tpu.memory_space<hbm>>
      tpu.enqueue_indirect_dma source(%dma_start3A_181 : memref<5000x128xf32, #tpu.memory_space<hbm>>) target(%arg16 : memref<80x128xf32, #tpu.memory_space<vmem>>) offsets(%arg14 : memref<80xi32, #tpu.memory_space<vmem>>) semaphore(%arg18 : memref<!tpu.dma_semaphore, #tpu.memory_space<semaphore_mem>>)
      %dma_wait3A_182 = arith.constant 0 : i32
      %dma_wait3A_183 = arith.constant 0 : i32
      %dma_wait3A_184 = tpu.memref_slice %arg2[%dma_wait3A_182, %dma_wait3A_183] : memref<5000x128xf32, #tpu.memory_space<hbm>> -> memref<5000x128xf32, #tpu.memory_space<hbm>>
      tpu.wait_indirect_dma semaphore(%arg18 : memref<!tpu.dma_semaphore, #tpu.memory_space<semaphore_mem>>) src(%dma_wait3A_184 : memref<5000x128xf32, #tpu.memory_space<hbm>>) dst(%arg16 : memref<80x128xf32, #tpu.memory_space<vmem>>)
      %get3A_185 = arith.constant 0 : index
      %get3A_186 = tpu.vector_load %arg15[%get3A_185] {strides = array<i32>} : memref<80xi32, #tpu.memory_space<vmem>>, vector<16xi32>,
      tpu.vector_store_idx %arg38[%get3A_186], %broadcast_in_dim3A_5 {add = true} : memref<5120xf32, #tpu.memory_space<vmem>>[vector<16xi32>], vector<16xf32>,
      %get3A_187 = arith.constant 16 : index
      %get3A_188 = tpu.vector_load %arg15[%get3A_187] {strides = array<i32>} : memref<80xi32, #tpu.memory_space<vmem>>, vector<16xi32>,
      tpu.vector_store_idx %arg38[%get3A_188], %broadcast_in_dim3A_5 {add = true} : memref<5120xf32, #tpu.memory_space<vmem>>[vector<16xi32>], vector<16xf32>,
      %get3A_189 = arith.constant 32 : index
      %get3A_190 = tpu.vector_load %arg15[%get3A_189] {strides = array<i32>} : memref<80xi32, #tpu.memory_space<vmem>>, vector<16xi32>,
      tpu.vector_store_idx %arg38[%get3A_190], %broadcast_in_dim3A_5 {add = true} : memref<5120xf32, #tpu.memory_space<vmem>>[vector<16xi32>], vector<16xf32>,
      %get3A_191 = arith.constant 48 : index
      %get3A_192 = tpu.vector_load %arg15[%get3A_191] {strides = array<i32>} : memref<80xi32, #tpu.memory_space<vmem>>, vector<16xi32>,
      tpu.vector_store_idx %arg38[%get3A_192], %broadcast_in_dim3A_5 {add = true} : memref<5120xf32, #tpu.memory_space<vmem>>[vector<16xi32>], vector<16xf32>,
      %get3A_193 = arith.constant 64 : index
      %get3A_194 = tpu.vector_load %arg15[%get3A_193] {strides = array<i32>} : memref<80xi32, #tpu.memory_space<vmem>>, vector<16xi32>,
      tpu.vector_store_idx %arg38[%get3A_194], %broadcast_in_dim3A_5 {add = true} : memref<5120xf32, #tpu.memory_space<vmem>>[vector<16xi32>], vector<16xf32>,
      %dma_start3A_195 = arith.constant 0 : i32
      %dma_start3A_196 = arith.constant 0 : i32
      %dma_start3A_197 = tpu.memref_slice %arg13[%dma_start3A_195, %dma_start3A_196] : memref<5120x128xf32, #tpu.memory_space<vmem_shared>> -> memref<5120x128xf32, #tpu.memory_space<vmem_shared>>
      tpu.enqueue_indirect_dma source(%arg16 : memref<80x128xf32, #tpu.memory_space<vmem>>) target(%dma_start3A_197 : memref<5120x128xf32, #tpu.memory_space<vmem_shared>>) offsets(%arg15 : memref<80xi32, #tpu.memory_space<vmem>>) semaphore(%arg19 : memref<!tpu.dma_semaphore, #tpu.memory_space<semaphore_mem>>) {add = true}
      %add3A_198 = arith.constant 19920 : i32
      %add3A_199 = arith.addi %mul3A_2, %add3A_198 : i32
      %dma_wait3A_200 = tpu.memref_slice %arg4[%add3A_199] : memref<320000xi32, #tpu.memory_space<hbm>> -> memref<80xi32, #tpu.memory_space<hbm>>
      %dma_wait3A_201 = tpu.memref_slice %arg4[%add3A_199] : memref<320000xi32, #tpu.memory_space<hbm>> -> memref<80xi32, #tpu.memory_space<hbm>>
      tpu.wait_dma2 semaphore(%arg23 : memref<!tpu.dma_semaphore, #tpu.memory_space<semaphore_mem>>) src(%dma_wait3A_201 : memref<80xi32, #tpu.memory_space<hbm>>) dst(%arg20 : memref<80xi32, #tpu.memory_space<vmem>>)
      %dma_wait3A_202 = tpu.memref_slice %arg5[%add3A_199] : memref<320000xi32, #tpu.memory_space<hbm>> -> memref<80xi32, #tpu.memory_space<hbm>>
      %dma_wait3A_203 = tpu.memref_slice %arg5[%add3A_199] : memref<320000xi32, #tpu.memory_space<hbm>> -> memref<80xi32, #tpu.memory_space<hbm>>
      tpu.wait_dma2 semaphore(%arg23 : memref<!tpu.dma_semaphore, #tpu.memory_space<semaphore_mem>>) src(%dma_wait3A_203 : memref<80xi32, #tpu.memory_space<hbm>>) dst(%arg21 : memref<80xi32, #tpu.memory_space<vmem>>)
      %dma_start3A_204 = arith.constant 0 : i32
      %dma_start3A_205 = arith.constant 0 : i32
      %dma_start3A_206 = tpu.memref_slice %arg2[%dma_start3A_204, %dma_start3A_205] : memref<5000x128xf32, #tpu.memory_space<hbm>> -> memref<5000x128xf32, #tpu.memory_space<hbm>>
      tpu.enqueue_indirect_dma source(%dma_start3A_206 : memref<5000x128xf32, #tpu.memory_space<hbm>>) target(%arg22 : memref<80x128xf32, #tpu.memory_space<vmem>>) offsets(%arg20 : memref<80xi32, #tpu.memory_space<vmem>>) semaphore(%arg24 : memref<!tpu.dma_semaphore, #tpu.memory_space<semaphore_mem>>)
      %dma_wait3A_207 = arith.constant 0 : i32
      %dma_wait3A_208 = arith.constant 0 : i32
      %dma_wait3A_209 = tpu.memref_slice %arg2[%dma_wait3A_207, %dma_wait3A_208] : memref<5000x128xf32, #tpu.memory_space<hbm>> -> memref<5000x128xf32, #tpu.memory_space<hbm>>
      tpu.wait_indirect_dma semaphore(%arg24 : memref<!tpu.dma_semaphore, #tpu.memory_space<semaphore_mem>>) src(%dma_wait3A_209 : memref<5000x128xf32, #tpu.memory_space<hbm>>) dst(%arg22 : memref<80x128xf32, #tpu.memory_space<vmem>>)
      %get3A_210 = arith.constant 0 : index
      %get3A_211 = tpu.vector_load %arg21[%get3A_210] {strides = array<i32>} : memref<80xi32, #tpu.memory_space<vmem>>, vector<16xi32>,
      tpu.vector_store_idx %arg38[%get3A_211], %broadcast_in_dim3A_5 {add = true} : memref<5120xf32, #tpu.memory_space<vmem>>[vector<16xi32>], vector<16xf32>,
      %get3A_212 = arith.constant 16 : index
      %get3A_213 = tpu.vector_load %arg21[%get3A_212] {strides = array<i32>} : memref<80xi32, #tpu.memory_space<vmem>>, vector<16xi32>,
      tpu.vector_store_idx %arg38[%get3A_213], %broadcast_in_dim3A_5 {add = true} : memref<5120xf32, #tpu.memory_space<vmem>>[vector<16xi32>], vector<16xf32>,
      %get3A_214 = arith.constant 32 : index
      %get3A_215 = tpu.vector_load %arg21[%get3A_214] {strides = array<i32>} : memref<80xi32, #tpu.memory_space<vmem>>, vector<16xi32>,
      tpu.vector_store_idx %arg38[%get3A_215], %broadcast_in_dim3A_5 {add = true} : memref<5120xf32, #tpu.memory_space<vmem>>[vector<16xi32>], vector<16xf32>,
      %get3A_216 = arith.constant 48 : index
      %get3A_217 = tpu.vector_load %arg21[%get3A_216] {strides = array<i32>} : memref<80xi32, #tpu.memory_space<vmem>>, vector<16xi32>,
      tpu.vector_store_idx %arg38[%get3A_217], %broadcast_in_dim3A_5 {add = true} : memref<5120xf32, #tpu.memory_space<vmem>>[vector<16xi32>], vector<16xf32>,
      %get3A_218 = arith.constant 64 : index
      %get3A_219 = tpu.vector_load %arg21[%get3A_218] {strides = array<i32>} : memref<80xi32, #tpu.memory_space<vmem>>, vector<16xi32>,
      tpu.vector_store_idx %arg38[%get3A_219], %broadcast_in_dim3A_5 {add = true} : memref<5120xf32, #tpu.memory_space<vmem>>[vector<16xi32>], vector<16xf32>,
      %dma_start3A_220 = arith.constant 0 : i32
      %dma_start3A_221 = arith.constant 0 : i32
      %dma_start3A_222 = tpu.memref_slice %arg13[%dma_start3A_220, %dma_start3A_221] : memref<5120x128xf32, #tpu.memory_space<vmem_shared>> -> memref<5120x128xf32, #tpu.memory_space<vmem_shared>>
      tpu.enqueue_indirect_dma source(%arg22 : memref<80x128xf32, #tpu.memory_space<vmem>>) target(%dma_start3A_222 : memref<5120x128xf32, #tpu.memory_space<vmem_shared>>) offsets(%arg21 : memref<80xi32, #tpu.memory_space<vmem>>) semaphore(%arg25 : memref<!tpu.dma_semaphore, #tpu.memory_space<semaphore_mem>>) {add = true}
      %dma_wait3A_223 = arith.constant 0 : i32
      %dma_wait3A_224 = arith.constant 0 : i32
      %dma_wait3A_225 = tpu.memref_slice %arg13[%dma_wait3A_223, %dma_wait3A_224] : memref<5120x128xf32, #tpu.memory_space<vmem_shared>> -> memref<5120x128xf32, #tpu.memory_space<vmem_shared>>
      tpu.wait_indirect_dma semaphore(%arg31 : memref<!tpu.dma_semaphore, #tpu.memory_space<semaphore_mem>>) src(%arg28 : memref<80x128xf32, #tpu.memory_space<vmem>>) dst(%dma_wait3A_225 : memref<5120x128xf32, #tpu.memory_space<vmem_shared>>)
      %dma_wait3A_226 = arith.constant 0 : i32
      %dma_wait3A_227 = arith.constant 0 : i32
      %dma_wait3A_228 = tpu.memref_slice %arg13[%dma_wait3A_226, %dma_wait3A_227] : memref<5120x128xf32, #tpu.memory_space<vmem_shared>> -> memref<5120x128xf32, #tpu.memory_space<vmem_shared>>
      tpu.wait_indirect_dma semaphore(%arg37 : memref<!tpu.dma_semaphore, #tpu.memory_space<semaphore_mem>>) src(%arg34 : memref<80x128xf32, #tpu.memory_space<vmem>>) dst(%dma_wait3A_228 : memref<5120x128xf32, #tpu.memory_space<vmem_shared>>)
      %dma_wait3A_229 = arith.constant 0 : i32
      %dma_wait3A_230 = arith.constant 0 : i32
      %dma_wait3A_231 = tpu.memref_slice %arg13[%dma_wait3A_229, %dma_wait3A_230] : memref<5120x128xf32, #tpu.memory_space<vmem_shared>> -> memref<5120x128xf32, #tpu.memory_space<vmem_shared>>
      tpu.wait_indirect_dma semaphore(%arg19 : memref<!tpu.dma_semaphore, #tpu.memory_space<semaphore_mem>>) src(%arg16 : memref<80x128xf32, #tpu.memory_space<vmem>>) dst(%dma_wait3A_231 : memref<5120x128xf32, #tpu.memory_space<vmem_shared>>)
      %dma_wait3A_232 = arith.constant 0 : i32
      %dma_wait3A_233 = arith.constant 0 : i32
      %dma_wait3A_234 = tpu.memref_slice %arg13[%dma_wait3A_232, %dma_wait3A_233] : memref<5120x128xf32, #tpu.memory_space<vmem_shared>> -> memref<5120x128xf32, #tpu.memory_space<vmem_shared>>
      tpu.wait_indirect_dma semaphore(%arg25 : memref<!tpu.dma_semaphore, #tpu.memory_space<semaphore_mem>>) src(%arg22 : memref<80x128xf32, #tpu.memory_space<vmem>>) dst(%dma_wait3A_234 : memref<5120x128xf32, #tpu.memory_space<vmem_shared>>)
      "tpu.region"() ({
        %run_scoped3A = tpu.sem_alloc : memref<!tpu.dma_semaphore, #tpu.memory_space<semaphore_mem>>
        %dma_start3A_235 = arith.constant 0 : i32
        %dma_start3A_236 = tpu.memref_slice %arg10[%arg1, %dma_start3A_235] : memref<16x5120xf32, #tpu.memory_space<hbm>> -> memref<1x5120xf32, #tpu.memory_space<hbm>>
        %dma_start3A_237 = tpu.memref_squeeze %dma_start3A_236 : memref<1x5120xf32, #tpu.memory_space<hbm>> -> memref<5120xf32, #tpu.memory_space<hbm>>
        %dma_start3A_238 = arith.constant 0 : i32
        %dma_start3A_239 = tpu.memref_slice %arg10[%arg1, %dma_start3A_238] : memref<16x5120xf32, #tpu.memory_space<hbm>> -> memref<1x5120xf32, #tpu.memory_space<hbm>>
        %dma_start3A_240 = tpu.memref_squeeze %dma_start3A_239 : memref<1x5120xf32, #tpu.memory_space<hbm>> -> memref<5120xf32, #tpu.memory_space<hbm>>
        tpu.enqueue_dma source(%arg38 : memref<5120xf32, #tpu.memory_space<vmem>>) target(%dma_start3A_240 : memref<5120xf32, #tpu.memory_space<hbm>>) target_semaphore(%run_scoped3A : memref<!tpu.dma_semaphore, #tpu.memory_space<semaphore_mem>>)
        %dma_wait3A_241 = arith.constant 0 : i32
        %dma_wait3A_242 = tpu.memref_slice %arg10[%arg1, %dma_wait3A_241] : memref<16x5120xf32, #tpu.memory_space<hbm>> -> memref<1x5120xf32, #tpu.memory_space<hbm>>
        %dma_wait3A_243 = tpu.memref_squeeze %dma_wait3A_242 : memref<1x5120xf32, #tpu.memory_space<hbm>> -> memref<5120xf32, #tpu.memory_space<hbm>>
        %dma_wait3A_244 = arith.constant 0 : i32
        %dma_wait3A_245 = tpu.memref_slice %arg10[%arg1, %dma_wait3A_244] : memref<16x5120xf32, #tpu.memory_space<hbm>> -> memref<1x5120xf32, #tpu.memory_space<hbm>>
        %dma_wait3A_246 = tpu.memref_squeeze %dma_wait3A_245 : memref<1x5120xf32, #tpu.memory_space<hbm>> -> memref<5120xf32, #tpu.memory_space<hbm>>
        tpu.wait_dma2 semaphore(%run_scoped3A : memref<!tpu.dma_semaphore, #tpu.memory_space<semaphore_mem>>) src(%arg38 : memref<5120xf32, #tpu.memory_space<vmem>>) dst(%dma_wait3A_246 : memref<5120xf32, #tpu.memory_space<hbm>>)
        tpu.yield
      }) : () -> ()
    } else {
    }
    %eq3A_12 = arith.constant 1 : i32
    %eq3A_13 = arith.cmpi eq, %arg0, %eq3A_12 : i32
    %convert_element_type3A_14 = arith.extui %eq3A_13 : i1 to i32
    %cond3A_15 = arith.constant 0 : i32
    %cond3A_16 = arith.cmpi ne, %convert_element_type3A_14, %cond3A_15 : i32
    scf.if %cond3A_16 {
      %add3A = arith.constant 0 : i32
      %add3A_30 = arith.addi %mul3A_2, %add3A : i32
      %dma_start3A = tpu.memref_slice %arg6[%add3A_30] : memref<320000xi32, #tpu.memory_space<hbm>> -> memref<80xi32, #tpu.memory_space<hbm>>
      %dma_start3A_31 = tpu.memref_slice %arg6[%add3A_30] : memref<320000xi32, #tpu.memory_space<hbm>> -> memref<80xi32, #tpu.memory_space<hbm>>
      tpu.enqueue_dma source(%dma_start3A_31 : memref<80xi32, #tpu.memory_space<hbm>>) target(%arg14 : memref<80xi32, #tpu.memory_space<vmem>>) target_semaphore(%arg17 : memref<!tpu.dma_semaphore, #tpu.memory_space<semaphore_mem>>)
      %dma_start3A_32 = tpu.memref_slice %arg7[%add3A_30] : memref<320000xi32, #tpu.memory_space<hbm>> -> memref<80xi32, #tpu.memory_space<hbm>>
      %dma_start3A_33 = tpu.memref_slice %arg7[%add3A_30] : memref<320000xi32, #tpu.memory_space<hbm>> -> memref<80xi32, #tpu.memory_space<hbm>>
      tpu.enqueue_dma source(%dma_start3A_33 : memref<80xi32, #tpu.memory_space<hbm>>) target(%arg15 : memref<80xi32, #tpu.memory_space<vmem>>) target_semaphore(%arg17 : memref<!tpu.dma_semaphore, #tpu.memory_space<semaphore_mem>>)
      %add3A_34 = arith.constant 80 : i32
      %add3A_35 = arith.addi %mul3A_2, %add3A_34 : i32
      %dma_start3A_36 = tpu.memref_slice %arg6[%add3A_35] : memref<320000xi32, #tpu.memory_space<hbm>> -> memref<80xi32, #tpu.memory_space<hbm>>
      %dma_start3A_37 = tpu.memref_slice %arg6[%add3A_35] : memref<320000xi32, #tpu.memory_space<hbm>> -> memref<80xi32, #tpu.memory_space<hbm>>
      tpu.enqueue_dma source(%dma_start3A_37 : memref<80xi32, #tpu.memory_space<hbm>>) target(%arg20 : memref<80xi32, #tpu.memory_space<vmem>>) target_semaphore(%arg23 : memref<!tpu.dma_semaphore, #tpu.memory_space<semaphore_mem>>)
      %dma_start3A_38 = tpu.memref_slice %arg7[%add3A_35] : memref<320000xi32, #tpu.memory_space<hbm>> -> memref<80xi32, #tpu.memory_space<hbm>>
      %dma_start3A_39 = tpu.memref_slice %arg7[%add3A_35] : memref<320000xi32, #tpu.memory_space<hbm>> -> memref<80xi32, #tpu.memory_space<hbm>>
      tpu.enqueue_dma source(%dma_start3A_39 : memref<80xi32, #tpu.memory_space<hbm>>) target(%arg21 : memref<80xi32, #tpu.memory_space<vmem>>) target_semaphore(%arg23 : memref<!tpu.dma_semaphore, #tpu.memory_space<semaphore_mem>>)
      %add3A_40 = arith.constant 0 : i32
      %add3A_41 = arith.addi %mul3A_2, %add3A_40 : i32
      %dma_wait3A = tpu.memref_slice %arg6[%add3A_41] : memref<320000xi32, #tpu.memory_space<hbm>> -> memref<80xi32, #tpu.memory_space<hbm>>
      %dma_wait3A_42 = tpu.memref_slice %arg6[%add3A_41] : memref<320000xi32, #tpu.memory_space<hbm>> -> memref<80xi32, #tpu.memory_space<hbm>>
      tpu.wait_dma2 semaphore(%arg17 : memref<!tpu.dma_semaphore, #tpu.memory_space<semaphore_mem>>) src(%dma_wait3A_42 : memref<80xi32, #tpu.memory_space<hbm>>) dst(%arg14 : memref<80xi32, #tpu.memory_space<vmem>>)
      %dma_wait3A_43 = tpu.memref_slice %arg7[%add3A_41] : memref<320000xi32, #tpu.memory_space<hbm>> -> memref<80xi32, #tpu.memory_space<hbm>>
      %dma_wait3A_44 = tpu.memref_slice %arg7[%add3A_41] : memref<320000xi32, #tpu.memory_space<hbm>> -> memref<80xi32, #tpu.memory_space<hbm>>
      tpu.wait_dma2 semaphore(%arg17 : memref<!tpu.dma_semaphore, #tpu.memory_space<semaphore_mem>>) src(%dma_wait3A_44 : memref<80xi32, #tpu.memory_space<hbm>>) dst(%arg15 : memref<80xi32, #tpu.memory_space<vmem>>)
      %dma_start3A_45 = arith.constant 0 : i32
      %dma_start3A_46 = arith.constant 0 : i32
      %dma_start3A_47 = tpu.memref_slice %arg3[%dma_start3A_45, %dma_start3A_46] : memref<5000x128xf32, #tpu.memory_space<hbm>> -> memref<5000x128xf32, #tpu.memory_space<hbm>>
      tpu.enqueue_indirect_dma source(%dma_start3A_47 : memref<5000x128xf32, #tpu.memory_space<hbm>>) target(%arg16 : memref<80x128xf32, #tpu.memory_space<vmem>>) offsets(%arg14 : memref<80xi32, #tpu.memory_space<vmem>>) semaphore(%arg18 : memref<!tpu.dma_semaphore, #tpu.memory_space<semaphore_mem>>)
      %dma_wait3A_48 = arith.constant 0 : i32
      %dma_wait3A_49 = arith.constant 0 : i32
      %dma_wait3A_50 = tpu.memref_slice %arg3[%dma_wait3A_48, %dma_wait3A_49] : memref<5000x128xf32, #tpu.memory_space<hbm>> -> memref<5000x128xf32, #tpu.memory_space<hbm>>
      tpu.wait_indirect_dma semaphore(%arg18 : memref<!tpu.dma_semaphore, #tpu.memory_space<semaphore_mem>>) src(%dma_wait3A_50 : memref<5000x128xf32, #tpu.memory_space<hbm>>) dst(%arg16 : memref<80x128xf32, #tpu.memory_space<vmem>>)
      %get3A = arith.constant 0 : index
      %get3A_51 = tpu.vector_load %arg15[%get3A] {strides = array<i32>} : memref<80xi32, #tpu.memory_space<vmem>>, vector<16xi32>,
      tpu.vector_store_idx %arg38[%get3A_51], %broadcast_in_dim3A_5 {add = true} : memref<5120xf32, #tpu.memory_space<vmem>>[vector<16xi32>], vector<16xf32>,
      %get3A_52 = arith.constant 16 : index
      %get3A_53 = tpu.vector_load %arg15[%get3A_52] {strides = array<i32>} : memref<80xi32, #tpu.memory_space<vmem>>, vector<16xi32>,
      tpu.vector_store_idx %arg38[%get3A_53], %broadcast_in_dim3A_5 {add = true} : memref<5120xf32, #tpu.memory_space<vmem>>[vector<16xi32>], vector<16xf32>,
      %get3A_54 = arith.constant 32 : index
      %get3A_55 = tpu.vector_load %arg15[%get3A_54] {strides = array<i32>} : memref<80xi32, #tpu.memory_space<vmem>>, vector<16xi32>,
      tpu.vector_store_idx %arg38[%get3A_55], %broadcast_in_dim3A_5 {add = true} : memref<5120xf32, #tpu.memory_space<vmem>>[vector<16xi32>], vector<16xf32>,
      %get3A_56 = arith.constant 48 : index
      %get3A_57 = tpu.vector_load %arg15[%get3A_56] {strides = array<i32>} : memref<80xi32, #tpu.memory_space<vmem>>, vector<16xi32>,
      tpu.vector_store_idx %arg38[%get3A_57], %broadcast_in_dim3A_5 {add = true} : memref<5120xf32, #tpu.memory_space<vmem>>[vector<16xi32>], vector<16xf32>,
      %get3A_58 = arith.constant 64 : index
      %get3A_59 = tpu.vector_load %arg15[%get3A_58] {strides = array<i32>} : memref<80xi32, #tpu.memory_space<vmem>>, vector<16xi32>,
      tpu.vector_store_idx %arg38[%get3A_59], %broadcast_in_dim3A_5 {add = true} : memref<5120xf32, #tpu.memory_space<vmem>>[vector<16xi32>], vector<16xf32>,
      %dma_start3A_60 = arith.constant 0 : i32
      %dma_start3A_61 = arith.constant 0 : i32
      %dma_start3A_62 = tpu.memref_slice %arg13[%dma_start3A_60, %dma_start3A_61] : memref<5120x128xf32, #tpu.memory_space<vmem_shared>> -> memref<5120x128xf32, #tpu.memory_space<vmem_shared>>
      tpu.enqueue_indirect_dma source(%arg16 : memref<80x128xf32, #tpu.memory_space<vmem>>) target(%dma_start3A_62 : memref<5120x128xf32, #tpu.memory_space<vmem_shared>>) offsets(%arg15 : memref<80xi32, #tpu.memory_space<vmem>>) semaphore(%arg19 : memref<!tpu.dma_semaphore, #tpu.memory_space<semaphore_mem>>) {add = true}
      %add3A_63 = arith.constant 160 : i32
      %add3A_64 = arith.addi %mul3A_2, %add3A_63 : i32
      %dma_start3A_65 = tpu.memref_slice %arg6[%add3A_64] : memref<320000xi32, #tpu.memory_space<hbm>> -> memref<80xi32, #tpu.memory_space<hbm>>
      %dma_start3A_66 = tpu.memref_slice %arg6[%add3A_64] : memref<320000xi32, #tpu.memory_space<hbm>> -> memref<80xi32, #tpu.memory_space<hbm>>
      tpu.enqueue_dma source(%dma_start3A_66 : memref<80xi32, #tpu.memory_space<hbm>>) target(%arg26 : memref<80xi32, #tpu.memory_space<vmem>>) target_semaphore(%arg29 : memref<!tpu.dma_semaphore, #tpu.memory_space<semaphore_mem>>)
      %dma_start3A_67 = tpu.memref_slice %arg7[%add3A_64] : memref<320000xi32, #tpu.memory_space<hbm>> -> memref<80xi32, #tpu.memory_space<hbm>>
      %dma_start3A_68 = tpu.memref_slice %arg7[%add3A_64] : memref<320000xi32, #tpu.memory_space<hbm>> -> memref<80xi32, #tpu.memory_space<hbm>>
      tpu.enqueue_dma source(%dma_start3A_68 : memref<80xi32, #tpu.memory_space<hbm>>) target(%arg27 : memref<80xi32, #tpu.memory_space<vmem>>) target_semaphore(%arg29 : memref<!tpu.dma_semaphore, #tpu.memory_space<semaphore_mem>>)
      %add3A_69 = arith.constant 80 : i32
      %add3A_70 = arith.addi %mul3A_2, %add3A_69 : i32
      %dma_wait3A_71 = tpu.memref_slice %arg6[%add3A_70] : memref<320000xi32, #tpu.memory_space<hbm>> -> memref<80xi32, #tpu.memory_space<hbm>>
      %dma_wait3A_72 = tpu.memref_slice %arg6[%add3A_70] : memref<320000xi32, #tpu.memory_space<hbm>> -> memref<80xi32, #tpu.memory_space<hbm>>
      tpu.wait_dma2 semaphore(%arg23 : memref<!tpu.dma_semaphore, #tpu.memory_space<semaphore_mem>>) src(%dma_wait3A_72 : memref<80xi32, #tpu.memory_space<hbm>>) dst(%arg20 : memref<80xi32, #tpu.memory_space<vmem>>)
      %dma_wait3A_73 = tpu.memref_slice %arg7[%add3A_70] : memref<320000xi32, #tpu.memory_space<hbm>> -> memref<80xi32, #tpu.memory_space<hbm>>
      %dma_wait3A_74 = tpu.memref_slice %arg7[%add3A_70] : memref<320000xi32, #tpu.memory_space<hbm>> -> memref<80xi32, #tpu.memory_space<hbm>>
      tpu.wait_dma2 semaphore(%arg23 : memref<!tpu.dma_semaphore, #tpu.memory_space<semaphore_mem>>) src(%dma_wait3A_74 : memref<80xi32, #tpu.memory_space<hbm>>) dst(%arg21 : memref<80xi32, #tpu.memory_space<vmem>>)
      %dma_start3A_75 = arith.constant 0 : i32
      %dma_start3A_76 = arith.constant 0 : i32
      %dma_start3A_77 = tpu.memref_slice %arg3[%dma_start3A_75, %dma_start3A_76] : memref<5000x128xf32, #tpu.memory_space<hbm>> -> memref<5000x128xf32, #tpu.memory_space<hbm>>
      tpu.enqueue_indirect_dma source(%dma_start3A_77 : memref<5000x128xf32, #tpu.memory_space<hbm>>) target(%arg22 : memref<80x128xf32, #tpu.memory_space<vmem>>) offsets(%arg20 : memref<80xi32, #tpu.memory_space<vmem>>) semaphore(%arg24 : memref<!tpu.dma_semaphore, #tpu.memory_space<semaphore_mem>>)
      %dma_wait3A_78 = arith.constant 0 : i32
      %dma_wait3A_79 = arith.constant 0 : i32
      %dma_wait3A_80 = tpu.memref_slice %arg3[%dma_wait3A_78, %dma_wait3A_79] : memref<5000x128xf32, #tpu.memory_space<hbm>> -> memref<5000x128xf32, #tpu.memory_space<hbm>>
      tpu.wait_indirect_dma semaphore(%arg24 : memref<!tpu.dma_semaphore, #tpu.memory_space<semaphore_mem>>) src(%dma_wait3A_80 : memref<5000x128xf32, #tpu.memory_space<hbm>>) dst(%arg22 : memref<80x128xf32, #tpu.memory_space<vmem>>)
      %get3A_81 = arith.constant 0 : index
      %get3A_82 = tpu.vector_load %arg21[%get3A_81] {strides = array<i32>} : memref<80xi32, #tpu.memory_space<vmem>>, vector<16xi32>,
      tpu.vector_store_idx %arg38[%get3A_82], %broadcast_in_dim3A_5 {add = true} : memref<5120xf32, #tpu.memory_space<vmem>>[vector<16xi32>], vector<16xf32>,
      %get3A_83 = arith.constant 16 : index
      %get3A_84 = tpu.vector_load %arg21[%get3A_83] {strides = array<i32>} : memref<80xi32, #tpu.memory_space<vmem>>, vector<16xi32>,
      tpu.vector_store_idx %arg38[%get3A_84], %broadcast_in_dim3A_5 {add = true} : memref<5120xf32, #tpu.memory_space<vmem>>[vector<16xi32>], vector<16xf32>,
      %get3A_85 = arith.constant 32 : index
      %get3A_86 = tpu.vector_load %arg21[%get3A_85] {strides = array<i32>} : memref<80xi32, #tpu.memory_space<vmem>>, vector<16xi32>,
      tpu.vector_store_idx %arg38[%get3A_86], %broadcast_in_dim3A_5 {add = true} : memref<5120xf32, #tpu.memory_space<vmem>>[vector<16xi32>], vector<16xf32>,
      %get3A_87 = arith.constant 48 : index
      %get3A_88 = tpu.vector_load %arg21[%get3A_87] {strides = array<i32>} : memref<80xi32, #tpu.memory_space<vmem>>, vector<16xi32>,
      tpu.vector_store_idx %arg38[%get3A_88], %broadcast_in_dim3A_5 {add = true} : memref<5120xf32, #tpu.memory_space<vmem>>[vector<16xi32>], vector<16xf32>,
      %get3A_89 = arith.constant 64 : index
      %get3A_90 = tpu.vector_load %arg21[%get3A_89] {strides = array<i32>} : memref<80xi32, #tpu.memory_space<vmem>>, vector<16xi32>,
      tpu.vector_store_idx %arg38[%get3A_90], %broadcast_in_dim3A_5 {add = true} : memref<5120xf32, #tpu.memory_space<vmem>>[vector<16xi32>], vector<16xf32>,
      %dma_start3A_91 = arith.constant 0 : i32
      %dma_start3A_92 = arith.constant 0 : i32
      %dma_start3A_93 = tpu.memref_slice %arg13[%dma_start3A_91, %dma_start3A_92] : memref<5120x128xf32, #tpu.memory_space<vmem_shared>> -> memref<5120x128xf32, #tpu.memory_space<vmem_shared>>
      tpu.enqueue_indirect_dma source(%arg22 : memref<80x128xf32, #tpu.memory_space<vmem>>) target(%dma_start3A_93 : memref<5120x128xf32, #tpu.memory_space<vmem_shared>>) offsets(%arg21 : memref<80xi32, #tpu.memory_space<vmem>>) semaphore(%arg25 : memref<!tpu.dma_semaphore, #tpu.memory_space<semaphore_mem>>) {add = true}
      %add3A_94 = arith.constant 240 : i32
      %add3A_95 = arith.addi %mul3A_2, %add3A_94 : i32
      %dma_start3A_96 = tpu.memref_slice %arg6[%add3A_95] : memref<320000xi32, #tpu.memory_space<hbm>> -> memref<80xi32, #tpu.memory_space<hbm>>
      %dma_start3A_97 = tpu.memref_slice %arg6[%add3A_95] : memref<320000xi32, #tpu.memory_space<hbm>> -> memref<80xi32, #tpu.memory_space<hbm>>
      tpu.enqueue_dma source(%dma_start3A_97 : memref<80xi32, #tpu.memory_space<hbm>>) target(%arg32 : memref<80xi32, #tpu.memory_space<vmem>>) target_semaphore(%arg35 : memref<!tpu.dma_semaphore, #tpu.memory_space<semaphore_mem>>)
      %dma_start3A_98 = tpu.memref_slice %arg7[%add3A_95] : memref<320000xi32, #tpu.memory_space<hbm>> -> memref<80xi32, #tpu.memory_space<hbm>>
      %dma_start3A_99 = tpu.memref_slice %arg7[%add3A_95] : memref<320000xi32, #tpu.memory_space<hbm>> -> memref<80xi32, #tpu.memory_space<hbm>>
      tpu.enqueue_dma source(%dma_start3A_99 : memref<80xi32, #tpu.memory_space<hbm>>) target(%arg33 : memref<80xi32, #tpu.memory_space<vmem>>) target_semaphore(%arg35 : memref<!tpu.dma_semaphore, #tpu.memory_space<semaphore_mem>>)
      %add3A_100 = arith.constant 160 : i32
      %add3A_101 = arith.addi %mul3A_2, %add3A_100 : i32
      %dma_wait3A_102 = tpu.memref_slice %arg6[%add3A_101] : memref<320000xi32, #tpu.memory_space<hbm>> -> memref<80xi32, #tpu.memory_space<hbm>>
      %dma_wait3A_103 = tpu.memref_slice %arg6[%add3A_101] : memref<320000xi32, #tpu.memory_space<hbm>> -> memref<80xi32, #tpu.memory_space<hbm>>
      tpu.wait_dma2 semaphore(%arg29 : memref<!tpu.dma_semaphore, #tpu.memory_space<semaphore_mem>>) src(%dma_wait3A_103 : memref<80xi32, #tpu.memory_space<hbm>>) dst(%arg26 : memref<80xi32, #tpu.memory_space<vmem>>)
      %dma_wait3A_104 = tpu.memref_slice %arg7[%add3A_101] : memref<320000xi32, #tpu.memory_space<hbm>> -> memref<80xi32, #tpu.memory_space<hbm>>
      %dma_wait3A_105 = tpu.memref_slice %arg7[%add3A_101] : memref<320000xi32, #tpu.memory_space<hbm>> -> memref<80xi32, #tpu.memory_space<hbm>>
      tpu.wait_dma2 semaphore(%arg29 : memref<!tpu.dma_semaphore, #tpu.memory_space<semaphore_mem>>) src(%dma_wait3A_105 : memref<80xi32, #tpu.memory_space<hbm>>) dst(%arg27 : memref<80xi32, #tpu.memory_space<vmem>>)
      %dma_start3A_106 = arith.constant 0 : i32
      %dma_start3A_107 = arith.constant 0 : i32
      %dma_start3A_108 = tpu.memref_slice %arg3[%dma_start3A_106, %dma_start3A_107] : memref<5000x128xf32, #tpu.memory_space<hbm>> -> memref<5000x128xf32, #tpu.memory_space<hbm>>
      tpu.enqueue_indirect_dma source(%dma_start3A_108 : memref<5000x128xf32, #tpu.memory_space<hbm>>) target(%arg28 : memref<80x128xf32, #tpu.memory_space<vmem>>) offsets(%arg26 : memref<80xi32, #tpu.memory_space<vmem>>) semaphore(%arg30 : memref<!tpu.dma_semaphore, #tpu.memory_space<semaphore_mem>>)
      %scan3A_109 = arith.constant 0 : i32
      %scan3A_110 = arith.constant 61 : i32
      %scan3A_111 = arith.addi %scan3A_109, %scan3A_110 : i32
      %scan3A_112 = arith.constant 1 : i32
      scf.for %scan3A_235 = %scan3A_109 to %scan3A_111 step %scan3A_112  : i32 {
        %mul3A_236 = arith.constant 4 : i32
        %mul3A_237 = arith.muli %mul3A_236, %scan3A_235 : i32
        %add3A_238 = arith.constant 2 : i32
        %add3A_239 = arith.addi %mul3A_237, %add3A_238 : i32
        %add3A_240 = arith.constant 0 : i32
        %add3A_241 = arith.addi %add3A_239, %add3A_240 : i32
        %dma_wait3A_242 = arith.constant 0 : i32
        %dma_wait3A_243 = arith.constant 0 : i32
        %dma_wait3A_244 = tpu.memref_slice %arg3[%dma_wait3A_242, %dma_wait3A_243] : memref<5000x128xf32, #tpu.memory_space<hbm>> -> memref<5000x128xf32, #tpu.memory_space<hbm>>
        tpu.wait_indirect_dma semaphore(%arg30 : memref<!tpu.dma_semaphore, #tpu.memory_space<semaphore_mem>>) src(%dma_wait3A_244 : memref<5000x128xf32, #tpu.memory_space<hbm>>) dst(%arg28 : memref<80x128xf32, #tpu.memory_space<vmem>>)
        %get3A_245 = arith.constant 0 : index
        %get3A_246 = tpu.vector_load %arg27[%get3A_245] {strides = array<i32>} : memref<80xi32, #tpu.memory_space<vmem>>, vector<16xi32>,
        tpu.vector_store_idx %arg38[%get3A_246], %broadcast_in_dim3A_5 {add = true} : memref<5120xf32, #tpu.memory_space<vmem>>[vector<16xi32>], vector<16xf32>,
        %get3A_247 = arith.constant 16 : index
        %get3A_248 = tpu.vector_load %arg27[%get3A_247] {strides = array<i32>} : memref<80xi32, #tpu.memory_space<vmem>>, vector<16xi32>,
        tpu.vector_store_idx %arg38[%get3A_248], %broadcast_in_dim3A_5 {add = true} : memref<5120xf32, #tpu.memory_space<vmem>>[vector<16xi32>], vector<16xf32>,
        %get3A_249 = arith.constant 32 : index
        %get3A_250 = tpu.vector_load %arg27[%get3A_249] {strides = array<i32>} : memref<80xi32, #tpu.memory_space<vmem>>, vector<16xi32>,
        tpu.vector_store_idx %arg38[%get3A_250], %broadcast_in_dim3A_5 {add = true} : memref<5120xf32, #tpu.memory_space<vmem>>[vector<16xi32>], vector<16xf32>,
        %get3A_251 = arith.constant 48 : index
        %get3A_252 = tpu.vector_load %arg27[%get3A_251] {strides = array<i32>} : memref<80xi32, #tpu.memory_space<vmem>>, vector<16xi32>,
        tpu.vector_store_idx %arg38[%get3A_252], %broadcast_in_dim3A_5 {add = true} : memref<5120xf32, #tpu.memory_space<vmem>>[vector<16xi32>], vector<16xf32>,
        %get3A_253 = arith.constant 64 : index
        %get3A_254 = tpu.vector_load %arg27[%get3A_253] {strides = array<i32>} : memref<80xi32, #tpu.memory_space<vmem>>, vector<16xi32>,
        tpu.vector_store_idx %arg38[%get3A_254], %broadcast_in_dim3A_5 {add = true} : memref<5120xf32, #tpu.memory_space<vmem>>[vector<16xi32>], vector<16xf32>,
        %dma_start3A_255 = arith.constant 0 : i32
        %dma_start3A_256 = arith.constant 0 : i32
        %dma_start3A_257 = tpu.memref_slice %arg13[%dma_start3A_255, %dma_start3A_256] : memref<5120x128xf32, #tpu.memory_space<vmem_shared>> -> memref<5120x128xf32, #tpu.memory_space<vmem_shared>>
        tpu.enqueue_indirect_dma source(%arg28 : memref<80x128xf32, #tpu.memory_space<vmem>>) target(%dma_start3A_257 : memref<5120x128xf32, #tpu.memory_space<vmem_shared>>) offsets(%arg27 : memref<80xi32, #tpu.memory_space<vmem>>) semaphore(%arg31 : memref<!tpu.dma_semaphore, #tpu.memory_space<semaphore_mem>>) {add = true}
        %dma_wait3A_258 = arith.constant 0 : i32
        %dma_wait3A_259 = arith.constant 0 : i32
        %dma_wait3A_260 = tpu.memref_slice %arg13[%dma_wait3A_258, %dma_wait3A_259] : memref<5120x128xf32, #tpu.memory_space<vmem_shared>> -> memref<5120x128xf32, #tpu.memory_space<vmem_shared>>
        tpu.wait_indirect_dma semaphore(%arg19 : memref<!tpu.dma_semaphore, #tpu.memory_space<semaphore_mem>>) src(%arg16 : memref<80x128xf32, #tpu.memory_space<vmem>>) dst(%dma_wait3A_260 : memref<5120x128xf32, #tpu.memory_space<vmem_shared>>)
        %add3A_261 = arith.constant 2 : i32
        %add3A_262 = arith.addi %add3A_241, %add3A_261 : i32
        %mul3A_263 = arith.constant 80 : i32
        %mul3A_264 = arith.muli %add3A_262, %mul3A_263 : i32
        %add3A_265 = arith.addi %mul3A_2, %mul3A_264 : i32
        %dma_start3A_266 = tpu.memref_slice %arg6[%add3A_265] : memref<320000xi32, #tpu.memory_space<hbm>> -> memref<80xi32, #tpu.memory_space<hbm>>
        %dma_start3A_267 = tpu.memref_slice %arg6[%add3A_265] : memref<320000xi32, #tpu.memory_space<hbm>> -> memref<80xi32, #tpu.memory_space<hbm>>
        tpu.enqueue_dma source(%dma_start3A_267 : memref<80xi32, #tpu.memory_space<hbm>>) target(%arg14 : memref<80xi32, #tpu.memory_space<vmem>>) target_semaphore(%arg17 : memref<!tpu.dma_semaphore, #tpu.memory_space<semaphore_mem>>)
        %dma_start3A_268 = tpu.memref_slice %arg7[%add3A_265] : memref<320000xi32, #tpu.memory_space<hbm>> -> memref<80xi32, #tpu.memory_space<hbm>>
        %dma_start3A_269 = tpu.memref_slice %arg7[%add3A_265] : memref<320000xi32, #tpu.memory_space<hbm>> -> memref<80xi32, #tpu.memory_space<hbm>>
        tpu.enqueue_dma source(%dma_start3A_269 : memref<80xi32, #tpu.memory_space<hbm>>) target(%arg15 : memref<80xi32, #tpu.memory_space<vmem>>) target_semaphore(%arg17 : memref<!tpu.dma_semaphore, #tpu.memory_space<semaphore_mem>>)
        %add3A_270 = arith.constant 1 : i32
        %add3A_271 = arith.addi %add3A_241, %add3A_270 : i32
        %mul3A_272 = arith.constant 80 : i32
        %mul3A_273 = arith.muli %add3A_271, %mul3A_272 : i32
        %add3A_274 = arith.addi %mul3A_2, %mul3A_273 : i32
        %dma_wait3A_275 = tpu.memref_slice %arg6[%add3A_274] : memref<320000xi32, #tpu.memory_space<hbm>> -> memref<80xi32, #tpu.memory_space<hbm>>
        %dma_wait3A_276 = tpu.memref_slice %arg6[%add3A_274] : memref<320000xi32, #tpu.memory_space<hbm>> -> memref<80xi32, #tpu.memory_space<hbm>>
        tpu.wait_dma2 semaphore(%arg35 : memref<!tpu.dma_semaphore, #tpu.memory_space<semaphore_mem>>) src(%dma_wait3A_276 : memref<80xi32, #tpu.memory_space<hbm>>) dst(%arg32 : memref<80xi32, #tpu.memory_space<vmem>>)
        %dma_wait3A_277 = tpu.memref_slice %arg7[%add3A_274] : memref<320000xi32, #tpu.memory_space<hbm>> -> memref<80xi32, #tpu.memory_space<hbm>>
        %dma_wait3A_278 = tpu.memref_slice %arg7[%add3A_274] : memref<320000xi32, #tpu.memory_space<hbm>> -> memref<80xi32, #tpu.memory_space<hbm>>
        tpu.wait_dma2 semaphore(%arg35 : memref<!tpu.dma_semaphore, #tpu.memory_space<semaphore_mem>>) src(%dma_wait3A_278 : memref<80xi32, #tpu.memory_space<hbm>>) dst(%arg33 : memref<80xi32, #tpu.memory_space<vmem>>)
        %dma_start3A_279 = arith.constant 0 : i32
        %dma_start3A_280 = arith.constant 0 : i32
        %dma_start3A_281 = tpu.memref_slice %arg3[%dma_start3A_279, %dma_start3A_280] : memref<5000x128xf32, #tpu.memory_space<hbm>> -> memref<5000x128xf32, #tpu.memory_space<hbm>>
        tpu.enqueue_indirect_dma source(%dma_start3A_281 : memref<5000x128xf32, #tpu.memory_space<hbm>>) target(%arg34 : memref<80x128xf32, #tpu.memory_space<vmem>>) offsets(%arg32 : memref<80xi32, #tpu.memory_space<vmem>>) semaphore(%arg36 : memref<!tpu.dma_semaphore, #tpu.memory_space<semaphore_mem>>)
        %add3A_282 = arith.constant 1 : i32
        %add3A_283 = arith.addi %add3A_239, %add3A_282 : i32
        %dma_wait3A_284 = arith.constant 0 : i32
        %dma_wait3A_285 = arith.constant 0 : i32
        %dma_wait3A_286 = tpu.memref_slice %arg3[%dma_wait3A_284, %dma_wait3A_285] : memref<5000x128xf32, #tpu.memory_space<hbm>> -> memref<5000x128xf32, #tpu.memory_space<hbm>>
        tpu.wait_indirect_dma semaphore(%arg36 : memref<!tpu.dma_semaphore, #tpu.memory_space<semaphore_mem>>) src(%dma_wait3A_286 : memref<5000x128xf32, #tpu.memory_space<hbm>>) dst(%arg34 : memref<80x128xf32, #tpu.memory_space<vmem>>)
        %get3A_287 = arith.constant 0 : index
        %get3A_288 = tpu.vector_load %arg33[%get3A_287] {strides = array<i32>} : memref<80xi32, #tpu.memory_space<vmem>>, vector<16xi32>,
        tpu.vector_store_idx %arg38[%get3A_288], %broadcast_in_dim3A_5 {add = true} : memref<5120xf32, #tpu.memory_space<vmem>>[vector<16xi32>], vector<16xf32>,
        %get3A_289 = arith.constant 16 : index
        %get3A_290 = tpu.vector_load %arg33[%get3A_289] {strides = array<i32>} : memref<80xi32, #tpu.memory_space<vmem>>, vector<16xi32>,
        tpu.vector_store_idx %arg38[%get3A_290], %broadcast_in_dim3A_5 {add = true} : memref<5120xf32, #tpu.memory_space<vmem>>[vector<16xi32>], vector<16xf32>,
        %get3A_291 = arith.constant 32 : index
        %get3A_292 = tpu.vector_load %arg33[%get3A_291] {strides = array<i32>} : memref<80xi32, #tpu.memory_space<vmem>>, vector<16xi32>,
        tpu.vector_store_idx %arg38[%get3A_292], %broadcast_in_dim3A_5 {add = true} : memref<5120xf32, #tpu.memory_space<vmem>>[vector<16xi32>], vector<16xf32>,
        %get3A_293 = arith.constant 48 : index
        %get3A_294 = tpu.vector_load %arg33[%get3A_293] {strides = array<i32>} : memref<80xi32, #tpu.memory_space<vmem>>, vector<16xi32>,
        tpu.vector_store_idx %arg38[%get3A_294], %broadcast_in_dim3A_5 {add = true} : memref<5120xf32, #tpu.memory_space<vmem>>[vector<16xi32>], vector<16xf32>,
        %get3A_295 = arith.constant 64 : index
        %get3A_296 = tpu.vector_load %arg33[%get3A_295] {strides = array<i32>} : memref<80xi32, #tpu.memory_space<vmem>>, vector<16xi32>,
        tpu.vector_store_idx %arg38[%get3A_296], %broadcast_in_dim3A_5 {add = true} : memref<5120xf32, #tpu.memory_space<vmem>>[vector<16xi32>], vector<16xf32>,
        %dma_start3A_297 = arith.constant 0 : i32
        %dma_start3A_298 = arith.constant 0 : i32
        %dma_start3A_299 = tpu.memref_slice %arg13[%dma_start3A_297, %dma_start3A_298] : memref<5120x128xf32, #tpu.memory_space<vmem_shared>> -> memref<5120x128xf32, #tpu.memory_space<vmem_shared>>
        tpu.enqueue_indirect_dma source(%arg34 : memref<80x128xf32, #tpu.memory_space<vmem>>) target(%dma_start3A_299 : memref<5120x128xf32, #tpu.memory_space<vmem_shared>>) offsets(%arg33 : memref<80xi32, #tpu.memory_space<vmem>>) semaphore(%arg37 : memref<!tpu.dma_semaphore, #tpu.memory_space<semaphore_mem>>) {add = true}
        %dma_wait3A_300 = arith.constant 0 : i32
        %dma_wait3A_301 = arith.constant 0 : i32
        %dma_wait3A_302 = tpu.memref_slice %arg13[%dma_wait3A_300, %dma_wait3A_301] : memref<5120x128xf32, #tpu.memory_space<vmem_shared>> -> memref<5120x128xf32, #tpu.memory_space<vmem_shared>>
        tpu.wait_indirect_dma semaphore(%arg25 : memref<!tpu.dma_semaphore, #tpu.memory_space<semaphore_mem>>) src(%arg22 : memref<80x128xf32, #tpu.memory_space<vmem>>) dst(%dma_wait3A_302 : memref<5120x128xf32, #tpu.memory_space<vmem_shared>>)
        %add3A_303 = arith.constant 2 : i32
        %add3A_304 = arith.addi %add3A_283, %add3A_303 : i32
        %mul3A_305 = arith.constant 80 : i32
        %mul3A_306 = arith.muli %add3A_304, %mul3A_305 : i32
        %add3A_307 = arith.addi %mul3A_2, %mul3A_306 : i32
        %dma_start3A_308 = tpu.memref_slice %arg6[%add3A_307] : memref<320000xi32, #tpu.memory_space<hbm>> -> memref<80xi32, #tpu.memory_space<hbm>>
        %dma_start3A_309 = tpu.memref_slice %arg6[%add3A_307] : memref<320000xi32, #tpu.memory_space<hbm>> -> memref<80xi32, #tpu.memory_space<hbm>>
        tpu.enqueue_dma source(%dma_start3A_309 : memref<80xi32, #tpu.memory_space<hbm>>) target(%arg20 : memref<80xi32, #tpu.memory_space<vmem>>) target_semaphore(%arg23 : memref<!tpu.dma_semaphore, #tpu.memory_space<semaphore_mem>>)
        %dma_start3A_310 = tpu.memref_slice %arg7[%add3A_307] : memref<320000xi32, #tpu.memory_space<hbm>> -> memref<80xi32, #tpu.memory_space<hbm>>
        %dma_start3A_311 = tpu.memref_slice %arg7[%add3A_307] : memref<320000xi32, #tpu.memory_space<hbm>> -> memref<80xi32, #tpu.memory_space<hbm>>
        tpu.enqueue_dma source(%dma_start3A_311 : memref<80xi32, #tpu.memory_space<hbm>>) target(%arg21 : memref<80xi32, #tpu.memory_space<vmem>>) target_semaphore(%arg23 : memref<!tpu.dma_semaphore, #tpu.memory_space<semaphore_mem>>)
        %add3A_312 = arith.constant 1 : i32
        %add3A_313 = arith.addi %add3A_283, %add3A_312 : i32
        %mul3A_314 = arith.constant 80 : i32
        %mul3A_315 = arith.muli %add3A_313, %mul3A_314 : i32
        %add3A_316 = arith.addi %mul3A_2, %mul3A_315 : i32
        %dma_wait3A_317 = tpu.memref_slice %arg6[%add3A_316] : memref<320000xi32, #tpu.memory_space<hbm>> -> memref<80xi32, #tpu.memory_space<hbm>>
        %dma_wait3A_318 = tpu.memref_slice %arg6[%add3A_316] : memref<320000xi32, #tpu.memory_space<hbm>> -> memref<80xi32, #tpu.memory_space<hbm>>
        tpu.wait_dma2 semaphore(%arg17 : memref<!tpu.dma_semaphore, #tpu.memory_space<semaphore_mem>>) src(%dma_wait3A_318 : memref<80xi32, #tpu.memory_space<hbm>>) dst(%arg14 : memref<80xi32, #tpu.memory_space<vmem>>)
        %dma_wait3A_319 = tpu.memref_slice %arg7[%add3A_316] : memref<320000xi32, #tpu.memory_space<hbm>> -> memref<80xi32, #tpu.memory_space<hbm>>
        %dma_wait3A_320 = tpu.memref_slice %arg7[%add3A_316] : memref<320000xi32, #tpu.memory_space<hbm>> -> memref<80xi32, #tpu.memory_space<hbm>>
        tpu.wait_dma2 semaphore(%arg17 : memref<!tpu.dma_semaphore, #tpu.memory_space<semaphore_mem>>) src(%dma_wait3A_320 : memref<80xi32, #tpu.memory_space<hbm>>) dst(%arg15 : memref<80xi32, #tpu.memory_space<vmem>>)
        %dma_start3A_321 = arith.constant 0 : i32
        %dma_start3A_322 = arith.constant 0 : i32
        %dma_start3A_323 = tpu.memref_slice %arg3[%dma_start3A_321, %dma_start3A_322] : memref<5000x128xf32, #tpu.memory_space<hbm>> -> memref<5000x128xf32, #tpu.memory_space<hbm>>
        tpu.enqueue_indirect_dma source(%dma_start3A_323 : memref<5000x128xf32, #tpu.memory_space<hbm>>) target(%arg16 : memref<80x128xf32, #tpu.memory_space<vmem>>) offsets(%arg14 : memref<80xi32, #tpu.memory_space<vmem>>) semaphore(%arg18 : memref<!tpu.dma_semaphore, #tpu.memory_space<semaphore_mem>>)
        %add3A_324 = arith.constant 2 : i32
        %add3A_325 = arith.addi %add3A_239, %add3A_324 : i32
        %dma_wait3A_326 = arith.constant 0 : i32
        %dma_wait3A_327 = arith.constant 0 : i32
        %dma_wait3A_328 = tpu.memref_slice %arg3[%dma_wait3A_326, %dma_wait3A_327] : memref<5000x128xf32, #tpu.memory_space<hbm>> -> memref<5000x128xf32, #tpu.memory_space<hbm>>
        tpu.wait_indirect_dma semaphore(%arg18 : memref<!tpu.dma_semaphore, #tpu.memory_space<semaphore_mem>>) src(%dma_wait3A_328 : memref<5000x128xf32, #tpu.memory_space<hbm>>) dst(%arg16 : memref<80x128xf32, #tpu.memory_space<vmem>>)
        %get3A_329 = arith.constant 0 : index
        %get3A_330 = tpu.vector_load %arg15[%get3A_329] {strides = array<i32>} : memref<80xi32, #tpu.memory_space<vmem>>, vector<16xi32>,
        tpu.vector_store_idx %arg38[%get3A_330], %broadcast_in_dim3A_5 {add = true} : memref<5120xf32, #tpu.memory_space<vmem>>[vector<16xi32>], vector<16xf32>,
        %get3A_331 = arith.constant 16 : index
        %get3A_332 = tpu.vector_load %arg15[%get3A_331] {strides = array<i32>} : memref<80xi32, #tpu.memory_space<vmem>>, vector<16xi32>,
        tpu.vector_store_idx %arg38[%get3A_332], %broadcast_in_dim3A_5 {add = true} : memref<5120xf32, #tpu.memory_space<vmem>>[vector<16xi32>], vector<16xf32>,
        %get3A_333 = arith.constant 32 : index
        %get3A_334 = tpu.vector_load %arg15[%get3A_333] {strides = array<i32>} : memref<80xi32, #tpu.memory_space<vmem>>, vector<16xi32>,
        tpu.vector_store_idx %arg38[%get3A_334], %broadcast_in_dim3A_5 {add = true} : memref<5120xf32, #tpu.memory_space<vmem>>[vector<16xi32>], vector<16xf32>,
        %get3A_335 = arith.constant 48 : index
        %get3A_336 = tpu.vector_load %arg15[%get3A_335] {strides = array<i32>} : memref<80xi32, #tpu.memory_space<vmem>>, vector<16xi32>,
        tpu.vector_store_idx %arg38[%get3A_336], %broadcast_in_dim3A_5 {add = true} : memref<5120xf32, #tpu.memory_space<vmem>>[vector<16xi32>], vector<16xf32>,
        %get3A_337 = arith.constant 64 : index
        %get3A_338 = tpu.vector_load %arg15[%get3A_337] {strides = array<i32>} : memref<80xi32, #tpu.memory_space<vmem>>, vector<16xi32>,
        tpu.vector_store_idx %arg38[%get3A_338], %broadcast_in_dim3A_5 {add = true} : memref<5120xf32, #tpu.memory_space<vmem>>[vector<16xi32>], vector<16xf32>,
        %dma_start3A_339 = arith.constant 0 : i32
        %dma_start3A_340 = arith.constant 0 : i32
        %dma_start3A_341 = tpu.memref_slice %arg13[%dma_start3A_339, %dma_start3A_340] : memref<5120x128xf32, #tpu.memory_space<vmem_shared>> -> memref<5120x128xf32, #tpu.memory_space<vmem_shared>>
        tpu.enqueue_indirect_dma source(%arg16 : memref<80x128xf32, #tpu.memory_space<vmem>>) target(%dma_start3A_341 : memref<5120x128xf32, #tpu.memory_space<vmem_shared>>) offsets(%arg15 : memref<80xi32, #tpu.memory_space<vmem>>) semaphore(%arg19 : memref<!tpu.dma_semaphore, #tpu.memory_space<semaphore_mem>>) {add = true}
        %dma_wait3A_342 = arith.constant 0 : i32
        %dma_wait3A_343 = arith.constant 0 : i32
        %dma_wait3A_344 = tpu.memref_slice %arg13[%dma_wait3A_342, %dma_wait3A_343] : memref<5120x128xf32, #tpu.memory_space<vmem_shared>> -> memref<5120x128xf32, #tpu.memory_space<vmem_shared>>
        tpu.wait_indirect_dma semaphore(%arg31 : memref<!tpu.dma_semaphore, #tpu.memory_space<semaphore_mem>>) src(%arg28 : memref<80x128xf32, #tpu.memory_space<vmem>>) dst(%dma_wait3A_344 : memref<5120x128xf32, #tpu.memory_space<vmem_shared>>)
        %add3A_345 = arith.constant 2 : i32
        %add3A_346 = arith.addi %add3A_325, %add3A_345 : i32
        %mul3A_347 = arith.constant 80 : i32
        %mul3A_348 = arith.muli %add3A_346, %mul3A_347 : i32
        %add3A_349 = arith.addi %mul3A_2, %mul3A_348 : i32
        %dma_start3A_350 = tpu.memref_slice %arg6[%add3A_349] : memref<320000xi32, #tpu.memory_space<hbm>> -> memref<80xi32, #tpu.memory_space<hbm>>
        %dma_start3A_351 = tpu.memref_slice %arg6[%add3A_349] : memref<320000xi32, #tpu.memory_space<hbm>> -> memref<80xi32, #tpu.memory_space<hbm>>
        tpu.enqueue_dma source(%dma_start3A_351 : memref<80xi32, #tpu.memory_space<hbm>>) target(%arg26 : memref<80xi32, #tpu.memory_space<vmem>>) target_semaphore(%arg29 : memref<!tpu.dma_semaphore, #tpu.memory_space<semaphore_mem>>)
        %dma_start3A_352 = tpu.memref_slice %arg7[%add3A_349] : memref<320000xi32, #tpu.memory_space<hbm>> -> memref<80xi32, #tpu.memory_space<hbm>>
        %dma_start3A_353 = tpu.memref_slice %arg7[%add3A_349] : memref<320000xi32, #tpu.memory_space<hbm>> -> memref<80xi32, #tpu.memory_space<hbm>>
        tpu.enqueue_dma source(%dma_start3A_353 : memref<80xi32, #tpu.memory_space<hbm>>) target(%arg27 : memref<80xi32, #tpu.memory_space<vmem>>) target_semaphore(%arg29 : memref<!tpu.dma_semaphore, #tpu.memory_space<semaphore_mem>>)
        %add3A_354 = arith.constant 1 : i32
        %add3A_355 = arith.addi %add3A_325, %add3A_354 : i32
        %mul3A_356 = arith.constant 80 : i32
        %mul3A_357 = arith.muli %add3A_355, %mul3A_356 : i32
        %add3A_358 = arith.addi %mul3A_2, %mul3A_357 : i32
        %dma_wait3A_359 = tpu.memref_slice %arg6[%add3A_358] : memref<320000xi32, #tpu.memory_space<hbm>> -> memref<80xi32, #tpu.memory_space<hbm>>
        %dma_wait3A_360 = tpu.memref_slice %arg6[%add3A_358] : memref<320000xi32, #tpu.memory_space<hbm>> -> memref<80xi32, #tpu.memory_space<hbm>>
        tpu.wait_dma2 semaphore(%arg23 : memref<!tpu.dma_semaphore, #tpu.memory_space<semaphore_mem>>) src(%dma_wait3A_360 : memref<80xi32, #tpu.memory_space<hbm>>) dst(%arg20 : memref<80xi32, #tpu.memory_space<vmem>>)
        %dma_wait3A_361 = tpu.memref_slice %arg7[%add3A_358] : memref<320000xi32, #tpu.memory_space<hbm>> -> memref<80xi32, #tpu.memory_space<hbm>>
        %dma_wait3A_362 = tpu.memref_slice %arg7[%add3A_358] : memref<320000xi32, #tpu.memory_space<hbm>> -> memref<80xi32, #tpu.memory_space<hbm>>
        tpu.wait_dma2 semaphore(%arg23 : memref<!tpu.dma_semaphore, #tpu.memory_space<semaphore_mem>>) src(%dma_wait3A_362 : memref<80xi32, #tpu.memory_space<hbm>>) dst(%arg21 : memref<80xi32, #tpu.memory_space<vmem>>)
        %dma_start3A_363 = arith.constant 0 : i32
        %dma_start3A_364 = arith.constant 0 : i32
        %dma_start3A_365 = tpu.memref_slice %arg3[%dma_start3A_363, %dma_start3A_364] : memref<5000x128xf32, #tpu.memory_space<hbm>> -> memref<5000x128xf32, #tpu.memory_space<hbm>>
        tpu.enqueue_indirect_dma source(%dma_start3A_365 : memref<5000x128xf32, #tpu.memory_space<hbm>>) target(%arg22 : memref<80x128xf32, #tpu.memory_space<vmem>>) offsets(%arg20 : memref<80xi32, #tpu.memory_space<vmem>>) semaphore(%arg24 : memref<!tpu.dma_semaphore, #tpu.memory_space<semaphore_mem>>)
        %add3A_366 = arith.constant 3 : i32
        %add3A_367 = arith.addi %add3A_239, %add3A_366 : i32
        %dma_wait3A_368 = arith.constant 0 : i32
        %dma_wait3A_369 = arith.constant 0 : i32
        %dma_wait3A_370 = tpu.memref_slice %arg3[%dma_wait3A_368, %dma_wait3A_369] : memref<5000x128xf32, #tpu.memory_space<hbm>> -> memref<5000x128xf32, #tpu.memory_space<hbm>>
        tpu.wait_indirect_dma semaphore(%arg24 : memref<!tpu.dma_semaphore, #tpu.memory_space<semaphore_mem>>) src(%dma_wait3A_370 : memref<5000x128xf32, #tpu.memory_space<hbm>>) dst(%arg22 : memref<80x128xf32, #tpu.memory_space<vmem>>)
        %get3A_371 = arith.constant 0 : index
        %get3A_372 = tpu.vector_load %arg21[%get3A_371] {strides = array<i32>} : memref<80xi32, #tpu.memory_space<vmem>>, vector<16xi32>,
        tpu.vector_store_idx %arg38[%get3A_372], %broadcast_in_dim3A_5 {add = true} : memref<5120xf32, #tpu.memory_space<vmem>>[vector<16xi32>], vector<16xf32>,
        %get3A_373 = arith.constant 16 : index
        %get3A_374 = tpu.vector_load %arg21[%get3A_373] {strides = array<i32>} : memref<80xi32, #tpu.memory_space<vmem>>, vector<16xi32>,
        tpu.vector_store_idx %arg38[%get3A_374], %broadcast_in_dim3A_5 {add = true} : memref<5120xf32, #tpu.memory_space<vmem>>[vector<16xi32>], vector<16xf32>,
        %get3A_375 = arith.constant 32 : index
        %get3A_376 = tpu.vector_load %arg21[%get3A_375] {strides = array<i32>} : memref<80xi32, #tpu.memory_space<vmem>>, vector<16xi32>,
        tpu.vector_store_idx %arg38[%get3A_376], %broadcast_in_dim3A_5 {add = true} : memref<5120xf32, #tpu.memory_space<vmem>>[vector<16xi32>], vector<16xf32>,
        %get3A_377 = arith.constant 48 : index
        %get3A_378 = tpu.vector_load %arg21[%get3A_377] {strides = array<i32>} : memref<80xi32, #tpu.memory_space<vmem>>, vector<16xi32>,
        tpu.vector_store_idx %arg38[%get3A_378], %broadcast_in_dim3A_5 {add = true} : memref<5120xf32, #tpu.memory_space<vmem>>[vector<16xi32>], vector<16xf32>,
        %get3A_379 = arith.constant 64 : index
        %get3A_380 = tpu.vector_load %arg21[%get3A_379] {strides = array<i32>} : memref<80xi32, #tpu.memory_space<vmem>>, vector<16xi32>,
        tpu.vector_store_idx %arg38[%get3A_380], %broadcast_in_dim3A_5 {add = true} : memref<5120xf32, #tpu.memory_space<vmem>>[vector<16xi32>], vector<16xf32>,
        %dma_start3A_381 = arith.constant 0 : i32
        %dma_start3A_382 = arith.constant 0 : i32
        %dma_start3A_383 = tpu.memref_slice %arg13[%dma_start3A_381, %dma_start3A_382] : memref<5120x128xf32, #tpu.memory_space<vmem_shared>> -> memref<5120x128xf32, #tpu.memory_space<vmem_shared>>
        tpu.enqueue_indirect_dma source(%arg22 : memref<80x128xf32, #tpu.memory_space<vmem>>) target(%dma_start3A_383 : memref<5120x128xf32, #tpu.memory_space<vmem_shared>>) offsets(%arg21 : memref<80xi32, #tpu.memory_space<vmem>>) semaphore(%arg25 : memref<!tpu.dma_semaphore, #tpu.memory_space<semaphore_mem>>) {add = true}
        %dma_wait3A_384 = arith.constant 0 : i32
        %dma_wait3A_385 = arith.constant 0 : i32
        %dma_wait3A_386 = tpu.memref_slice %arg13[%dma_wait3A_384, %dma_wait3A_385] : memref<5120x128xf32, #tpu.memory_space<vmem_shared>> -> memref<5120x128xf32, #tpu.memory_space<vmem_shared>>
        tpu.wait_indirect_dma semaphore(%arg37 : memref<!tpu.dma_semaphore, #tpu.memory_space<semaphore_mem>>) src(%arg34 : memref<80x128xf32, #tpu.memory_space<vmem>>) dst(%dma_wait3A_386 : memref<5120x128xf32, #tpu.memory_space<vmem_shared>>)
        %add3A_387 = arith.constant 2 : i32
        %add3A_388 = arith.addi %add3A_367, %add3A_387 : i32
        %mul3A_389 = arith.constant 80 : i32
        %mul3A_390 = arith.muli %add3A_388, %mul3A_389 : i32
        %add3A_391 = arith.addi %mul3A_2, %mul3A_390 : i32
        %dma_start3A_392 = tpu.memref_slice %arg6[%add3A_391] : memref<320000xi32, #tpu.memory_space<hbm>> -> memref<80xi32, #tpu.memory_space<hbm>>
        %dma_start3A_393 = tpu.memref_slice %arg6[%add3A_391] : memref<320000xi32, #tpu.memory_space<hbm>> -> memref<80xi32, #tpu.memory_space<hbm>>
        tpu.enqueue_dma source(%dma_start3A_393 : memref<80xi32, #tpu.memory_space<hbm>>) target(%arg32 : memref<80xi32, #tpu.memory_space<vmem>>) target_semaphore(%arg35 : memref<!tpu.dma_semaphore, #tpu.memory_space<semaphore_mem>>)
        %dma_start3A_394 = tpu.memref_slice %arg7[%add3A_391] : memref<320000xi32, #tpu.memory_space<hbm>> -> memref<80xi32, #tpu.memory_space<hbm>>
        %dma_start3A_395 = tpu.memref_slice %arg7[%add3A_391] : memref<320000xi32, #tpu.memory_space<hbm>> -> memref<80xi32, #tpu.memory_space<hbm>>
        tpu.enqueue_dma source(%dma_start3A_395 : memref<80xi32, #tpu.memory_space<hbm>>) target(%arg33 : memref<80xi32, #tpu.memory_space<vmem>>) target_semaphore(%arg35 : memref<!tpu.dma_semaphore, #tpu.memory_space<semaphore_mem>>)
        %add3A_396 = arith.constant 1 : i32
        %add3A_397 = arith.addi %add3A_367, %add3A_396 : i32
        %mul3A_398 = arith.constant 80 : i32
        %mul3A_399 = arith.muli %add3A_397, %mul3A_398 : i32
        %add3A_400 = arith.addi %mul3A_2, %mul3A_399 : i32
        %dma_wait3A_401 = tpu.memref_slice %arg6[%add3A_400] : memref<320000xi32, #tpu.memory_space<hbm>> -> memref<80xi32, #tpu.memory_space<hbm>>
        %dma_wait3A_402 = tpu.memref_slice %arg6[%add3A_400] : memref<320000xi32, #tpu.memory_space<hbm>> -> memref<80xi32, #tpu.memory_space<hbm>>
        tpu.wait_dma2 semaphore(%arg29 : memref<!tpu.dma_semaphore, #tpu.memory_space<semaphore_mem>>) src(%dma_wait3A_402 : memref<80xi32, #tpu.memory_space<hbm>>) dst(%arg26 : memref<80xi32, #tpu.memory_space<vmem>>)
        %dma_wait3A_403 = tpu.memref_slice %arg7[%add3A_400] : memref<320000xi32, #tpu.memory_space<hbm>> -> memref<80xi32, #tpu.memory_space<hbm>>
        %dma_wait3A_404 = tpu.memref_slice %arg7[%add3A_400] : memref<320000xi32, #tpu.memory_space<hbm>> -> memref<80xi32, #tpu.memory_space<hbm>>
        tpu.wait_dma2 semaphore(%arg29 : memref<!tpu.dma_semaphore, #tpu.memory_space<semaphore_mem>>) src(%dma_wait3A_404 : memref<80xi32, #tpu.memory_space<hbm>>) dst(%arg27 : memref<80xi32, #tpu.memory_space<vmem>>)
        %dma_start3A_405 = arith.constant 0 : i32
        %dma_start3A_406 = arith.constant 0 : i32
        %dma_start3A_407 = tpu.memref_slice %arg3[%dma_start3A_405, %dma_start3A_406] : memref<5000x128xf32, #tpu.memory_space<hbm>> -> memref<5000x128xf32, #tpu.memory_space<hbm>>
        tpu.enqueue_indirect_dma source(%dma_start3A_407 : memref<5000x128xf32, #tpu.memory_space<hbm>>) target(%arg28 : memref<80x128xf32, #tpu.memory_space<vmem>>) offsets(%arg26 : memref<80xi32, #tpu.memory_space<vmem>>) semaphore(%arg30 : memref<!tpu.dma_semaphore, #tpu.memory_space<semaphore_mem>>)
      }
      %scan3A_113 = arith.constant 61 : i32
      %dma_wait3A_114 = arith.constant 0 : i32
      %dma_wait3A_115 = arith.constant 0 : i32
      %dma_wait3A_116 = tpu.memref_slice %arg3[%dma_wait3A_114, %dma_wait3A_115] : memref<5000x128xf32, #tpu.memory_space<hbm>> -> memref<5000x128xf32, #tpu.memory_space<hbm>>
      tpu.wait_indirect_dma semaphore(%arg30 : memref<!tpu.dma_semaphore, #tpu.memory_space<semaphore_mem>>) src(%dma_wait3A_116 : memref<5000x128xf32, #tpu.memory_space<hbm>>) dst(%arg28 : memref<80x128xf32, #tpu.memory_space<vmem>>)
      %get3A_117 = arith.constant 0 : index
      %get3A_118 = tpu.vector_load %arg27[%get3A_117] {strides = array<i32>} : memref<80xi32, #tpu.memory_space<vmem>>, vector<16xi32>,
      tpu.vector_store_idx %arg38[%get3A_118], %broadcast_in_dim3A_5 {add = true} : memref<5120xf32, #tpu.memory_space<vmem>>[vector<16xi32>], vector<16xf32>,
      %get3A_119 = arith.constant 16 : index
      %get3A_120 = tpu.vector_load %arg27[%get3A_119] {strides = array<i32>} : memref<80xi32, #tpu.memory_space<vmem>>, vector<16xi32>,
      tpu.vector_store_idx %arg38[%get3A_120], %broadcast_in_dim3A_5 {add = true} : memref<5120xf32, #tpu.memory_space<vmem>>[vector<16xi32>], vector<16xf32>,
      %get3A_121 = arith.constant 32 : index
      %get3A_122 = tpu.vector_load %arg27[%get3A_121] {strides = array<i32>} : memref<80xi32, #tpu.memory_space<vmem>>, vector<16xi32>,
      tpu.vector_store_idx %arg38[%get3A_122], %broadcast_in_dim3A_5 {add = true} : memref<5120xf32, #tpu.memory_space<vmem>>[vector<16xi32>], vector<16xf32>,
      %get3A_123 = arith.constant 48 : index
      %get3A_124 = tpu.vector_load %arg27[%get3A_123] {strides = array<i32>} : memref<80xi32, #tpu.memory_space<vmem>>, vector<16xi32>,
      tpu.vector_store_idx %arg38[%get3A_124], %broadcast_in_dim3A_5 {add = true} : memref<5120xf32, #tpu.memory_space<vmem>>[vector<16xi32>], vector<16xf32>,
      %get3A_125 = arith.constant 64 : index
      %get3A_126 = tpu.vector_load %arg27[%get3A_125] {strides = array<i32>} : memref<80xi32, #tpu.memory_space<vmem>>, vector<16xi32>,
      tpu.vector_store_idx %arg38[%get3A_126], %broadcast_in_dim3A_5 {add = true} : memref<5120xf32, #tpu.memory_space<vmem>>[vector<16xi32>], vector<16xf32>,
      %dma_start3A_127 = arith.constant 0 : i32
      %dma_start3A_128 = arith.constant 0 : i32
      %dma_start3A_129 = tpu.memref_slice %arg13[%dma_start3A_127, %dma_start3A_128] : memref<5120x128xf32, #tpu.memory_space<vmem_shared>> -> memref<5120x128xf32, #tpu.memory_space<vmem_shared>>
      tpu.enqueue_indirect_dma source(%arg28 : memref<80x128xf32, #tpu.memory_space<vmem>>) target(%dma_start3A_129 : memref<5120x128xf32, #tpu.memory_space<vmem_shared>>) offsets(%arg27 : memref<80xi32, #tpu.memory_space<vmem>>) semaphore(%arg31 : memref<!tpu.dma_semaphore, #tpu.memory_space<semaphore_mem>>) {add = true}
      %dma_wait3A_130 = arith.constant 0 : i32
      %dma_wait3A_131 = arith.constant 0 : i32
      %dma_wait3A_132 = tpu.memref_slice %arg13[%dma_wait3A_130, %dma_wait3A_131] : memref<5120x128xf32, #tpu.memory_space<vmem_shared>> -> memref<5120x128xf32, #tpu.memory_space<vmem_shared>>
      tpu.wait_indirect_dma semaphore(%arg19 : memref<!tpu.dma_semaphore, #tpu.memory_space<semaphore_mem>>) src(%arg16 : memref<80x128xf32, #tpu.memory_space<vmem>>) dst(%dma_wait3A_132 : memref<5120x128xf32, #tpu.memory_space<vmem_shared>>)
      %add3A_133 = arith.constant 19840 : i32
      %add3A_134 = arith.addi %mul3A_2, %add3A_133 : i32
      %dma_start3A_135 = tpu.memref_slice %arg6[%add3A_134] : memref<320000xi32, #tpu.memory_space<hbm>> -> memref<80xi32, #tpu.memory_space<hbm>>
      %dma_start3A_136 = tpu.memref_slice %arg6[%add3A_134] : memref<320000xi32, #tpu.memory_space<hbm>> -> memref<80xi32, #tpu.memory_space<hbm>>
      tpu.enqueue_dma source(%dma_start3A_136 : memref<80xi32, #tpu.memory_space<hbm>>) target(%arg14 : memref<80xi32, #tpu.memory_space<vmem>>) target_semaphore(%arg17 : memref<!tpu.dma_semaphore, #tpu.memory_space<semaphore_mem>>)
      %dma_start3A_137 = tpu.memref_slice %arg7[%add3A_134] : memref<320000xi32, #tpu.memory_space<hbm>> -> memref<80xi32, #tpu.memory_space<hbm>>
      %dma_start3A_138 = tpu.memref_slice %arg7[%add3A_134] : memref<320000xi32, #tpu.memory_space<hbm>> -> memref<80xi32, #tpu.memory_space<hbm>>
      tpu.enqueue_dma source(%dma_start3A_138 : memref<80xi32, #tpu.memory_space<hbm>>) target(%arg15 : memref<80xi32, #tpu.memory_space<vmem>>) target_semaphore(%arg17 : memref<!tpu.dma_semaphore, #tpu.memory_space<semaphore_mem>>)
      %add3A_139 = arith.constant 19760 : i32
      %add3A_140 = arith.addi %mul3A_2, %add3A_139 : i32
      %dma_wait3A_141 = tpu.memref_slice %arg6[%add3A_140] : memref<320000xi32, #tpu.memory_space<hbm>> -> memref<80xi32, #tpu.memory_space<hbm>>
      %dma_wait3A_142 = tpu.memref_slice %arg6[%add3A_140] : memref<320000xi32, #tpu.memory_space<hbm>> -> memref<80xi32, #tpu.memory_space<hbm>>
      tpu.wait_dma2 semaphore(%arg35 : memref<!tpu.dma_semaphore, #tpu.memory_space<semaphore_mem>>) src(%dma_wait3A_142 : memref<80xi32, #tpu.memory_space<hbm>>) dst(%arg32 : memref<80xi32, #tpu.memory_space<vmem>>)
      %dma_wait3A_143 = tpu.memref_slice %arg7[%add3A_140] : memref<320000xi32, #tpu.memory_space<hbm>> -> memref<80xi32, #tpu.memory_space<hbm>>
      %dma_wait3A_144 = tpu.memref_slice %arg7[%add3A_140] : memref<320000xi32, #tpu.memory_space<hbm>> -> memref<80xi32, #tpu.memory_space<hbm>>
      tpu.wait_dma2 semaphore(%arg35 : memref<!tpu.dma_semaphore, #tpu.memory_space<semaphore_mem>>) src(%dma_wait3A_144 : memref<80xi32, #tpu.memory_space<hbm>>) dst(%arg33 : memref<80xi32, #tpu.memory_space<vmem>>)
      %dma_start3A_145 = arith.constant 0 : i32
      %dma_start3A_146 = arith.constant 0 : i32
      %dma_start3A_147 = tpu.memref_slice %arg3[%dma_start3A_145, %dma_start3A_146] : memref<5000x128xf32, #tpu.memory_space<hbm>> -> memref<5000x128xf32, #tpu.memory_space<hbm>>
      tpu.enqueue_indirect_dma source(%dma_start3A_147 : memref<5000x128xf32, #tpu.memory_space<hbm>>) target(%arg34 : memref<80x128xf32, #tpu.memory_space<vmem>>) offsets(%arg32 : memref<80xi32, #tpu.memory_space<vmem>>) semaphore(%arg36 : memref<!tpu.dma_semaphore, #tpu.memory_space<semaphore_mem>>)
      %dma_wait3A_148 = arith.constant 0 : i32
      %dma_wait3A_149 = arith.constant 0 : i32
      %dma_wait3A_150 = tpu.memref_slice %arg3[%dma_wait3A_148, %dma_wait3A_149] : memref<5000x128xf32, #tpu.memory_space<hbm>> -> memref<5000x128xf32, #tpu.memory_space<hbm>>
      tpu.wait_indirect_dma semaphore(%arg36 : memref<!tpu.dma_semaphore, #tpu.memory_space<semaphore_mem>>) src(%dma_wait3A_150 : memref<5000x128xf32, #tpu.memory_space<hbm>>) dst(%arg34 : memref<80x128xf32, #tpu.memory_space<vmem>>)
      %get3A_151 = arith.constant 0 : index
      %get3A_152 = tpu.vector_load %arg33[%get3A_151] {strides = array<i32>} : memref<80xi32, #tpu.memory_space<vmem>>, vector<16xi32>,
      tpu.vector_store_idx %arg38[%get3A_152], %broadcast_in_dim3A_5 {add = true} : memref<5120xf32, #tpu.memory_space<vmem>>[vector<16xi32>], vector<16xf32>,
      %get3A_153 = arith.constant 16 : index
      %get3A_154 = tpu.vector_load %arg33[%get3A_153] {strides = array<i32>} : memref<80xi32, #tpu.memory_space<vmem>>, vector<16xi32>,
      tpu.vector_store_idx %arg38[%get3A_154], %broadcast_in_dim3A_5 {add = true} : memref<5120xf32, #tpu.memory_space<vmem>>[vector<16xi32>], vector<16xf32>,
      %get3A_155 = arith.constant 32 : index
      %get3A_156 = tpu.vector_load %arg33[%get3A_155] {strides = array<i32>} : memref<80xi32, #tpu.memory_space<vmem>>, vector<16xi32>,
      tpu.vector_store_idx %arg38[%get3A_156], %broadcast_in_dim3A_5 {add = true} : memref<5120xf32, #tpu.memory_space<vmem>>[vector<16xi32>], vector<16xf32>,
      %get3A_157 = arith.constant 48 : index
      %get3A_158 = tpu.vector_load %arg33[%get3A_157] {strides = array<i32>} : memref<80xi32, #tpu.memory_space<vmem>>, vector<16xi32>,
      tpu.vector_store_idx %arg38[%get3A_158], %broadcast_in_dim3A_5 {add = true} : memref<5120xf32, #tpu.memory_space<vmem>>[vector<16xi32>], vector<16xf32>,
      %get3A_159 = arith.constant 64 : index
      %get3A_160 = tpu.vector_load %arg33[%get3A_159] {strides = array<i32>} : memref<80xi32, #tpu.memory_space<vmem>>, vector<16xi32>,
      tpu.vector_store_idx %arg38[%get3A_160], %broadcast_in_dim3A_5 {add = true} : memref<5120xf32, #tpu.memory_space<vmem>>[vector<16xi32>], vector<16xf32>,
      %dma_start3A_161 = arith.constant 0 : i32
      %dma_start3A_162 = arith.constant 0 : i32
      %dma_start3A_163 = tpu.memref_slice %arg13[%dma_start3A_161, %dma_start3A_162] : memref<5120x128xf32, #tpu.memory_space<vmem_shared>> -> memref<5120x128xf32, #tpu.memory_space<vmem_shared>>
      tpu.enqueue_indirect_dma source(%arg34 : memref<80x128xf32, #tpu.memory_space<vmem>>) target(%dma_start3A_163 : memref<5120x128xf32, #tpu.memory_space<vmem_shared>>) offsets(%arg33 : memref<80xi32, #tpu.memory_space<vmem>>) semaphore(%arg37 : memref<!tpu.dma_semaphore, #tpu.memory_space<semaphore_mem>>) {add = true}
      %dma_wait3A_164 = arith.constant 0 : i32
      %dma_wait3A_165 = arith.constant 0 : i32
      %dma_wait3A_166 = tpu.memref_slice %arg13[%dma_wait3A_164, %dma_wait3A_165] : memref<5120x128xf32, #tpu.memory_space<vmem_shared>> -> memref<5120x128xf32, #tpu.memory_space<vmem_shared>>
      tpu.wait_indirect_dma semaphore(%arg25 : memref<!tpu.dma_semaphore, #tpu.memory_space<semaphore_mem>>) src(%arg22 : memref<80x128xf32, #tpu.memory_space<vmem>>) dst(%dma_wait3A_166 : memref<5120x128xf32, #tpu.memory_space<vmem_shared>>)
      %add3A_167 = arith.constant 19920 : i32
      %add3A_168 = arith.addi %mul3A_2, %add3A_167 : i32
      %dma_start3A_169 = tpu.memref_slice %arg6[%add3A_168] : memref<320000xi32, #tpu.memory_space<hbm>> -> memref<80xi32, #tpu.memory_space<hbm>>
      %dma_start3A_170 = tpu.memref_slice %arg6[%add3A_168] : memref<320000xi32, #tpu.memory_space<hbm>> -> memref<80xi32, #tpu.memory_space<hbm>>
      tpu.enqueue_dma source(%dma_start3A_170 : memref<80xi32, #tpu.memory_space<hbm>>) target(%arg20 : memref<80xi32, #tpu.memory_space<vmem>>) target_semaphore(%arg23 : memref<!tpu.dma_semaphore, #tpu.memory_space<semaphore_mem>>)
      %dma_start3A_171 = tpu.memref_slice %arg7[%add3A_168] : memref<320000xi32, #tpu.memory_space<hbm>> -> memref<80xi32, #tpu.memory_space<hbm>>
      %dma_start3A_172 = tpu.memref_slice %arg7[%add3A_168] : memref<320000xi32, #tpu.memory_space<hbm>> -> memref<80xi32, #tpu.memory_space<hbm>>
      tpu.enqueue_dma source(%dma_start3A_172 : memref<80xi32, #tpu.memory_space<hbm>>) target(%arg21 : memref<80xi32, #tpu.memory_space<vmem>>) target_semaphore(%arg23 : memref<!tpu.dma_semaphore, #tpu.memory_space<semaphore_mem>>)
      %add3A_173 = arith.constant 19840 : i32
      %add3A_174 = arith.addi %mul3A_2, %add3A_173 : i32
      %dma_wait3A_175 = tpu.memref_slice %arg6[%add3A_174] : memref<320000xi32, #tpu.memory_space<hbm>> -> memref<80xi32, #tpu.memory_space<hbm>>
      %dma_wait3A_176 = tpu.memref_slice %arg6[%add3A_174] : memref<320000xi32, #tpu.memory_space<hbm>> -> memref<80xi32, #tpu.memory_space<hbm>>
      tpu.wait_dma2 semaphore(%arg17 : memref<!tpu.dma_semaphore, #tpu.memory_space<semaphore_mem>>) src(%dma_wait3A_176 : memref<80xi32, #tpu.memory_space<hbm>>) dst(%arg14 : memref<80xi32, #tpu.memory_space<vmem>>)
      %dma_wait3A_177 = tpu.memref_slice %arg7[%add3A_174] : memref<320000xi32, #tpu.memory_space<hbm>> -> memref<80xi32, #tpu.memory_space<hbm>>
      %dma_wait3A_178 = tpu.memref_slice %arg7[%add3A_174] : memref<320000xi32, #tpu.memory_space<hbm>> -> memref<80xi32, #tpu.memory_space<hbm>>
      tpu.wait_dma2 semaphore(%arg17 : memref<!tpu.dma_semaphore, #tpu.memory_space<semaphore_mem>>) src(%dma_wait3A_178 : memref<80xi32, #tpu.memory_space<hbm>>) dst(%arg15 : memref<80xi32, #tpu.memory_space<vmem>>)
      %dma_start3A_179 = arith.constant 0 : i32
      %dma_start3A_180 = arith.constant 0 : i32
      %dma_start3A_181 = tpu.memref_slice %arg3[%dma_start3A_179, %dma_start3A_180] : memref<5000x128xf32, #tpu.memory_space<hbm>> -> memref<5000x128xf32, #tpu.memory_space<hbm>>
      tpu.enqueue_indirect_dma source(%dma_start3A_181 : memref<5000x128xf32, #tpu.memory_space<hbm>>) target(%arg16 : memref<80x128xf32, #tpu.memory_space<vmem>>) offsets(%arg14 : memref<80xi32, #tpu.memory_space<vmem>>) semaphore(%arg18 : memref<!tpu.dma_semaphore, #tpu.memory_space<semaphore_mem>>)
      %dma_wait3A_182 = arith.constant 0 : i32
      %dma_wait3A_183 = arith.constant 0 : i32
      %dma_wait3A_184 = tpu.memref_slice %arg3[%dma_wait3A_182, %dma_wait3A_183] : memref<5000x128xf32, #tpu.memory_space<hbm>> -> memref<5000x128xf32, #tpu.memory_space<hbm>>
      tpu.wait_indirect_dma semaphore(%arg18 : memref<!tpu.dma_semaphore, #tpu.memory_space<semaphore_mem>>) src(%dma_wait3A_184 : memref<5000x128xf32, #tpu.memory_space<hbm>>) dst(%arg16 : memref<80x128xf32, #tpu.memory_space<vmem>>)
      %get3A_185 = arith.constant 0 : index
      %get3A_186 = tpu.vector_load %arg15[%get3A_185] {strides = array<i32>} : memref<80xi32, #tpu.memory_space<vmem>>, vector<16xi32>,
      tpu.vector_store_idx %arg38[%get3A_186], %broadcast_in_dim3A_5 {add = true} : memref<5120xf32, #tpu.memory_space<vmem>>[vector<16xi32>], vector<16xf32>,
      %get3A_187 = arith.constant 16 : index
      %get3A_188 = tpu.vector_load %arg15[%get3A_187] {strides = array<i32>} : memref<80xi32, #tpu.memory_space<vmem>>, vector<16xi32>,
      tpu.vector_store_idx %arg38[%get3A_188], %broadcast_in_dim3A_5 {add = true} : memref<5120xf32, #tpu.memory_space<vmem>>[vector<16xi32>], vector<16xf32>,
      %get3A_189 = arith.constant 32 : index
      %get3A_190 = tpu.vector_load %arg15[%get3A_189] {strides = array<i32>} : memref<80xi32, #tpu.memory_space<vmem>>, vector<16xi32>,
      tpu.vector_store_idx %arg38[%get3A_190], %broadcast_in_dim3A_5 {add = true} : memref<5120xf32, #tpu.memory_space<vmem>>[vector<16xi32>], vector<16xf32>,
      %get3A_191 = arith.constant 48 : index
      %get3A_192 = tpu.vector_load %arg15[%get3A_191] {strides = array<i32>} : memref<80xi32, #tpu.memory_space<vmem>>, vector<16xi32>,
      tpu.vector_store_idx %arg38[%get3A_192], %broadcast_in_dim3A_5 {add = true} : memref<5120xf32, #tpu.memory_space<vmem>>[vector<16xi32>], vector<16xf32>,
      %get3A_193 = arith.constant 64 : index
      %get3A_194 = tpu.vector_load %arg15[%get3A_193] {strides = array<i32>} : memref<80xi32, #tpu.memory_space<vmem>>, vector<16xi32>,
      tpu.vector_store_idx %arg38[%get3A_194], %broadcast_in_dim3A_5 {add = true} : memref<5120xf32, #tpu.memory_space<vmem>>[vector<16xi32>], vector<16xf32>,
      %dma_start3A_195 = arith.constant 0 : i32
      %dma_start3A_196 = arith.constant 0 : i32
      %dma_start3A_197 = tpu.memref_slice %arg13[%dma_start3A_195, %dma_start3A_196] : memref<5120x128xf32, #tpu.memory_space<vmem_shared>> -> memref<5120x128xf32, #tpu.memory_space<vmem_shared>>
      tpu.enqueue_indirect_dma source(%arg16 : memref<80x128xf32, #tpu.memory_space<vmem>>) target(%dma_start3A_197 : memref<5120x128xf32, #tpu.memory_space<vmem_shared>>) offsets(%arg15 : memref<80xi32, #tpu.memory_space<vmem>>) semaphore(%arg19 : memref<!tpu.dma_semaphore, #tpu.memory_space<semaphore_mem>>) {add = true}
      %add3A_198 = arith.constant 19920 : i32
      %add3A_199 = arith.addi %mul3A_2, %add3A_198 : i32
      %dma_wait3A_200 = tpu.memref_slice %arg6[%add3A_199] : memref<320000xi32, #tpu.memory_space<hbm>> -> memref<80xi32, #tpu.memory_space<hbm>>
      %dma_wait3A_201 = tpu.memref_slice %arg6[%add3A_199] : memref<320000xi32, #tpu.memory_space<hbm>> -> memref<80xi32, #tpu.memory_space<hbm>>
      tpu.wait_dma2 semaphore(%arg23 : memref<!tpu.dma_semaphore, #tpu.memory_space<semaphore_mem>>) src(%dma_wait3A_201 : memref<80xi32, #tpu.memory_space<hbm>>) dst(%arg20 : memref<80xi32, #tpu.memory_space<vmem>>)
      %dma_wait3A_202 = tpu.memref_slice %arg7[%add3A_199] : memref<320000xi32, #tpu.memory_space<hbm>> -> memref<80xi32, #tpu.memory_space<hbm>>
      %dma_wait3A_203 = tpu.memref_slice %arg7[%add3A_199] : memref<320000xi32, #tpu.memory_space<hbm>> -> memref<80xi32, #tpu.memory_space<hbm>>
      tpu.wait_dma2 semaphore(%arg23 : memref<!tpu.dma_semaphore, #tpu.memory_space<semaphore_mem>>) src(%dma_wait3A_203 : memref<80xi32, #tpu.memory_space<hbm>>) dst(%arg21 : memref<80xi32, #tpu.memory_space<vmem>>)
      %dma_start3A_204 = arith.constant 0 : i32
      %dma_start3A_205 = arith.constant 0 : i32
      %dma_start3A_206 = tpu.memref_slice %arg3[%dma_start3A_204, %dma_start3A_205] : memref<5000x128xf32, #tpu.memory_space<hbm>> -> memref<5000x128xf32, #tpu.memory_space<hbm>>
      tpu.enqueue_indirect_dma source(%dma_start3A_206 : memref<5000x128xf32, #tpu.memory_space<hbm>>) target(%arg22 : memref<80x128xf32, #tpu.memory_space<vmem>>) offsets(%arg20 : memref<80xi32, #tpu.memory_space<vmem>>) semaphore(%arg24 : memref<!tpu.dma_semaphore, #tpu.memory_space<semaphore_mem>>)
      %dma_wait3A_207 = arith.constant 0 : i32
      %dma_wait3A_208 = arith.constant 0 : i32
      %dma_wait3A_209 = tpu.memref_slice %arg3[%dma_wait3A_207, %dma_wait3A_208] : memref<5000x128xf32, #tpu.memory_space<hbm>> -> memref<5000x128xf32, #tpu.memory_space<hbm>>
      tpu.wait_indirect_dma semaphore(%arg24 : memref<!tpu.dma_semaphore, #tpu.memory_space<semaphore_mem>>) src(%dma_wait3A_209 : memref<5000x128xf32, #tpu.memory_space<hbm>>) dst(%arg22 : memref<80x128xf32, #tpu.memory_space<vmem>>)
      %get3A_210 = arith.constant 0 : index
      %get3A_211 = tpu.vector_load %arg21[%get3A_210] {strides = array<i32>} : memref<80xi32, #tpu.memory_space<vmem>>, vector<16xi32>,
      tpu.vector_store_idx %arg38[%get3A_211], %broadcast_in_dim3A_5 {add = true} : memref<5120xf32, #tpu.memory_space<vmem>>[vector<16xi32>], vector<16xf32>,
      %get3A_212 = arith.constant 16 : index
      %get3A_213 = tpu.vector_load %arg21[%get3A_212] {strides = array<i32>} : memref<80xi32, #tpu.memory_space<vmem>>, vector<16xi32>,
      tpu.vector_store_idx %arg38[%get3A_213], %broadcast_in_dim3A_5 {add = true} : memref<5120xf32, #tpu.memory_space<vmem>>[vector<16xi32>], vector<16xf32>,
      %get3A_214 = arith.constant 32 : index
      %get3A_215 = tpu.vector_load %arg21[%get3A_214] {strides = array<i32>} : memref<80xi32, #tpu.memory_space<vmem>>, vector<16xi32>,
      tpu.vector_store_idx %arg38[%get3A_215], %broadcast_in_dim3A_5 {add = true} : memref<5120xf32, #tpu.memory_space<vmem>>[vector<16xi32>], vector<16xf32>,
      %get3A_216 = arith.constant 48 : index
      %get3A_217 = tpu.vector_load %arg21[%get3A_216] {strides = array<i32>} : memref<80xi32, #tpu.memory_space<vmem>>, vector<16xi32>,
      tpu.vector_store_idx %arg38[%get3A_217], %broadcast_in_dim3A_5 {add = true} : memref<5120xf32, #tpu.memory_space<vmem>>[vector<16xi32>], vector<16xf32>,
      %get3A_218 = arith.constant 64 : index
      %get3A_219 = tpu.vector_load %arg21[%get3A_218] {strides = array<i32>} : memref<80xi32, #tpu.memory_space<vmem>>, vector<16xi32>,
      tpu.vector_store_idx %arg38[%get3A_219], %broadcast_in_dim3A_5 {add = true} : memref<5120xf32, #tpu.memory_space<vmem>>[vector<16xi32>], vector<16xf32>,
      %dma_start3A_220 = arith.constant 0 : i32
      %dma_start3A_221 = arith.constant 0 : i32
      %dma_start3A_222 = tpu.memref_slice %arg13[%dma_start3A_220, %dma_start3A_221] : memref<5120x128xf32, #tpu.memory_space<vmem_shared>> -> memref<5120x128xf32, #tpu.memory_space<vmem_shared>>
      tpu.enqueue_indirect_dma source(%arg22 : memref<80x128xf32, #tpu.memory_space<vmem>>) target(%dma_start3A_222 : memref<5120x128xf32, #tpu.memory_space<vmem_shared>>) offsets(%arg21 : memref<80xi32, #tpu.memory_space<vmem>>) semaphore(%arg25 : memref<!tpu.dma_semaphore, #tpu.memory_space<semaphore_mem>>) {add = true}
      %dma_wait3A_223 = arith.constant 0 : i32
      %dma_wait3A_224 = arith.constant 0 : i32
      %dma_wait3A_225 = tpu.memref_slice %arg13[%dma_wait3A_223, %dma_wait3A_224] : memref<5120x128xf32, #tpu.memory_space<vmem_shared>> -> memref<5120x128xf32, #tpu.memory_space<vmem_shared>>
      tpu.wait_indirect_dma semaphore(%arg31 : memref<!tpu.dma_semaphore, #tpu.memory_space<semaphore_mem>>) src(%arg28 : memref<80x128xf32, #tpu.memory_space<vmem>>) dst(%dma_wait3A_225 : memref<5120x128xf32, #tpu.memory_space<vmem_shared>>)
      %dma_wait3A_226 = arith.constant 0 : i32
      %dma_wait3A_227 = arith.constant 0 : i32
      %dma_wait3A_228 = tpu.memref_slice %arg13[%dma_wait3A_226, %dma_wait3A_227] : memref<5120x128xf32, #tpu.memory_space<vmem_shared>> -> memref<5120x128xf32, #tpu.memory_space<vmem_shared>>
      tpu.wait_indirect_dma semaphore(%arg37 : memref<!tpu.dma_semaphore, #tpu.memory_space<semaphore_mem>>) src(%arg34 : memref<80x128xf32, #tpu.memory_space<vmem>>) dst(%dma_wait3A_228 : memref<5120x128xf32, #tpu.memory_space<vmem_shared>>)
      %dma_wait3A_229 = arith.constant 0 : i32
      %dma_wait3A_230 = arith.constant 0 : i32
      %dma_wait3A_231 = tpu.memref_slice %arg13[%dma_wait3A_229, %dma_wait3A_230] : memref<5120x128xf32, #tpu.memory_space<vmem_shared>> -> memref<5120x128xf32, #tpu.memory_space<vmem_shared>>
      tpu.wait_indirect_dma semaphore(%arg19 : memref<!tpu.dma_semaphore, #tpu.memory_space<semaphore_mem>>) src(%arg16 : memref<80x128xf32, #tpu.memory_space<vmem>>) dst(%dma_wait3A_231 : memref<5120x128xf32, #tpu.memory_space<vmem_shared>>)
      %dma_wait3A_232 = arith.constant 0 : i32
      %dma_wait3A_233 = arith.constant 0 : i32
      %dma_wait3A_234 = tpu.memref_slice %arg13[%dma_wait3A_232, %dma_wait3A_233] : memref<5120x128xf32, #tpu.memory_space<vmem_shared>> -> memref<5120x128xf32, #tpu.memory_space<vmem_shared>>
      tpu.wait_indirect_dma semaphore(%arg25 : memref<!tpu.dma_semaphore, #tpu.memory_space<semaphore_mem>>) src(%arg22 : memref<80x128xf32, #tpu.memory_space<vmem>>) dst(%dma_wait3A_234 : memref<5120x128xf32, #tpu.memory_space<vmem_shared>>)
      "tpu.region"() ({
        %run_scoped3A = tpu.sem_alloc : memref<!tpu.dma_semaphore, #tpu.memory_space<semaphore_mem>>
        %dma_start3A_235 = arith.constant 0 : i32
        %dma_start3A_236 = tpu.memref_slice %arg12[%arg1, %dma_start3A_235] : memref<16x5120xf32, #tpu.memory_space<hbm>> -> memref<1x5120xf32, #tpu.memory_space<hbm>>
        %dma_start3A_237 = tpu.memref_squeeze %dma_start3A_236 : memref<1x5120xf32, #tpu.memory_space<hbm>> -> memref<5120xf32, #tpu.memory_space<hbm>>
        %dma_start3A_238 = arith.constant 0 : i32
        %dma_start3A_239 = tpu.memref_slice %arg12[%arg1, %dma_start3A_238] : memref<16x5120xf32, #tpu.memory_space<hbm>> -> memref<1x5120xf32, #tpu.memory_space<hbm>>
        %dma_start3A_240 = tpu.memref_squeeze %dma_start3A_239 : memref<1x5120xf32, #tpu.memory_space<hbm>> -> memref<5120xf32, #tpu.memory_space<hbm>>
        tpu.enqueue_dma source(%arg38 : memref<5120xf32, #tpu.memory_space<vmem>>) target(%dma_start3A_240 : memref<5120xf32, #tpu.memory_space<hbm>>) target_semaphore(%run_scoped3A : memref<!tpu.dma_semaphore, #tpu.memory_space<semaphore_mem>>)
        %dma_wait3A_241 = arith.constant 0 : i32
        %dma_wait3A_242 = tpu.memref_slice %arg12[%arg1, %dma_wait3A_241] : memref<16x5120xf32, #tpu.memory_space<hbm>> -> memref<1x5120xf32, #tpu.memory_space<hbm>>
        %dma_wait3A_243 = tpu.memref_squeeze %dma_wait3A_242 : memref<1x5120xf32, #tpu.memory_space<hbm>> -> memref<5120xf32, #tpu.memory_space<hbm>>
        %dma_wait3A_244 = arith.constant 0 : i32
        %dma_wait3A_245 = tpu.memref_slice %arg12[%arg1, %dma_wait3A_244] : memref<16x5120xf32, #tpu.memory_space<hbm>> -> memref<1x5120xf32, #tpu.memory_space<hbm>>
        %dma_wait3A_246 = tpu.memref_squeeze %dma_wait3A_245 : memref<1x5120xf32, #tpu.memory_space<hbm>> -> memref<5120xf32, #tpu.memory_space<hbm>>
        tpu.wait_dma2 semaphore(%run_scoped3A : memref<!tpu.dma_semaphore, #tpu.memory_space<semaphore_mem>>) src(%arg38 : memref<5120xf32, #tpu.memory_space<vmem>>) dst(%dma_wait3A_246 : memref<5120xf32, #tpu.memory_space<hbm>>)
        tpu.yield
      }) : () -> ()
    } else {
    }
    %barrier3A_17 = arith.constant 0 : index
    tpu.barrier barrier_id(%barrier3A_17)
    %mul3A_18 = arith.constant 312 : i32
    %mul3A_19 = arith.muli %arg1, %mul3A_18 : i32
    %eq3A_20 = arith.constant 0 : i32
    %eq3A_21 = arith.cmpi eq, %arg0, %eq3A_20 : i32
    %convert_element_type3A_22 = arith.extui %eq3A_21 : i1 to i32
    %cond3A_23 = arith.constant 0 : i32
    %cond3A_24 = arith.cmpi ne, %convert_element_type3A_22, %cond3A_23 : i32
    scf.if %cond3A_24 {
      "tpu.region"() ({
        %run_scoped3A = tpu.sem_alloc : memref<!tpu.dma_semaphore, #tpu.memory_space<semaphore_mem>>
        %dma_start3A = arith.constant 0 : i32
        %dma_start3A_30 = tpu.memref_slice %arg9[%mul3A_19, %dma_start3A] : memref<5000x128xf32, #tpu.memory_space<hbm>> -> memref<320x128xf32, #tpu.memory_space<hbm>>
        %dma_start3A_31 = arith.constant 0 : i32
        %dma_start3A_32 = tpu.memref_slice %arg13[%mul3A_19, %dma_start3A_31] : memref<5120x128xf32, #tpu.memory_space<vmem_shared>> -> memref<320x128xf32, #tpu.memory_space<vmem_shared>>
        tpu.enqueue_dma source(%dma_start3A_32 : memref<320x128xf32, #tpu.memory_space<vmem_shared>>) target(%dma_start3A_30 : memref<320x128xf32, #tpu.memory_space<hbm>>) target_semaphore(%run_scoped3A : memref<!tpu.dma_semaphore, #tpu.memory_space<semaphore_mem>>)
        %dma_wait3A = arith.constant 0 : i32
        %dma_wait3A_33 = tpu.memref_slice %arg9[%mul3A_19, %dma_wait3A] : memref<5000x128xf32, #tpu.memory_space<hbm>> -> memref<320x128xf32, #tpu.memory_space<hbm>>
        %dma_wait3A_34 = arith.constant 0 : i32
        %dma_wait3A_35 = tpu.memref_slice %arg13[%mul3A_19, %dma_wait3A_34] : memref<5120x128xf32, #tpu.memory_space<vmem_shared>> -> memref<320x128xf32, #tpu.memory_space<vmem_shared>>
        tpu.wait_dma2 semaphore(%run_scoped3A : memref<!tpu.dma_semaphore, #tpu.memory_space<semaphore_mem>>) src(%dma_wait3A_35 : memref<320x128xf32, #tpu.memory_space<vmem_shared>>) dst(%dma_wait3A_33 : memref<320x128xf32, #tpu.memory_space<hbm>>)
        tpu.yield
      }) : () -> ()
    } else {
    }
    %eq3A_25 = arith.constant 1 : i32
    %eq3A_26 = arith.cmpi eq, %arg0, %eq3A_25 : i32
    %convert_element_type3A_27 = arith.extui %eq3A_26 : i1 to i32
    %cond3A_28 = arith.constant 0 : i32
    %cond3A_29 = arith.cmpi ne, %convert_element_type3A_27, %cond3A_28 : i32
    scf.if %cond3A_29 {
      "tpu.region"() ({
        %run_scoped3A = tpu.sem_alloc : memref<!tpu.dma_semaphore, #tpu.memory_space<semaphore_mem>>
        %dma_start3A = arith.constant 0 : i32
        %dma_start3A_30 = tpu.memref_slice %arg11[%mul3A_19, %dma_start3A] : memref<5000x128xf32, #tpu.memory_space<hbm>> -> memref<320x128xf32, #tpu.memory_space<hbm>>
        %dma_start3A_31 = arith.constant 0 : i32
        %dma_start3A_32 = tpu.memref_slice %arg13[%mul3A_19, %dma_start3A_31] : memref<5120x128xf32, #tpu.memory_space<vmem_shared>> -> memref<320x128xf32, #tpu.memory_space<vmem_shared>>
        tpu.enqueue_dma source(%dma_start3A_32 : memref<320x128xf32, #tpu.memory_space<vmem_shared>>) target(%dma_start3A_30 : memref<320x128xf32, #tpu.memory_space<hbm>>) target_semaphore(%run_scoped3A : memref<!tpu.dma_semaphore, #tpu.memory_space<semaphore_mem>>)
        %dma_wait3A = arith.constant 0 : i32
        %dma_wait3A_33 = tpu.memref_slice %arg11[%mul3A_19, %dma_wait3A] : memref<5000x128xf32, #tpu.memory_space<hbm>> -> memref<320x128xf32, #tpu.memory_space<hbm>>
        %dma_wait3A_34 = arith.constant 0 : i32
        %dma_wait3A_35 = tpu.memref_slice %arg13[%mul3A_19, %dma_wait3A_34] : memref<5120x128xf32, #tpu.memory_space<vmem_shared>> -> memref<320x128xf32, #tpu.memory_space<vmem_shared>>
        tpu.wait_dma2 semaphore(%run_scoped3A : memref<!tpu.dma_semaphore, #tpu.memory_space<semaphore_mem>>) src(%dma_wait3A_35 : memref<320x128xf32, #tpu.memory_space<vmem_shared>>) dst(%dma_wait3A_33 : memref<320x128xf32, #tpu.memory_space<hbm>>)
        tpu.yield
      }) : () -> ()
    } else {
    }
    return
  }
}

module attributes {stable_mosaic.version = 14 : i64} {
  func.func @_tc_head_body(%arg0: i32, %arg1: memref<1024x128xf32, #tpu.memory_space<vmem>>, %arg2: memref<1024x128xf32, #tpu.memory_space<vmem>>, %arg3: memref<16x1024xf32, #tpu.memory_space<vmem>>, %arg4: memref<16x1xf32, #tpu.memory_space<vmem>>, %arg5: memref<128x128xf32, #tpu.memory_space<vmem>>, %arg6: memref<1x128xf32, #tpu.memory_space<vmem>>, %arg7: memref<1x128xf32, #tpu.memory_space<vmem>>, %arg8: memref<1x128xf32, #tpu.memory_space<vmem>>, %arg9: memref<1024x128xf32, #tpu.memory_space<vmem>>) attributes {dimension_semantics = [#tpu.dimension_semantics<arbitrary>], iteration_bounds = array<i64: 5>, scalar_prefetch = 0 : i64, scratch_operands = 0 : i64, tpu.core_type = #tpu.core_type<tc>, window_params = [{transform_indices = @transform_0, window_bounds = array<i64: 1024, 128>}, {transform_indices = @transform_1, window_bounds = array<i64: 1024, 128>}, {transform_indices = @transform_2, window_bounds = array<i64: 16, 1024>}, {pipeline_mode = #tpu.pipeline_mode<synchronous>, transform_indices = @transform_3, window_bounds = array<i64: 16, 1>}, {pipeline_mode = #tpu.pipeline_mode<synchronous>, transform_indices = @transform_4, window_bounds = array<i64: 128, 128>}, {pipeline_mode = #tpu.pipeline_mode<synchronous>, transform_indices = @transform_5, window_bounds = array<i64: 1, 128>}, {pipeline_mode = #tpu.pipeline_mode<synchronous>, transform_indices = @transform_6, window_bounds = array<i64: 1, 128>}, {pipeline_mode = #tpu.pipeline_mode<synchronous>, transform_indices = @transform_7, window_bounds = array<i64: 1, 128>}, {transform_indices = @transform_8, window_bounds = array<i64: 1024, 128>}]} {
    %get3A = arith.constant 0 : index
    %get3A_0 = arith.constant 0 : index
    %get3A_1 = vector.load %arg3[%get3A, %get3A_0] : memref<16x1024xf32, #tpu.memory_space<vmem>>, vector<16x1024xf32>
    %get3A_2 = arith.constant 0 : index
    %get3A_3 = arith.constant 0 : index
    %get3A_4 = vector.load %arg4[%get3A_2, %get3A_3] : memref<16x1xf32, #tpu.memory_space<vmem>>, vector<16x1xf32>
    %dot_general3A = arith.constant dense<0.000000e+00> : vector<1024x1xf32>
    %dot_general3A_5 = tpu.matmul %get3A_1, %get3A_4, %dot_general3A {dimension_numbers = #tpu.dot_dimension_numbers<[0], [0], [1], [1], [0, 1, 1, 1], [], []>, transpose_lhs_hint = false} : vector<16x1024xf32>, vector<16x1xf32>, vector<1024x1xf32> -> vector<1024x1xf32>
    %max3A = arith.constant 1.000000e+00 : f32
    %max3A_6 = vector.broadcast %max3A : f32 to vector<1024x1xf32>
    %max3A_7 = arith.maximumf %dot_general3A_5, %max3A_6 : vector<1024x1xf32>
    %div3A = arith.constant 1.000000e+00 : f32
    %div3A_8 = vector.broadcast %div3A : f32 to vector<1024x1xf32>
    %div3A_9 = arith.divf %div3A_8, %max3A_7 : vector<1024x1xf32>
    %get3A_10 = arith.constant 0 : index
    %get3A_11 = arith.constant 0 : index
    %get3A_12 = vector.load %arg1[%get3A_10, %get3A_11] : memref<1024x128xf32, #tpu.memory_space<vmem>>, vector<1024x128xf32>
    %get3A_13 = arith.constant 0 : index
    %get3A_14 = arith.constant 0 : index
    %get3A_15 = vector.load %arg2[%get3A_13, %get3A_14] : memref<1024x128xf32, #tpu.memory_space<vmem>>, vector<1024x128xf32>
    %mul3A = vector.broadcast %div3A_9 : vector<1024x1xf32> to vector<1024x128xf32>
    %mul3A_16 = arith.mulf %get3A_15, %mul3A : vector<1024x128xf32>
    %add3A = arith.addf %get3A_12, %mul3A_16 : vector<1024x128xf32>
    %get3A_17 = arith.constant 0 : index
    %get3A_18 = arith.constant 0 : index
    %get3A_19 = vector.load %arg5[%get3A_17, %get3A_18] : memref<128x128xf32, #tpu.memory_space<vmem>>, vector<128x128xf32>
    %dot_general3A_20 = arith.constant dense<0.000000e+00> : vector<1024x128xf32>
    %dot_general3A_21 = tpu.matmul %add3A, %get3A_19, %dot_general3A_20 {dimension_numbers = #tpu.dot_dimension_numbers<[1], [0], [0], [1], [0, 0, 1, 1], [], []>, transpose_lhs_hint = false} : vector<1024x128xf32>, vector<128x128xf32>, vector<1024x128xf32> -> vector<1024x128xf32>
    %get3A_22 = arith.constant 0 : index
    %get3A_23 = arith.constant 0 : index
    %get3A_24 = vector.load %arg6[%get3A_22, %get3A_23] : memref<1x128xf32, #tpu.memory_space<vmem>>, vector<1x128xf32>
    %add3A_25 = vector.broadcast %get3A_24 : vector<1x128xf32> to vector<1024x128xf32>
    %add3A_26 = arith.addf %dot_general3A_21, %add3A_25 : vector<1024x128xf32>
    %max3A_27 = arith.constant 0.000000e+00 : f32
    %max3A_28 = vector.broadcast %max3A_27 : f32 to vector<1024x128xf32>
    %max3A_29 = arith.maximumf %add3A_26, %max3A_28 : vector<1024x128xf32>
    %reduce_sum3A = arith.constant dense<0.000000e+00> : vector<1024xf32>
    %reduce_sum3A_30 = vector.multi_reduction <add>, %max3A_29, %reduce_sum3A [1] : vector<1024x128xf32> to vector<1024xf32>
    %broadcast_in_dim3A = vector.shape_cast %reduce_sum3A_30 : vector<1024xf32> to vector<1024x1xf32>
    %div3A_31 = arith.constant 1.280000e+02 : f32
    %div3A_32 = vector.broadcast %div3A_31 : f32 to vector<1024x1xf32>
    %div3A_33 = arith.divf %broadcast_in_dim3A, %div3A_32 : vector<1024x1xf32>
    %sub3A = vector.broadcast %div3A_33 : vector<1024x1xf32> to vector<1024x128xf32>
    %sub3A_34 = arith.subf %max3A_29, %sub3A : vector<1024x128xf32>
    %integer_pow3A = arith.mulf %sub3A_34, %sub3A_34 : vector<1024x128xf32>
    %reduce_sum3A_35 = arith.constant dense<0.000000e+00> : vector<1024xf32>
    %reduce_sum3A_36 = vector.multi_reduction <add>, %integer_pow3A, %reduce_sum3A_35 [1] : vector<1024x128xf32> to vector<1024xf32>
    %broadcast_in_dim3A_37 = vector.shape_cast %reduce_sum3A_36 : vector<1024xf32> to vector<1024x1xf32>
    %div3A_38 = arith.constant 1.280000e+02 : f32
    %div3A_39 = vector.broadcast %div3A_38 : f32 to vector<1024x1xf32>
    %div3A_40 = arith.divf %broadcast_in_dim3A_37, %div3A_39 : vector<1024x1xf32>
    %sub3A_41 = vector.broadcast %div3A_33 : vector<1024x1xf32> to vector<1024x128xf32>
    %sub3A_42 = arith.subf %max3A_29, %sub3A_41 : vector<1024x128xf32>
    %add3A_43 = arith.constant 9.99999974E-6 : f32
    %add3A_44 = vector.broadcast %add3A_43 : f32 to vector<1024x1xf32>
    %add3A_45 = arith.addf %div3A_40, %add3A_44 : vector<1024x1xf32>
    %rsqrt3A = math.rsqrt %add3A_45 : vector<1024x1xf32>
    %mul3A_46 = vector.broadcast %rsqrt3A : vector<1024x1xf32> to vector<1024x128xf32>
    %mul3A_47 = arith.mulf %sub3A_42, %mul3A_46 : vector<1024x128xf32>
    %get3A_48 = arith.constant 0 : index
    %get3A_49 = arith.constant 0 : index
    %get3A_50 = vector.load %arg7[%get3A_48, %get3A_49] : memref<1x128xf32, #tpu.memory_space<vmem>>, vector<1x128xf32>
    %mul3A_51 = vector.broadcast %get3A_50 : vector<1x128xf32> to vector<1024x128xf32>
    %mul3A_52 = arith.mulf %mul3A_47, %mul3A_51 : vector<1024x128xf32>
    %get3A_53 = arith.constant 0 : index
    %get3A_54 = arith.constant 0 : index
    %get3A_55 = vector.load %arg8[%get3A_53, %get3A_54] : memref<1x128xf32, #tpu.memory_space<vmem>>, vector<1x128xf32>
    %add3A_56 = vector.broadcast %get3A_55 : vector<1x128xf32> to vector<1024x128xf32>
    %add3A_57 = arith.addf %mul3A_52, %add3A_56 : vector<1024x128xf32>
    %swap3A = arith.constant 0 : index
    %swap3A_58 = arith.constant 0 : index
    %swap3A_59 = vector.load %arg9[%swap3A, %swap3A_58] : memref<1024x128xf32, #tpu.memory_space<vmem>>, vector<1024x128xf32>
    tpu.vector_store %arg9[%swap3A, %swap3A_58], %add3A_57 {strides = array<i32>} : memref<1024x128xf32, #tpu.memory_space<vmem>>, vector<1024x128xf32>,
    return
  }
  func.func @transform_0(%arg0: i32) -> (i32, i32) {
    %c0_i32 = arith.constant 0 : i32
    %c0_i32_0 = arith.constant 0 : i32
    return %arg0, %c0_i32 : i32, i32
  }
  func.func @transform_1(%arg0: i32) -> (i32, i32) {
    %c0_i32 = arith.constant 0 : i32
    %c0_i32_0 = arith.constant 0 : i32
    return %arg0, %c0_i32 : i32, i32
  }
  func.func @transform_2(%arg0: i32) -> (i32, i32) {
    %c0_i32 = arith.constant 0 : i32
    %c0_i32_0 = arith.constant 0 : i32
    return %c0_i32, %arg0 : i32, i32
  }
  func.func @transform_3(%arg0: i32) -> (i32, i32) {
    %c0_i32 = arith.constant 0 : i32
    %c0_i32_0 = arith.constant 0 : i32
    %c0_i32_1 = arith.constant 0 : i32
    return %c0_i32, %c0_i32_0 : i32, i32
  }
  func.func @transform_4(%arg0: i32) -> (i32, i32) {
    %c0_i32 = arith.constant 0 : i32
    %c0_i32_0 = arith.constant 0 : i32
    %c0_i32_1 = arith.constant 0 : i32
    return %c0_i32, %c0_i32_0 : i32, i32
  }
  func.func @transform_5(%arg0: i32) -> (i32, i32) {
    %c0_i32 = arith.constant 0 : i32
    %c0_i32_0 = arith.constant 0 : i32
    %c0_i32_1 = arith.constant 0 : i32
    return %c0_i32, %c0_i32_0 : i32, i32
  }
  func.func @transform_6(%arg0: i32) -> (i32, i32) {
    %c0_i32 = arith.constant 0 : i32
    %c0_i32_0 = arith.constant 0 : i32
    %c0_i32_1 = arith.constant 0 : i32
    return %c0_i32, %c0_i32_0 : i32, i32
  }
  func.func @transform_7(%arg0: i32) -> (i32, i32) {
    %c0_i32 = arith.constant 0 : i32
    %c0_i32_0 = arith.constant 0 : i32
    %c0_i32_1 = arith.constant 0 : i32
    return %c0_i32, %c0_i32_0 : i32, i32
  }
  func.func @transform_8(%arg0: i32) -> (i32, i32) {
    %c0_i32 = arith.constant 0 : i32
    %c0_i32_0 = arith.constant 0 : i32
    return %arg0, %c0_i32 : i32, i32
  }
}

</mosaic_0001>

<sc_bundles>
// kernel: kernel.5.cloned.1.call-start
scs
__scs_entry_jumppad:
0x0: {  	(pc) =	sbr.rel $0x88, $3  }
0x1: {  	(tag) =	ssettag $0x0;
	lr =	simm.s32 $0x1  }
0x2: {  	[smem:$0x3F97] =	sst lr;
	_ =	strace $0xD0000000  }
0x3: {  	_ = 	snop  }
0x4: {  	_ = 	snop  }
0x5: {  	_ = 	snop  }
0x6: {  	_ = 	snop  }
0x7: {  	_ = 	snop  }
__scs_overlays_trampoline_lowered:
0x8: {  	[smem:$0x3FA6] =	sst s0  }
0x9: {  	[smem:$0x3FA7] =	sst s1  }
0xa: {  	[smem:$0x3FA8] =	sst s2  }
0xb: {  	[smem:$0x3FA9] =	sst s3  }
0xc: {  	[smem:$0x3FAA] =	sst s4  }
0xd: {  	[smem:$0x3FAB] =	sst s5  }
0xe: {  	[smem:$0x3FAC] =	sst s6  }
0xf: {  	[smem:$0x3FAD] =	sst s7  }
0x10: {  	[smem:$0x3FAE] =	sst s8  }
0x11: {  	[smem:$0x3FAF] =	sst s9;
	s0 =	simm.s32 @!p0 $0x0  }
0x12: {  	s1 =	sld [smem:$0x3F95];
	s0 =	simm.s32 @p0 $0x1  }
0x13: {  	[smem:$0x3FB0] =	sst s0;
	s0 =	simm.s32 @!p1 $0x0  }
0x14: {  	s2 =	sld [smem:$0x3F94];
	s0 =	simm.s32 @p1 $0x1  }
0x15: {  	[smem:$0x3FB1] =	sst s0;
	s0 =	simm.s32 @!p2 $0x0  }
0x16: {  	s3 =	sld [smem:$0x3FDB];
	s0 =	simm.s32 @p2 $0x1  }
0x17: {  	s4 =	simm.s32 $0x1BF5;
	[smem:$0x3FB3] =	sst s0  }
0x18: {  	s0 =	sld [smem:$0x3F96];
	_ =	swait.ge [sflag:s4], $0x0  }
0x19: {  	s7 =	sld [smem:$0x3F97]  }
0x1a: {  	s8 =	sadd.s32 $0xFFFFE003, lr  }
0x1b: {  	s9 =	sadd.s32 $0xFFFFFEF7, lr;
	s5 =	simm.s32 $0xFFFFFFFF;
	p2 =	slt.u32 s8, $0xFFFFF086  }
0x1c: {  	p1 =	slt.u32 s9, $0xF7A;
	s5 =	simm.s32 @!p2 $0x0  }
0x1d: {  	s5 =	simm.s32 @p1 $0x1;
	p0 =	seq.s32 s7, s2  }
0x1e: {  	s7 =	smul.u32 @!p0 $0xF7A, s2;
	p2 =	seq.s32 @!p0 s5, $0x0  }
0x1f: {  	s9 =	smul.u32 $0xF7A, s1;
	s8 =	simm.s32 @!p0 $0x1BF5;
	p2 =	por !p2, p0  }
0x20: {  	[sflag:s8] =	ssyncset.s32 @!p0 $0xFFFFF086;
	s6 =	sadd.s32 @!p0 s3, s7;
	s7 =	simm.s32 @!p0 $0x108  }
0x21: {  	s3 =	sadd.s32 s3, s9;
	s6 =	sadd.s32 @!p0 $0x88, s6;
	s7 =	simm.s32 @p2 $0x1082  }
0x22: {  	[simem:s7], [sflag:s8] =	dma.local @!p0 [hbm:s6], $0xF7A  }
0x23: {  	s9 =	sor.u32 $0xD0000000, s2;
	s6 =	simm.s32 $0x108;
	_ =	swait.ge @!p0 [sflag:s8], $0x0  }
0x24: {  	s3 =	sadd.s32 $0x88, s3;
	s6 =	simm.s32 @!p1 $0x1082;
	[sflag:s4] =	ssyncset.s32 $0xFFFFF086  }
0x25: {  	[simem:s6], [sflag:s4] =	dma.local [hbm:s3], $0xF7A  }
0x26: {  	[smem:$0x3F97] =	sst s1;
	(tag) =	ssettag s2;
	_ =	strace s9  }
0x27: {  	s1 =	sld [smem:$0x3FA7]  }
0x28: {  	s2 =	sld [smem:$0x3FA8]  }
0x29: {  	s4 =	sld [smem:$0x3FAA]  }
0x2a: {  	p0 =	seq.s32 s5, $0x0;
	s5 =	sld [smem:$0x3FAB]  }
0x2b: {  	s6 =	sld [smem:$0x3FAC]  }
0x2c: {  	s7 =	sld [smem:$0x3FAD]  }
0x2d: {  	s3 =	simm.s32 $0x108;
	s8 =	sld [smem:$0x3FAE]  }
0x2e: {  	s3 =	simm.s32 @!p0 $0x1082;
	s9 =	sld [smem:$0x3FAF]  }
0x2f: {  	lr =	sadd.s32 s0, s3;
	s0 =	sld [smem:$0x3FA6]  }
0x30: {  	s3 =	sld [smem:$0x3FA9]  }
0x31: {  	[smem:$0x3FB2] =	sst s10  }
0x32: {  	s10 =	sld [smem:$0x3FB0];
	_ =	sdelay $0x3  }
0x33: {  	p0 =	seq.s32 s10, $0x1;
	s10 =	sld [smem:$0x3FB2];
	_ =	sdelay $0x3  }
0x34: {  	[smem:$0x3FB2] =	sst s10  }
0x35: {  	s10 =	sld [smem:$0x3FB1];
	_ =	sdelay $0x3  }
0x36: {  	p1 =	seq.s32 s10, $0x1;
	s10 =	sld [smem:$0x3FB2];
	_ =	sdelay $0x3  }
0x37: {  	[smem:$0x3FB2] =	sst s10  }
0x38: {  	s10 =	sld [smem:$0x3FB3]  }
0x39: {  	_ = 	snop;
	(pc) =	sbr.ind lr, $3  }
0x3a: {  	_ = 	snop  }
0x3b: {  	_ = 	snop  }
0x3c: {  	p2 =	seq.s32 s10, $0x1;
	s10 =	sld [smem:$0x3FB2]  }
0x3d: {  	_ =	shalt  }
0x3e: {  	_ =	shalt  }
0x3f: {  	_ =	shalt  }
0x40: {  	_ =	shalt  }
0x41: {  	_ =	shalt  }
0x42: {  	_ =	shalt  }
0x43: {  	_ =	shalt  }
0x44: {  	_ =	shalt  }
0x45: {  	_ =	shalt  }
0x46: {  	_ =	shalt  }
0x47: {  	_ =	shalt  }
0x48: {  	_ =	shalt  }
0x49: {  	_ =	shalt  }
0x4a: {  	_ =	shalt  }
0x4b: {  	_ =	shalt  }
0x4c: {  	_ =	shalt  }
0x4d: {  	_ =	shalt  }
0x4e: {  	_ =	shalt  }
0x4f: {  	_ =	shalt  }
0x50: {  	_ =	shalt  }
0x51: {  	_ =	shalt  }
0x52: {  	_ =	shalt  }
0x53: {  	_ =	shalt  }
0x54: {  	_ =	shalt  }
0x55: {  	_ =	shalt  }
0x56: {  	_ =	shalt  }
0x57: {  	_ =	shalt  }
0x58: {  	_ =	shalt  }
0x59: {  	_ =	shalt  }
0x5a: {  	_ =	shalt  }
0x5b: {  	_ =	shalt  }
0x5c: {  	_ =	shalt  }
0x5d: {  	_ =	shalt  }
0x5e: {  	_ =	shalt  }
0x5f: {  	_ =	shalt  }
0x60: {  	_ =	shalt  }
0x61: {  	_ =	shalt  }
0x62: {  	_ =	shalt  }
0x63: {  	_ =	shalt  }
0x64: {  	_ =	shalt  }
0x65: {  	_ =	shalt  }
0x66: {  	_ =	shalt  }
0x67: {  	_ =	shalt  }
0x68: {  	_ =	shalt  }
0x69: {  	_ =	shalt  }
0x6a: {  	_ =	shalt  }
0x6b: {  	_ =	shalt  }
0x6c: {  	_ =	shalt  }
0x6d: {  	_ =	shalt  }
0x6e: {  	_ =	shalt  }
0x6f: {  	_ =	shalt  }
0x70: {  	_ =	shalt  }
0x71: {  	_ =	shalt  }
0x72: {  	_ =	shalt  }
0x73: {  	_ =	shalt  }
0x74: {  	_ =	shalt  }
0x75: {  	_ =	shalt  }
0x76: {  	_ =	shalt  }
0x77: {  	_ =	shalt  }
0x78: {  	_ =	shalt  }
0x79: {  	_ =	shalt  }
0x7a: {  	_ =	shalt  }
0x7b: {  	_ =	shalt  }
0x7c: {  	_ =	shalt  }
0x7d: {  	_ =	shalt  }
0x7e: {  	_ =	shalt  }
0x7f: {  	_ =	shalt  }
0x80: {  	_ =	shalt  }
0x81: {  	_ =	shalt  }
0x82: {  	_ =	shalt  }
0x83: {  	_ =	shalt  }
0x84: {  	_ =	shalt  }
0x85: {  	_ =	shalt  }
0x86: {  	_ =	shalt  }
0x87: {  	_ =	shalt  }
.Lfunc_end0:
.L_simem_size_0:
called_computation_lowered:
.L_overlay_start_0:
0x88: {  	s2 =	sld [smem:$0x3FD9]  }
0x89: {  	s3 =	sld [smem:$0x3FFE];
	_ =	sdelay $0x1  }
0x8a: {  	s1 =	srdreg.scid  }
0x8b: {  	s0 =	sand.u32 $0x1, s1  }
0x8c: {  	s14 =	sshll.u32 s0, $0xA;
	s2 =	sadd.s32 s3, s2  }
0x8d: {  	s2 =	sadd.s32 s2, s14  }
0x8e: {  	[smem:$0x3FBE] =	sst s2  }
0x8f: {  	_ = 	snop  }
0x90: {  	s2 =	sld [smem:$0x3FD0];
	_ =	sdelay $0x1  }
0x91: {  	s15 =	sld [smem:$0x3FC9]  }
0x92: {  	s5 =	simm.s32 $0xA;
	s6 =	simm.s32 $0x10;
	s4 =	sld [smem:$0x3FC8]  }
0x93: {  	[smem:s6], [sflag:s5] =	dma.local [hbm:s2], $0x1  }
0x94: {  	_ =	swait.eq [sflag:s5], $0x1  }
0x95: {  	[sflag:s5] =	ssyncset.done $0x0  }
0x96: {  	s16 =	sld [smem:$0x10];
	[sflag:s5] =	ssyncadd.s32 $0xFFFFFFFF  }
0x97: {  	s17 =	sld [smem:$0x11];
	(tm) =	ssettm $0x1  }
0x98: {  	s18 =	sld [smem:$0x3FFB];
	_ =	sdelay $0x3  }
0x99: {  	_ =	strace s18  }
0x9a: {  	s6 =	sld [smem:$0x3FFC];
	_ =	sdelay $0x3  }
0x9b: {  	_ =	strace s6  }
0x9c: {  	s6 =	sld [smem:$0x3FFD];
	_ =	sdelay $0x3  }
0x9d: {  	_ =	strace s6  }
0x9e: {  	_ =	strace $0x8FFFFFFF  }
0x9f: {  	s19 =	sld [smem:$0x3FDB];
	_ =	sdelay $0x1  }
0xa0: {  	s7 =	simm.s32 $_scs_section_size  }
0xa1: {  	s8 =	simm.s32 $_size__tile_overlayer_lowered;
	s9 =	simm.s32 $_tile_overlayer_lowered  }
0xa2: {  	s22 =	simm.s32 $0x1BFF;
	s21 =	sshll.u32 s9, $0x1;
	s6 =	sadd.s32 s7, s19  }
0xa3: {  	s10 =	simm.s32 $0x0;
	s20 =	sshll.u32 s8, $0x1;
	s8 =	sadd.s32 s21, s6  }
0xa4: {  	[timem:s10], [sflag:s22] =	dma.local [hbm:s8], s20  }
0xa5: {  	_ =	swait.ge [sflag:s22], s20  }
0xa6: {  	s7 =	ssub.s32 $0x0, s20;
	[sflag:s22] =	ssyncset.done $0x0  }
0xa7: {  	[sflag:s22] =	ssyncadd.s32 s7;
	_ =	sdelay $0x1  }
0xa8: {  	s23 =	simm.s32 $0x1B8B  }
0xa9: {  	_ =	swait.ge [sflag:s23], $0x1  }
0xaa: {  	[sflag:s23] =	ssyncset.done $0x0  }
0xab: {  	s25 =	simm.s32 $0x1B8E;
	s24 =	sld [smem:$0x3FFE];
	[sflag:s23] =	ssyncadd.s32 $0xFFFFFFFF  }
0xac: {  	s26 =	simm.s32 $execute0_lowered;
	[smem:$0x3FD2] =	sst s25  }
0xad: {  	s8 =	sshll.u32 s26, $0x1;
	_ =	strace $0x80000046;
	[dreg:$0x1] =	wrdreg $0xFFFFFFFF  }
0xae: {  	s28 =	simm.s32 $_size_execute0_lowered;
	s6 =	sadd.s32 s6, s8;
	[dreg:$0x0] =	wrdreg $0x0  }
0xaf: {  	s8 =	sshll.u32 s28, $0x1;
	[dreg:$0x2] =	wrdreg s6  }
0xb0: {  	[dreg:$0x3] =	wrdreg s8  }
0xb1: {  	[dreg:$0x4] =	wrdreg $0xC0  }
0xb2: {  	_ =	task [dreg:s10], $0x5FFFF  }
0xb3: {  	[dreg:$0x1] =	wrdreg $0xFFFFFFFF  }
0xb4: {  	[dreg:$0x0] =	wrdreg $0x60  }
0xb5: {  	[dreg:$0x2] =	wrdreg s15  }
0xb6: {  	[dreg:$0x3] =	wrdreg s4  }
0xb7: {  	[dreg:$0x4] =	wrdreg s24  }
0xb8: {  	[dreg:$0x5] =	wrdreg s17  }
0xb9: {  	[dreg:$0x6] =	wrdreg s16  }
0xba: {  	[dreg:$0x7] =	wrdreg $0x0  }
0xbb: {  	[dreg:$0x8] =	wrdreg $0x9  }
0xbc: {  	_ =	task.clear_ibuf [dreg:s10], $0x9FFFF;
	_ =	strace $0x90000046  }
0xbd: {  	s29 =	simm.s32 $0x9;
	_ =	strace $0x80000048  }
0xbe: {  	_ =	swait.ge [sflag:s29], $0x1  }
0xbf: {  	[sflag:s29] =	ssyncadd.s32 $0xFFFFFFFF  }
0xc0: {  	_ =	strace $0x90000048  }
0xc1: {  	_ =	sfence  }
0xc2: {  	s30 =	sld [smem:$0x0];
	_ =	sdelay $0x2  }
0xc3: {  	s31 =	sshll.u32 s1, $0xD;
	s1 =	sshrl.u32 s1, $0x2  }
0xc4: {  	s3 =	sand.u32 $0x4000, s31;
	s1 =	sadd.s32 s1, s30  }
0xc5: {  	s0 =	sor.u32 s3, s0;
	s1 =	sshll.u32 s1, $0x11  }
0xc6: {  	s0 =	sor.u32 s1, s0  }
0xc7: {  	s0 =	sadd.s32 $0x8F2B, s0  }
0xc8: {  	[sflag:s0] =	ssyncadd.remote.s32 $0x1  }
0xc9: {  	_ =	sfence.sel $0xFFFF  }
0xca: {  	[dreg:$0x0] =	wrdreg $0xFFFFFFFF;
	(pc) =	sbr.abs _section_cstart, $3  }
0xcb: {  	[dreg:$0x1] =	wrdreg $0xFFFFFFFF  }
0xcc: {  	_ =	task.clear_ibuf [dreg:s10], $0x2FFFF;
	_ =	strace $0x9FFFFFFF  }
0xcd: {  	(tm) =	ssettm $0x7FFFFFFF  }
tec
execute0_lowered:
.L_overlay_start_1:
0x0: {  	(tag) =	ssettag $0x1  }
0x1: {  	s0 =	rddreg [dreg:$0x2]  }
0x2: {  	s5 =	rddreg [dreg:$0x5]  }
0x3: {  	s6 =	simm.s32 $0x0;
	s1 =	srdreg.scid;
	s11 =	stileid.u32  }
0x4: {  	s28 =	simm.s32 $0x50;
	s31 =	simm.s32 $0x14400;
	[smem:$0x7FF] =	sst s6  }
0x5: {  	s10 =	sadd.s32 $0x14800, s0;
	s12 =	sadd.s32 $0x1E600, s0;
	s13 =	sadd.s32 $0xAA00, s0  }
0x6: {  	s14 =	sadd.s32 $0xC00, s0;
	s1 =	sand.u32 $0x1, s1;
	s2 =	sadd.s32 $0x28400, s0  }
0x7: {  	s4 =	sadd.s32 $0x29800, s0;
	_ =	strace $0x80000047;
	[dreg:$0xf] =	wrdreg s2  }
0x8: {  	s3 =	smul.u32 $0x28000, s11;
	s0 =	sadd.s32 $0x2C000, s0;
	[dreg:$0x10] =	wrdreg s4  }
0x9: {  	s9 =	smul.u32 $0x4E20, s11;
	s7 =	sshll.u32 s11, $0x6;
	[dreg:$0x11] =	wrdreg s0  }
0xa: {  	s15 =	sshrl.u32 s11, $0x3;
	s16 =	smul.u32 $0x9C4, s11;
	[dreg:$0xd] =	wrdreg s13  }
0xb: {  	s17 =	sshll.u32 s11, $0x7;
	s23 =	smul.u32 $0x27000, s11;
	[dreg:$0xe] =	wrdreg s14  }
0xc: {  	s30 =	ssub.s32 $0x2, s1;
	s21 =	sor.u32 $0x1C0D, s7;
	[dreg:$0xb] =	wrdreg s10  }
0xd: {  	s4 =	smul.u32 $0xA000, s15;
	p0 =	sne.s32 s1, $0x0;
	[dreg:$0xc] =	wrdreg s12  }
0xe: {  	s8 =	sshrl.u32 s30, $0x1;
	s18 =	sadd.s32 s16, s14;
	[dreg:$0x12] =	wrdreg s21  }
0xf: {  	s3 =	sshrl.u32 s3, $0x2;
	s19 =	sadd.s32 s16, s13;
	[dreg:$0x7] =	wrdreg s18  }
0x10: {  	s22 =	sadd.s32 s16, s12;
	s7 =	sadd.s32 s16, s10;
	[dreg:$0x8] =	wrdreg s19  }
0x11: {  	s2 =	sadd.s32 s3, s5;
	s3 =	sshrl.u32 s9, $0x3;
	[dreg:$0x9] =	wrdreg s22  }
0x12: {  	s0 =	ssub.s32 s30, s8;
	[dreg:$0xa] =	wrdreg s7;
	s8 =	sadd.s32 s13, s3  }
0x13: {  	s25 =	sshrl.u32 s23, $0x2;
	s9 =	sadd.s32 s14, s3;
	[dreg:$0x13] =	wrdreg s8  }
0x14: {  	s7 =	simm.s32 $0x5;
	s26 =	sadd.s32 $0x9B0, s3;
	[dreg:$0x14] =	wrdreg s9  }
0x15: {  	s20 =	sadd.s32 $0xA, s3;
	s29 =	sadd.s32 $0x9BA, s3;
	[dreg:$0x16] =	wrdreg s26  }
0x16: {  	s24 =	sadd.s32 $0x14, s3;
	s30 =	sadd.s32 s10, s3;
	[dreg:$0x17] =	wrdreg s29  }
0x17: {  	s1 =	sadd.s32 $0x1E, s3;
	s3 =	sadd.s32 s12, s3;
	[dreg:$0x18] =	wrdreg s30  }
0x18: {  	s0 =	smax.u32 s0, $0x1;
	s8 =	sand.u32 $0x380, s17;
	[dreg:$0x19] =	wrdreg s3  }
0x19: {  	s15 =	sadd.s32 s14, s20;
	s16 =	sadd.s32 s10, s20;
	[smem:$0x7FA] =	sst s0  }
0x1a: {  	s17 =	sadd.s32 s12, s20;
	s18 =	sadd.s32 s13, s24;
	[dreg:$0x1b] =	wrdreg s15  }
0x1b: {  	s19 =	sadd.s32 s14, s24;
	s22 =	sadd.s32 s12, s24;
	[dreg:$0x1c] =	wrdreg s16  }
0x1c: {  	s23 =	sadd.s32 s13, s1;
	s26 =	sshrl.u32 s2, $0x3;
	[dreg:$0x1d] =	wrdreg s17  }
0x1d: {  	s30 =	smul.u32 $0x1380, s11;
	s2 =	simm.s32 $0xD;
	[dreg:$0x1e] =	wrdreg s18  }
0x1e: {  	s9 =	simm.s32 $0xA000;
	s3 =	simm.s32 $0x4;
	[dreg:$0x1f] =	wrdreg s19  }
0x1f: {  	s11 =	simm.s32 $0x7;
	s4 =	sor.u32 s8, s4;
	[smem:$0x7F5] =	sst s22  }
0x20: {  	s8 =	sadd.s32 s13, s20;
	s20 =	sadd.s32 s10, s24;
	[smem:$0x7F6] =	sst s23  }
0x21: {  	s24 =	sadd.s32 s14, s1;
	[smem:$0x7FB] =	sst s26;
	s22 =	simm.s32 $0xC900  }
0x22: {  	s23 =	simm.s32 $0xC980;
	s26 =	simm.s32 $0x1;
	[dreg:$0x1a] =	wrdreg s8  }
0x23: {  	s16 =	simm.s32 $0xCA00;
	s13 =	simm.s32 $0x3;
	[smem:$0x7F4] =	sst s20  }
0x24: {  	s14 =	simm.s32 $0xA;
	s15 =	simm.s32 $0x6;
	[smem:$0x7F7] =	sst s24  }
.Ltmp0:
0x25: {  	s4 =	sshrl.u32 s4, $0x3;
	[smem:$0x7FD] =	sst s30;
	(pc) =	sbr.rel .LBB2_1-.Ltmp0, $4  }
0x26: {  	[dreg:$0x15] =	wrdreg s4;
	s4 =	sadd.s32 s25, s5;
	s25 =	sadd.s32 s10, s1  }
0x27: {  	s17 =	simm.s32 $0x0;
	s1 =	sadd.s32 s12, s1;
	[smem:$0x7F8] =	sst s25  }
0x28: {  	s10 =	simm.s32 $0xA080;
	[smem:$0x7F9] =	sst s1;
	s29 =	sshrl.u32 s4, $0x3  }
0x29: {  	v0 =	vimm.f32 $0.0e+00;
	v1 =	vimm.f32 $1.000000000e+00;
	s12 =	simm.s32 $0xA100;
	s4 =	simm.s32 $0x2;
	[smem:$0x7FC] =	sst s29  }
.LBB2_10:
0x2a: {  	s0 =	simm.s32 $0x8  }
0x2b: {  	_ =	swait.ge [sflag:s0], $0x2800  }
0x2c: {  	[sflag:s0] =	ssyncset.done $0x0  }
0x2d: {  	[sflag:s0] =	ssyncadd.s32 $0xFFFFD800  }
0x2e: {  	v2 =	vld [tilespmem:$0xF280];
	_ =	sdelay $0x7  }
0x2f: {  	[tilespmem:v2+s31+$0x0] =	vst.idx.add.f32.msk $0xffff, v1  }
0x30: {  	v2 =	vld [tilespmem:$0xF290];
	_ =	sdelay $0x7  }
0x31: {  	[tilespmem:v2+s31+$0x0] =	vst.idx.add.f32.msk $0xffff, v1  }
0x32: {  	v2 =	vld [tilespmem:$0xF2A0];
	_ =	sdelay $0x7  }
0x33: {  	[tilespmem:v2+s31+$0x0] =	vst.idx.add.f32.msk $0xffff, v1  }
0x34: {  	v2 =	vld [tilespmem:$0xF2B0];
	_ =	sdelay $0x7  }
0x35: {  	[tilespmem:v2+s31+$0x0] =	vst.idx.add.f32.msk $0xffff, v1  }
0x36: {  	v2 =	vld [tilespmem:$0xF2C0];
	_ =	sdelay $0x7  }
0x37: {  	s10 =	simm.s32 $0xF280;
	s8 =	simm.s32 $0xF300;
	[tilespmem:v2+s31+$0x0] =	vst.idx.add.f32.msk $0xffff, v1  }
0x38: {  	[spmem:s5] =	stream.indirect.scatter.add.f32 [tilespmem:s8], [sflag:$0x9], $0x80, s10, s28, $0xb8;
	[tilespmem:$0x15800] =	vst v63  }
0x39: {  	_ =	swait.ge [sflag:s13], $0x2800  }
0x3a: {  	[sflag:s13] =	ssyncset.done $0x0;
	s12 =	rddreg [dreg:$0x16]  }
0x3b: {  	s9 =	simm.s32 $0xA000;
	s16 =	sadd.s32 s21, s12;
	[sflag:s13] =	ssyncadd.s32 $0xFFFFD800  }
0x3c: {  	[tilespmem:s9], [sflag:$0x1] =	stream.linear.gather [hbm4b:s16+s6], $0x50, $0x38;
	[tilespmem:$0x15800] =	vst v63  }
0x3d: {  	s10 =	simm.s32 $0xA080;
	s20 =	sadd.s32 s2, s12  }
0x3e: {  	[tilespmem:s10], [sflag:$0x1] =	stream.linear.gather [hbm4b:s20+s6], $0x50, $0x38;
	[tilespmem:$0x15800] =	vst v63  }
0x3f: {  	_ =	swait.ge [sflag:s14], $0x50  }
0x40: {  	[sflag:s14] =	ssyncset.done $0x0  }
0x41: {  	[sflag:s14] =	ssyncadd.s32 $0xFFFFFFB0  }
0x42: {  	_ =	swait.ge [sflag:s14], $0x50  }
0x43: {  	s22 =	simm.s32 $0x11B00;
	[sflag:s14] =	ssyncset.done $0x0  }
0x44: {  	s4 =	simm.s32 $0x11C00;
	s23 =	simm.s32 $0xB;
	[sflag:s14] =	ssyncadd.s32 $0xFFFFFFB0  }
0x45: {  	[tilespmem:s4], [sflag:$0xB] =	stream.indirect.gather [hbm4b:s1+s28], $0x80, s22, s28, $0xb8;
	[tilespmem:$0x15800] =	vst v63  }
0x46: {  	_ =	swait.ge [sflag:s23], $0x2800  }
0x47: {  	[sflag:s23] =	ssyncset.done $0x0  }
0x48: {  	[sflag:s23] =	ssyncadd.s32 $0xFFFFD800  }
0x49: {  	v2 =	vld [tilespmem:$0x11B80];
	_ =	sdelay $0x7  }
0x4a: {  	[tilespmem:v2+s31+$0x0] =	vst.idx.add.f32.msk $0xffff, v1  }
0x4b: {  	v2 =	vld [tilespmem:$0x11B90];
	_ =	sdelay $0x7  }
0x4c: {  	[tilespmem:v2+s31+$0x0] =	vst.idx.add.f32.msk $0xffff, v1  }
0x4d: {  	v2 =	vld [tilespmem:$0x11BA0];
	_ =	sdelay $0x7  }
0x4e: {  	[tilespmem:v2+s31+$0x0] =	vst.idx.add.f32.msk $0xffff, v1  }
0x4f: {  	v2 =	vld [tilespmem:$0x11BB0];
	_ =	sdelay $0x7  }
0x50: {  	[tilespmem:v2+s31+$0x0] =	vst.idx.add.f32.msk $0xffff, v1  }
0x51: {  	v2 =	vld [tilespmem:$0x11BC0];
	_ =	sdelay $0x7  }
0x52: {  	s24 =	simm.s32 $0x11B80;
	[tilespmem:v2+s31+$0x0] =	vst.idx.add.f32.msk $0xffff, v1  }
0x53: {  	[spmem:s5] =	stream.indirect.scatter.add.f32 [tilespmem:s4], [sflag:$0xC], $0x80, s24, s28, $0xb8;
	[tilespmem:$0x15800] =	vst v63  }
0x54: {  	_ =	swait.ge [sflag:s15], $0x2800  }
0x55: {  	[sflag:s15] =	ssyncset.done $0x0;
	s25 =	rddreg [dreg:$0x17]  }
0x56: {  	s22 =	simm.s32 $0xC900;
	s29 =	sadd.s32 s21, s25;
	[sflag:s15] =	ssyncadd.s32 $0xFFFFD800  }
0x57: {  	[tilespmem:s22], [sflag:$0x4] =	stream.linear.gather [hbm4b:s29+s6], $0x50, $0x38;
	[tilespmem:$0x15800] =	vst v63  }
0x58: {  	s23 =	simm.s32 $0xC980;
	s30 =	sadd.s32 s2, s25  }
0x59: {  	[tilespmem:s23], [sflag:$0x4] =	stream.linear.gather [hbm4b:s30+s6], $0x50, $0x38;
	[tilespmem:$0x15800] =	vst v63  }
0x5a: {  	_ =	swait.ge [sflag:s26], $0x50  }
0x5b: {  	[sflag:s26] =	ssyncset.done $0x0  }
0x5c: {  	[sflag:s26] =	ssyncadd.s32 $0xFFFFFFB0  }
0x5d: {  	_ =	swait.ge [sflag:s26], $0x50  }
0x5e: {  	[sflag:s26] =	ssyncset.done $0x0  }
0x5f: {  	s12 =	simm.s32 $0xA100;
	s4 =	simm.s32 $0x2;
	[sflag:s26] =	ssyncadd.s32 $0xFFFFFFB0  }
0x60: {  	[tilespmem:s12], [sflag:$0x2] =	stream.indirect.gather [hbm4b:s1+s28], $0x80, s9, s28, $0xb8;
	[tilespmem:$0x15800] =	vst v63  }
0x61: {  	_ =	swait.ge [sflag:s4], $0x2800  }
0x62: {  	[sflag:s4] =	ssyncset.done $0x0  }
0x63: {  	[sflag:s4] =	ssyncadd.s32 $0xFFFFD800  }
0x64: {  	v2 =	vld [tilespmem:$0xA080];
	_ =	sdelay $0x7  }
0x65: {  	[tilespmem:v2+s31+$0x0] =	vst.idx.add.f32.msk $0xffff, v1  }
0x66: {  	v2 =	vld [tilespmem:$0xA090];
	_ =	sdelay $0x7  }
0x67: {  	[tilespmem:v2+s31+$0x0] =	vst.idx.add.f32.msk $0xffff, v1  }
0x68: {  	v2 =	vld [tilespmem:$0xA0A0];
	_ =	sdelay $0x7  }
0x69: {  	[tilespmem:v2+s31+$0x0] =	vst.idx.add.f32.msk $0xffff, v1  }
0x6a: {  	v2 =	vld [tilespmem:$0xA0B0];
	_ =	sdelay $0x7  }
0x6b: {  	[tilespmem:v2+s31+$0x0] =	vst.idx.add.f32.msk $0xffff, v1  }
0x6c: {  	v2 =	vld [tilespmem:$0xA0C0];
	_ =	sdelay $0x7  }
0x6d: {  	[tilespmem:v2+s31+$0x0] =	vst.idx.add.f32.msk $0xffff, v1  }
0x6e: {  	[spmem:s5] =	stream.indirect.scatter.add.f32 [tilespmem:s12], [sflag:$0x3], $0x80, s10, s28, $0xb8;
	[tilespmem:$0x15800] =	vst v63  }
0x6f: {  	_ =	swait.ge [sflag:s3], $0x50  }
0x70: {  	[sflag:s3] =	ssyncset.done $0x0  }
0x71: {  	[sflag:s3] =	ssyncadd.s32 $0xFFFFFFB0  }
0x72: {  	_ =	swait.ge [sflag:s3], $0x50  }
0x73: {  	[sflag:s3] =	ssyncset.done $0x0  }
0x74: {  	s7 =	simm.s32 $0x5;
	s16 =	simm.s32 $0xCA00;
	[sflag:s3] =	ssyncadd.s32 $0xFFFFFFB0  }
0x75: {  	[tilespmem:s16], [sflag:$0x5] =	stream.indirect.gather [hbm4b:s1+s28], $0x80, s22, s28, $0xb8;
	[tilespmem:$0x15800] =	vst v63  }
0x76: {  	_ =	swait.ge [sflag:s7], $0x2800  }
0x77: {  	[sflag:s7] =	ssyncset.done $0x0  }
0x78: {  	[sflag:s7] =	ssyncadd.s32 $0xFFFFD800  }
0x79: {  	v2 =	vld [tilespmem:$0xC980];
	_ =	sdelay $0x7  }
0x7a: {  	[tilespmem:v2+s31+$0x0] =	vst.idx.add.f32.msk $0xffff, v1  }
0x7b: {  	v2 =	vld [tilespmem:$0xC990];
	_ =	sdelay $0x7  }
0x7c: {  	[tilespmem:v2+s31+$0x0] =	vst.idx.add.f32.msk $0xffff, v1  }
0x7d: {  	v2 =	vld [tilespmem:$0xC9A0];
	_ =	sdelay $0x7  }
0x7e: {  	[tilespmem:v2+s31+$0x0] =	vst.idx.add.f32.msk $0xffff, v1  }
0x7f: {  	v2 =	vld [tilespmem:$0xC9B0];
	_ =	sdelay $0x7  }
0x80: {  	[tilespmem:v2+s31+$0x0] =	vst.idx.add.f32.msk $0xffff, v1  }
0x81: {  	v2 =	vld [tilespmem:$0xC9C0];
	_ =	sdelay $0x7  }
0x82: {  	s2 =	simm.s32 $0x9;
	[tilespmem:v2+s31+$0x0] =	vst.idx.add.f32.msk $0xffff, v1  }
0x83: {  	[spmem:s5] =	stream.indirect.scatter.add.f32 [tilespmem:s16], [sflag:$0x6], $0x80, s23, s28, $0xb8;
	[tilespmem:$0x15800] =	vst v63  }
0x84: {  	_ =	swait.ge [sflag:s2], $0x2800  }
0x85: {  	[sflag:s2] =	ssyncset.done $0x0  }
0x86: {  	s8 =	simm.s32 $0xC;
	[sflag:s2] =	ssyncadd.s32 $0xFFFFD800  }
0x87: {  	_ =	swait.ge [sflag:s8], $0x2800  }
0x88: {  	[sflag:s8] =	ssyncset.done $0x0  }
0x89: {  	[sflag:s8] =	ssyncadd.s32 $0xFFFFD800  }
0x8a: {  	_ =	swait.ge [sflag:s13], $0x2800  }
0x8b: {  	[sflag:s13] =	ssyncset.done $0x0  }
0x8c: {  	[sflag:s13] =	ssyncadd.s32 $0xFFFFD800  }
0x8d: {  	s24 =	simm.s32 $0x400;
	_ =	swait.ge [sflag:s15], $0x2800  }
0x8e: {  	s21 =	simm.s32 $0x80;
	[sflag:s15] =	ssyncset.done $0x0;
	s20 =	rddreg [dreg:$0x15]  }
0x8f: {  	s2 =	simm.s32 $0xD;
	s0 =	sadd.s32 s19, s20;
	[sflag:s15] =	ssyncadd.s32 $0xFFFFD800  }
0x90: {  	[hbm4b:s0+s21] =	stream.strided.scatter [tilespmem:s31], [sflag:$0xD], $0x1400, s24, s21, $0x38;
	[tilespmem:$0x15800] =	vst v63  }
0x91: {  	_ =	swait.ge [sflag:s2], $0x1400  }
0x92: {  	[sflag:s2] =	ssyncset.done $0x0  }
0x93: {  	[sflag:s2] =	ssyncadd.s32 $0xFFFFEC00  }
0x94: {  	s25 =	sld [smem:$0x7FD];
	[bflag:$0x0] =	sbarrier.arrive $0xFFFF  }
0x95: {  	s29 =	sld [smem:$0x7FC];
	_ =	sdelay $0x1  }
0x96: {  	s0 =	sadd.s32 s18, s25;
	s21 =	rddreg [dreg:$0x12]  }
0x97: {  	[hbm:s0], [sflag:s21] =	dma.local [spmem:s29], $0x1400  }
0x98: {  	_ =	swait.ge [sflag:s2], $0x1400  }
0x99: {  	s30 =	sld [smem:$0x7FA];
	_ =	sdelay $0x1  }
0x9a: {  	s17 =	sadd.s32 $0x1, s17  }
0x9b: {  	p1 =	sne.s32 s17, s30  }
.Ltmp1:
0x9c: {  	_ = 	snop;
	(pc) =	sbr.rel @!p1 .LBB2_11-.Ltmp1, $3  }
0x9d: {  	_ =	sdelay $0x1  }
0x9e: {  	[sflag:s2] =	ssyncset.done $0x0  }
0x9f: {  	[sflag:s2] =	ssyncadd.s32 $0xFFFFEC00  }
.LBB2_1:
0xa0: {  	s1 =	sld [smem:$0x7FB]  }
0xa1: {  	[smem:$0x7F3] =	sst s17  }
0xa2: {  	s0 =	rddreg [dreg:$0xf]  }
0xa3: {  	[spmem:s1], [sflag:s21] =	dma.local [hbm:s0], $0x1400  }
0xa4: {  	_ =	swait.ge [sflag:s2], $0x1400  }
0xa5: {  	[sflag:s2] =	ssyncset.done $0x0  }
0xa6: {  	s1 =	simm.s32 $0x40;
	[sflag:s2] =	ssyncadd.s32 $0xFFFFEC00;
	s2 =	simm.s32 $0x0  }
.LBB2_2:
0xa7: {  	p1 =	sne.s32 s1, $0x4FC0;
	[tilespmem:s2+$0x14400] =	vst v0;
	s2 =	smov.u32 s1;
	s1 =	sadd.s32 $0x40, s1  }
.Ltmp2:
0xa8: {  	(pc) =	sbr.rel @p1 .LBB2_2-.Ltmp2, $2  }
0xa9: {  	_ =	sdelay $0x2  }
0xaa: {  	s2 =	sshra.s32 s2, $0x2  }
.Ltmp3:
0xab: {  	(pc) =	sbr.rel @p0 .LBB2_7-.Ltmp3, $4  }
0xac: {  	_ = 	snop  }
0xad: {  	[tilespmem:s2+$0x14400] =	vst v0  }
0xae: {  	[bflag:$0x0] =	sbarrier.arrive $0xFFFF  }
0xaf: {  	s21 =	simm.s32 $0x0  }
0xb0: {  	s0 =	rddreg [dreg:$0x18]  }
0xb1: {  	[tilespmem:s9], [sflag:$0x1] =	stream.linear.gather [hbm4b:s0+s21], $0x50, $0x38;
	[tilespmem:$0x15800] =	vst v63  }
0xb2: {  	s1 =	rddreg [dreg:$0x19]  }
0xb3: {  	[tilespmem:s10], [sflag:$0x1] =	stream.linear.gather [hbm4b:s1+s21], $0x50, $0x38;
	[tilespmem:$0x15800] =	vst v63  }
0xb4: {  	s2 =	rddreg [dreg:$0x1c]  }
0xb5: {  	[tilespmem:s22], [sflag:$0x4] =	stream.linear.gather [hbm4b:s2+s21], $0x50, $0x38;
	[tilespmem:$0x15800] =	vst v63  }
0xb6: {  	s8 =	rddreg [dreg:$0x1d]  }
0xb7: {  	[tilespmem:s23], [sflag:$0x4] =	stream.linear.gather [hbm4b:s8+s21], $0x50, $0x38;
	[tilespmem:$0x15800] =	vst v63  }
0xb8: {  	_ =	swait.ge [sflag:s26], $0x50  }
0xb9: {  	[sflag:s26] =	ssyncset.done $0x0  }
0xba: {  	[sflag:s26] =	ssyncadd.s32 $0xFFFFFFB0  }
0xbb: {  	_ =	swait.ge [sflag:s26], $0x50  }
0xbc: {  	[sflag:s26] =	ssyncset.done $0x0  }
0xbd: {  	[sflag:s26] =	ssyncadd.s32 $0xFFFFFFB0  }
0xbe: {  	s8 =	rddreg [dreg:$0x0]  }
0xbf: {  	[tilespmem:s12], [sflag:$0x2] =	stream.indirect.gather [hbm4b:s8+s28], $0x80, s9, s28, $0xb8;
	[tilespmem:$0x15800] =	vst v63  }
0xc0: {  	_ =	swait.ge [sflag:s4], $0x2800  }
0xc1: {  	[sflag:s4] =	ssyncset.done $0x0  }
0xc2: {  	[sflag:s4] =	ssyncadd.s32 $0xFFFFD800  }
0xc3: {  	v2 =	vld [tilespmem:$0xA080];
	_ =	sdelay $0x7  }
0xc4: {  	[tilespmem:v2+s31+$0x0] =	vst.idx.add.f32.msk $0xffff, v1  }
0xc5: {  	v2 =	vld [tilespmem:$0xA090];
	_ =	sdelay $0x7  }
0xc6: {  	[tilespmem:v2+s31+$0x0] =	vst.idx.add.f32.msk $0xffff, v1  }
0xc7: {  	v2 =	vld [tilespmem:$0xA0A0];
	_ =	sdelay $0x7  }
0xc8: {  	[tilespmem:v2+s31+$0x0] =	vst.idx.add.f32.msk $0xffff, v1  }
0xc9: {  	v2 =	vld [tilespmem:$0xA0B0];
	_ =	sdelay $0x7  }
0xca: {  	[tilespmem:v2+s31+$0x0] =	vst.idx.add.f32.msk $0xffff, v1  }
0xcb: {  	v2 =	vld [tilespmem:$0xA0C0];
	_ =	sdelay $0x7  }
0xcc: {  	[tilespmem:v2+s31+$0x0] =	vst.idx.add.f32.msk $0xffff, v1  }
0xcd: {  	[spmem:s5] =	stream.indirect.scatter.add.f32 [tilespmem:s12], [sflag:$0x3], $0x80, s10, s28, $0xb8;
	[tilespmem:$0x15800] =	vst v63  }
0xce: {  	s12 =	sld [smem:$0x7F4];
	_ =	sdelay $0x1  }
0xcf: {  	s9 =	simm.s32 $0xF200;
	s17 =	sld [smem:$0x7F5]  }
0xd0: {  	[tilespmem:s9], [sflag:$0x7] =	stream.linear.gather [hbm4b:s12+s21], $0x50, $0x38;
	[tilespmem:$0x15800] =	vst v63  }
0xd1: {  	s10 =	simm.s32 $0xF280  }
0xd2: {  	[tilespmem:s10], [sflag:$0x7] =	stream.linear.gather [hbm4b:s17+s21], $0x50, $0x38;
	[tilespmem:$0x15800] =	vst v63  }
0xd3: {  	_ =	swait.ge [sflag:s3], $0x50  }
0xd4: {  	[sflag:s3] =	ssyncset.done $0x0  }
0xd5: {  	[sflag:s3] =	ssyncadd.s32 $0xFFFFFFB0  }
0xd6: {  	_ =	swait.ge [sflag:s3], $0x50  }
0xd7: {  	[sflag:s3] =	ssyncset.done $0x0  }
0xd8: {  	[sflag:s3] =	ssyncadd.s32 $0xFFFFFFB0  }
0xd9: {  	[tilespmem:s16], [sflag:$0x5] =	stream.indirect.gather [hbm4b:s8+s28], $0x80, s22, s28, $0xb8;
	[tilespmem:$0x15800] =	vst v63  }
0xda: {  	_ =	swait.ge [sflag:s7], $0x2800  }
0xdb: {  	[sflag:s7] =	ssyncset.done $0x0  }
0xdc: {  	[sflag:s7] =	ssyncadd.s32 $0xFFFFD800  }
0xdd: {  	v2 =	vld [tilespmem:$0xC980];
	_ =	sdelay $0x7  }
0xde: {  	[tilespmem:v2+s31+$0x0] =	vst.idx.add.f32.msk $0xffff, v1  }
0xdf: {  	v2 =	vld [tilespmem:$0xC990];
	_ =	sdelay $0x7  }
0xe0: {  	[tilespmem:v2+s31+$0x0] =	vst.idx.add.f32.msk $0xffff, v1  }
0xe1: {  	v2 =	vld [tilespmem:$0xC9A0];
	_ =	sdelay $0x7  }
0xe2: {  	[tilespmem:v2+s31+$0x0] =	vst.idx.add.f32.msk $0xffff, v1  }
0xe3: {  	v2 =	vld [tilespmem:$0xC9B0];
	_ =	sdelay $0x7  }
0xe4: {  	[tilespmem:v2+s31+$0x0] =	vst.idx.add.f32.msk $0xffff, v1  }
0xe5: {  	v2 =	vld [tilespmem:$0xC9C0];
	_ =	sdelay $0x7  }
0xe6: {  	s18 =	sld [smem:$0x7F8];
	[tilespmem:v2+s31+$0x0] =	vst.idx.add.f32.msk $0xffff, v1  }
0xe7: {  	[spmem:s5] =	stream.indirect.scatter.add.f32 [tilespmem:s16], [sflag:$0x6], $0x80, s23, s28, $0xb8;
	[tilespmem:$0x15800] =	vst v63  }
0xe8: {  	s22 =	simm.s32 $0x11B00;
	s20 =	sld [smem:$0x7F9]  }
0xe9: {  	[tilespmem:s22], [sflag:$0xA] =	stream.linear.gather [hbm4b:s18+s21], $0x50, $0x38;
	[tilespmem:$0x15800] =	vst v63  }
0xea: {  	s23 =	simm.s32 $0x11B80  }
0xeb: {  	[tilespmem:s23], [sflag:$0xA] =	stream.linear.gather [hbm4b:s20+s21], $0x50, $0x38;
	[tilespmem:$0x15800] =	vst v63  }
0xec: {  	s19 =	simm.s32 $0x2;
	s24 =	simm.s32 $0xA080;
	_ =	swait.ge [sflag:s11], $0x50  }
0xed: {  	s25 =	simm.s32 $0xC900;
	s29 =	simm.s32 $0xF300;
	[sflag:s11] =	ssyncset.done $0x0  }
0xee: {  	s30 =	simm.s32 $0x11C00;
	s4 =	simm.s32 $0x5;
	[sflag:s11] =	ssyncadd.s32 $0xFFFFFFB0  }
0xef: {  	s12 =	simm.s32 $0xC;
	s17 =	simm.s32 $0x8;
	_ =	swait.ge [sflag:s11], $0x50  }
0xf0: {  	s7 =	simm.s32 $0x9;
	s16 =	simm.s32 $0xC980;
	[sflag:s11] =	ssyncset.done $0x0  }
0xf1: {  	s18 =	simm.s32 $0xCA00;
	s20 =	simm.s32 $0xB;
	[sflag:s11] =	ssyncadd.s32 $0xFFFFFFB0  }
0xf2: {  	[tilespmem:s29], [sflag:$0x8] =	stream.indirect.gather [hbm4b:s8+s28], $0x80, s9, s28, $0xb8;
	[tilespmem:$0x15800] =	vst v63  }
.LBB2_5:
0xf3: {  	_ =	swait.ge [sflag:s17], $0x2800  }
0xf4: {  	[sflag:s17] =	ssyncset.done $0x0  }
0xf5: {  	[sflag:s17] =	ssyncadd.s32 $0xFFFFD800  }
0xf6: {  	v2 =	vld [tilespmem:$0xF280];
	_ =	sdelay $0x7  }
0xf7: {  	[tilespmem:v2+s31+$0x0] =	vst.idx.add.f32.msk $0xffff, v1  }
0xf8: {  	v2 =	vld [tilespmem:$0xF290];
	_ =	sdelay $0x7  }
0xf9: {  	[tilespmem:v2+s31+$0x0] =	vst.idx.add.f32.msk $0xffff, v1  }
0xfa: {  	v2 =	vld [tilespmem:$0xF2A0];
	_ =	sdelay $0x7  }
0xfb: {  	[tilespmem:v2+s31+$0x0] =	vst.idx.add.f32.msk $0xffff, v1  }
0xfc: {  	v2 =	vld [tilespmem:$0xF2B0];
	_ =	sdelay $0x7  }
0xfd: {  	[tilespmem:v2+s31+$0x0] =	vst.idx.add.f32.msk $0xffff, v1  }
0xfe: {  	v2 =	vld [tilespmem:$0xF2C0];
	_ =	sdelay $0x7  }
0xff: {  	[tilespmem:v2+s31+$0x0] =	vst.idx.add.f32.msk $0xffff, v1  }
0x100: {  	[spmem:s5] =	stream.indirect.scatter.add.f32 [tilespmem:s29], [sflag:$0x9], $0x80, s10, s28, $0xb8;
	[tilespmem:$0x15800] =	vst v63  }
0x101: {  	_ =	swait.ge [sflag:s13], $0x2800  }
0x102: {  	s1 =	rddreg [dreg:$0xa];
	[sflag:s13] =	ssyncset.done $0x0  }
0x103: {  	s2 =	rddreg [dreg:$0x9];
	s1 =	sadd.s32 s21, s1;
	[sflag:s13] =	ssyncadd.s32 $0xFFFFD800  }
0x104: {  	s13 =	simm.s32 $0xA000;
	s2 =	sadd.s32 s21, s2;
	s0 =	sadd.s32 $0x28, s1  }
0x105: {  	[tilespmem:s13], [sflag:$0x1] =	stream.linear.gather [hbm4b:s0+s6], $0x50, $0x38;
	[tilespmem:$0x15800] =	vst v63  }
0x106: {  	s0 =	sadd.s32 $0x28, s2  }
0x107: {  	[tilespmem:s24], [sflag:$0x1] =	stream.linear.gather [hbm4b:s0+s6], $0x50, $0x38;
	[tilespmem:$0x15800] =	vst v63  }
0x108: {  	_ =	swait.ge [sflag:s14], $0x50  }
0x109: {  	[sflag:s14] =	ssyncset.done $0x0  }
0x10a: {  	[sflag:s14] =	ssyncadd.s32 $0xFFFFFFB0  }
0x10b: {  	_ =	swait.ge [sflag:s14], $0x50  }
0x10c: {  	[sflag:s14] =	ssyncset.done $0x0  }
0x10d: {  	[sflag:s14] =	ssyncadd.s32 $0xFFFFFFB0  }
0x10e: {  	[tilespmem:s30], [sflag:$0xB] =	stream.indirect.gather [hbm4b:s8+s28], $0x80, s22, s28, $0xb8;
	[tilespmem:$0x15800] =	vst v63  }
0x10f: {  	_ =	swait.ge [sflag:s20], $0x2800  }
0x110: {  	[sflag:s20] =	ssyncset.done $0x0  }
0x111: {  	[sflag:s20] =	ssyncadd.s32 $0xFFFFD800  }
0x112: {  	v2 =	vld [tilespmem:$0x11B80];
	_ =	sdelay $0x7  }
0x113: {  	[tilespmem:v2+s31+$0x0] =	vst.idx.add.f32.msk $0xffff, v1  }
0x114: {  	v2 =	vld [tilespmem:$0x11B90];
	_ =	sdelay $0x7  }
0x115: {  	[tilespmem:v2+s31+$0x0] =	vst.idx.add.f32.msk $0xffff, v1  }
0x116: {  	v2 =	vld [tilespmem:$0x11BA0];
	_ =	sdelay $0x7  }
0x117: {  	[tilespmem:v2+s31+$0x0] =	vst.idx.add.f32.msk $0xffff, v1  }
0x118: {  	v2 =	vld [tilespmem:$0x11BB0];
	_ =	sdelay $0x7  }
0x119: {  	[tilespmem:v2+s31+$0x0] =	vst.idx.add.f32.msk $0xffff, v1  }
0x11a: {  	v2 =	vld [tilespmem:$0x11BC0];
	_ =	sdelay $0x7  }
0x11b: {  	[tilespmem:v2+s31+$0x0] =	vst.idx.add.f32.msk $0xffff, v1  }
0x11c: {  	[spmem:s5] =	stream.indirect.scatter.add.f32 [tilespmem:s30], [sflag:$0xC], $0x80, s23, s28, $0xb8;
	[tilespmem:$0x15800] =	vst v63  }
0x11d: {  	_ =	swait.ge [sflag:s15], $0x2800  }
0x11e: {  	[sflag:s15] =	ssyncset.done $0x0  }
0x11f: {  	s0 =	sadd.s32 $0x32, s1;
	[sflag:s15] =	ssyncadd.s32 $0xFFFFD800  }
0x120: {  	[tilespmem:s25], [sflag:$0x4] =	stream.linear.gather [hbm4b:s0+s6], $0x50, $0x38;
	[tilespmem:$0x15800] =	vst v63  }
0x121: {  	s0 =	sadd.s32 $0x32, s2  }
0x122: {  	[tilespmem:s16], [sflag:$0x4] =	stream.linear.gather [hbm4b:s0+s6], $0x50, $0x38;
	[tilespmem:$0x15800] =	vst v63  }
0x123: {  	_ =	swait.ge [sflag:s26], $0x50  }
0x124: {  	[sflag:s26] =	ssyncset.done $0x0  }
0x125: {  	[sflag:s26] =	ssyncadd.s32 $0xFFFFFFB0  }
0x126: {  	_ =	swait.ge [sflag:s26], $0x50  }
0x127: {  	[sflag:s26] =	ssyncset.done $0x0  }
0x128: {  	s0 =	simm.s32 $0xA100;
	[sflag:s26] =	ssyncadd.s32 $0xFFFFFFB0  }
0x129: {  	[tilespmem:s0], [sflag:$0x2] =	stream.indirect.gather [hbm4b:s8+s28], $0x80, s13, s28, $0xb8;
	[tilespmem:$0x15800] =	vst v63  }
0x12a: {  	_ =	swait.ge [sflag:s19], $0x2800  }
0x12b: {  	[sflag:s19] =	ssyncset.done $0x0  }
0x12c: {  	[sflag:s19] =	ssyncadd.s32 $0xFFFFD800  }
0x12d: {  	v2 =	vld [tilespmem:$0xA080];
	_ =	sdelay $0x7  }
0x12e: {  	[tilespmem:v2+s31+$0x0] =	vst.idx.add.f32.msk $0xffff, v1  }
0x12f: {  	v2 =	vld [tilespmem:$0xA090];
	_ =	sdelay $0x7  }
0x130: {  	[tilespmem:v2+s31+$0x0] =	vst.idx.add.f32.msk $0xffff, v1  }
0x131: {  	v2 =	vld [tilespmem:$0xA0A0];
	_ =	sdelay $0x7  }
0x132: {  	[tilespmem:v2+s31+$0x0] =	vst.idx.add.f32.msk $0xffff, v1  }
0x133: {  	v2 =	vld [tilespmem:$0xA0B0];
	_ =	sdelay $0x7  }
0x134: {  	[tilespmem:v2+s31+$0x0] =	vst.idx.add.f32.msk $0xffff, v1  }
0x135: {  	v2 =	vld [tilespmem:$0xA0C0];
	_ =	sdelay $0x7  }
0x136: {  	[tilespmem:v2+s31+$0x0] =	vst.idx.add.f32.msk $0xffff, v1  }
0x137: {  	[spmem:s5] =	stream.indirect.scatter.add.f32 [tilespmem:s0], [sflag:$0x3], $0x80, s24, s28, $0xb8;
	[tilespmem:$0x15800] =	vst v63  }
0x138: {  	_ =	swait.ge [sflag:s7], $0x2800  }
0x139: {  	[sflag:s7] =	ssyncset.done $0x0  }
0x13a: {  	s0 =	sadd.s32 $0x3C, s1;
	[sflag:s7] =	ssyncadd.s32 $0xFFFFD800  }
0x13b: {  	[tilespmem:s9], [sflag:$0x7] =	stream.linear.gather [hbm4b:s0+s6], $0x50, $0x38;
	[tilespmem:$0x15800] =	vst v63  }
0x13c: {  	s0 =	sadd.s32 $0x3C, s2  }
0x13d: {  	[tilespmem:s10], [sflag:$0x7] =	stream.linear.gather [hbm4b:s0+s6], $0x50, $0x38;
	[tilespmem:$0x15800] =	vst v63  }
0x13e: {  	_ =	swait.ge [sflag:s3], $0x50  }
0x13f: {  	[sflag:s3] =	ssyncset.done $0x0  }
0x140: {  	[sflag:s3] =	ssyncadd.s32 $0xFFFFFFB0  }
0x141: {  	_ =	swait.ge [sflag:s3], $0x50  }
0x142: {  	[sflag:s3] =	ssyncset.done $0x0  }
0x143: {  	[sflag:s3] =	ssyncadd.s32 $0xFFFFFFB0  }
0x144: {  	[tilespmem:s18], [sflag:$0x5] =	stream.indirect.gather [hbm4b:s8+s28], $0x80, s25, s28, $0xb8;
	[tilespmem:$0x15800] =	vst v63  }
0x145: {  	_ =	swait.ge [sflag:s4], $0x2800  }
0x146: {  	[sflag:s4] =	ssyncset.done $0x0  }
0x147: {  	[sflag:s4] =	ssyncadd.s32 $0xFFFFD800  }
0x148: {  	v2 =	vld [tilespmem:$0xC980];
	_ =	sdelay $0x7  }
0x149: {  	[tilespmem:v2+s31+$0x0] =	vst.idx.add.f32.msk $0xffff, v1  }
0x14a: {  	v2 =	vld [tilespmem:$0xC990];
	_ =	sdelay $0x7  }
0x14b: {  	[tilespmem:v2+s31+$0x0] =	vst.idx.add.f32.msk $0xffff, v1  }
0x14c: {  	v2 =	vld [tilespmem:$0xC9A0];
	_ =	sdelay $0x7  }
0x14d: {  	[tilespmem:v2+s31+$0x0] =	vst.idx.add.f32.msk $0xffff, v1  }
0x14e: {  	v2 =	vld [tilespmem:$0xC9B0];
	_ =	sdelay $0x7  }
0x14f: {  	[tilespmem:v2+s31+$0x0] =	vst.idx.add.f32.msk $0xffff, v1  }
0x150: {  	v2 =	vld [tilespmem:$0xC9C0];
	_ =	sdelay $0x7  }
0x151: {  	[tilespmem:v2+s31+$0x0] =	vst.idx.add.f32.msk $0xffff, v1  }
0x152: {  	[spmem:s5] =	stream.indirect.scatter.add.f32 [tilespmem:s18], [sflag:$0x6], $0x80, s16, s28, $0xb8;
	[tilespmem:$0x15800] =	vst v63  }
0x153: {  	_ =	swait.ge [sflag:s12], $0x2800  }
0x154: {  	[sflag:s12] =	ssyncset.done $0x0  }
0x155: {  	s1 =	sadd.s32 $0x46, s1;
	[sflag:s12] =	ssyncadd.s32 $0xFFFFD800  }
0x156: {  	[tilespmem:s22], [sflag:$0xA] =	stream.linear.gather [hbm4b:s1+s6], $0x50, $0x38;
	[tilespmem:$0x15800] =	vst v63  }
0x157: {  	s2 =	sadd.s32 $0x46, s2  }
0x158: {  	[tilespmem:s23], [sflag:$0xA] =	stream.linear.gather [hbm4b:s2+s6], $0x50, $0x38;
	[tilespmem:$0x15800] =	vst v63  }
0x159: {  	_ =	swait.ge [sflag:s11], $0x50  }
0x15a: {  	p1 =	seq.s32 s21, $0x960;
	[sflag:s11] =	ssyncset.done $0x0  }
.Ltmp4:
0x15b: {  	[sflag:s11] =	ssyncadd.s32 $0xFFFFFFB0;
	(pc) =	sbr.rel @!p1 .LBB2_5-.Ltmp4, $4  }
0x15c: {  	_ =	swait.ge [sflag:s11], $0x50  }
0x15d: {  	[sflag:s11] =	ssyncset.done $0x0  }
0x15e: {  	s21 =	sadd.s32 $0x28, s21;
	s13 =	simm.s32 $0x3;
	[sflag:s11] =	ssyncadd.s32 $0xFFFFFFB0  }
0x15f: {  	[tilespmem:s29], [sflag:$0x8] =	stream.indirect.gather [hbm4b:s8+s28], $0x80, s9, s28, $0xb8;
	[tilespmem:$0x15800] =	vst v63  }
.Ltmp5:
0x160: {  	s21 =	rddreg [dreg:$0xb];
	(pc) =	sbr.rel .LBB2_10-.Ltmp5, $4  }
0x161: {  	s2 =	rddreg [dreg:$0xc]  }
0x162: {  	s19 =	rddreg [dreg:$0x10]  }
0x163: {  	s18 =	rddreg [dreg:$0x3]  }
0x164: {  	s1 =	smov.u32 s8;
	s17 =	sld [smem:$0x7F3]  }
.LBB2_7:
0x165: {  	s0 =	rddreg [dreg:$0x13]  }
0x166: {  	[tilespmem:s9], [sflag:$0x1] =	stream.linear.gather [hbm4b:s0+s21], $0x50, $0x38;
	[tilespmem:$0x15800] =	vst v63  }
0x167: {  	s8 =	rddreg [dreg:$0x14]  }
0x168: {  	[tilespmem:s10], [sflag:$0x1] =	stream.linear.gather [hbm4b:s8+s21], $0x50, $0x38;
	[tilespmem:$0x15800] =	vst v63  }
0x169: {  	s15 =	rddreg [dreg:$0x1a]  }
0x16a: {  	[tilespmem:s22], [sflag:$0x4] =	stream.linear.gather [hbm4b:s15+s21], $0x50, $0x38;
	[tilespmem:$0x15800] =	vst v63  }
0x16b: {  	s17 =	rddreg [dreg:$0x1b]  }
0x16c: {  	[tilespmem:s23], [sflag:$0x4] =	stream.linear.gather [hbm4b:s17+s21], $0x50, $0x38;
	[tilespmem:$0x15800] =	vst v63  }
0x16d: {  	_ =	swait.ge [sflag:s26], $0x50  }
0x16e: {  	[sflag:s26] =	ssyncset.done $0x0  }
0x16f: {  	[sflag:s26] =	ssyncadd.s32 $0xFFFFFFB0  }
0x170: {  	_ =	swait.ge [sflag:s26], $0x50  }
0x171: {  	[sflag:s26] =	ssyncset.done $0x0  }
0x172: {  	[sflag:s26] =	ssyncadd.s32 $0xFFFFFFB0  }
0x173: {  	s8 =	rddreg [dreg:$0x1]  }
0x174: {  	[tilespmem:s12], [sflag:$0x2] =	stream.indirect.gather [hbm4b:s8+s28], $0x80, s9, s28, $0xb8;
	[tilespmem:$0x15800] =	vst v63  }
0x175: {  	_ =	swait.ge [sflag:s4], $0x2800  }
0x176: {  	[sflag:s4] =	ssyncset.done $0x0  }
0x177: {  	[sflag:s4] =	ssyncadd.s32 $0xFFFFD800  }
0x178: {  	v2 =	vld [tilespmem:$0xA080];
	_ =	sdelay $0x7  }
0x179: {  	[tilespmem:v2+s31+$0x0] =	vst.idx.add.f32.msk $0xffff, v1  }
0x17a: {  	v2 =	vld [tilespmem:$0xA090];
	_ =	sdelay $0x7  }
0x17b: {  	[tilespmem:v2+s31+$0x0] =	vst.idx.add.f32.msk $0xffff, v1  }
0x17c: {  	v2 =	vld [tilespmem:$0xA0A0];
	_ =	sdelay $0x7  }
0x17d: {  	[tilespmem:v2+s31+$0x0] =	vst.idx.add.f32.msk $0xffff, v1  }
0x17e: {  	v2 =	vld [tilespmem:$0xA0B0];
	_ =	sdelay $0x7  }
0x17f: {  	[tilespmem:v2+s31+$0x0] =	vst.idx.add.f32.msk $0xffff, v1  }
0x180: {  	v2 =	vld [tilespmem:$0xA0C0];
	_ =	sdelay $0x7  }
0x181: {  	[tilespmem:v2+s31+$0x0] =	vst.idx.add.f32.msk $0xffff, v1  }
0x182: {  	[spmem:s5] =	stream.indirect.scatter.add.f32 [tilespmem:s12], [sflag:$0x3], $0x80, s10, s28, $0xb8;
	[tilespmem:$0x15800] =	vst v63  }
0x183: {  	s2 =	simm.s32 $0xF200;
	s18 =	rddreg [dreg:$0x1e]  }
0x184: {  	[tilespmem:s2], [sflag:$0x7] =	stream.linear.gather [hbm4b:s18+s21], $0x50, $0x38;
	[tilespmem:$0x15800] =	vst v63  }
0x185: {  	s1 =	simm.s32 $0xF280;
	s20 =	rddreg [dreg:$0x1f]  }
0x186: {  	[tilespmem:s1], [sflag:$0x7] =	stream.linear.gather [hbm4b:s20+s21], $0x50, $0x38;
	[tilespmem:$0x15800] =	vst v63  }
0x187: {  	_ =	swait.ge [sflag:s3], $0x50  }
0x188: {  	[sflag:s3] =	ssyncset.done $0x0  }
0x189: {  	[sflag:s3] =	ssyncadd.s32 $0xFFFFFFB0  }
0x18a: {  	_ =	swait.ge [sflag:s3], $0x50  }
0x18b: {  	[sflag:s3] =	ssyncset.done $0x0  }
0x18c: {  	[sflag:s3] =	ssyncadd.s32 $0xFFFFFFB0  }
0x18d: {  	[tilespmem:s16], [sflag:$0x5] =	stream.indirect.gather [hbm4b:s8+s28], $0x80, s22, s28, $0xb8;
	[tilespmem:$0x15800] =	vst v63  }
0x18e: {  	_ =	swait.ge [sflag:s7], $0x2800  }
0x18f: {  	[sflag:s7] =	ssyncset.done $0x0  }
0x190: {  	[sflag:s7] =	ssyncadd.s32 $0xFFFFD800  }
0x191: {  	v2 =	vld [tilespmem:$0xC980];
	_ =	sdelay $0x7  }
0x192: {  	[tilespmem:v2+s31+$0x0] =	vst.idx.add.f32.msk $0xffff, v1  }
0x193: {  	v2 =	vld [tilespmem:$0xC990];
	_ =	sdelay $0x7  }
0x194: {  	[tilespmem:v2+s31+$0x0] =	vst.idx.add.f32.msk $0xffff, v1  }
0x195: {  	v2 =	vld [tilespmem:$0xC9A0];
	_ =	sdelay $0x7  }
0x196: {  	[tilespmem:v2+s31+$0x0] =	vst.idx.add.f32.msk $0xffff, v1  }
0x197: {  	v2 =	vld [tilespmem:$0xC9B0];
	_ =	sdelay $0x7  }
0x198: {  	[tilespmem:v2+s31+$0x0] =	vst.idx.add.f32.msk $0xffff, v1  }
0x199: {  	v2 =	vld [tilespmem:$0xC9C0];
	_ =	sdelay $0x7  }
0x19a: {  	[tilespmem:v2+s31+$0x0] =	vst.idx.add.f32.msk $0xffff, v1  }
0x19b: {  	[spmem:s5] =	stream.indirect.scatter.add.f32 [tilespmem:s16], [sflag:$0x6], $0x80, s23, s28, $0xb8;
	[tilespmem:$0x15800] =	vst v63  }
0x19c: {  	s23 =	sld [smem:$0x7F6];
	_ =	sdelay $0x1  }
0x19d: {  	s22 =	simm.s32 $0x11B00;
	s24 =	sld [smem:$0x7F7]  }
0x19e: {  	[tilespmem:s22], [sflag:$0xA] =	stream.linear.gather [hbm4b:s23+s21], $0x50, $0x38;
	[tilespmem:$0x15800] =	vst v63  }
0x19f: {  	s23 =	simm.s32 $0x11B80  }
0x1a0: {  	[tilespmem:s23], [sflag:$0xA] =	stream.linear.gather [hbm4b:s24+s21], $0x50, $0x38;
	[tilespmem:$0x15800] =	vst v63  }
0x1a1: {  	s19 =	simm.s32 $0x2;
	s25 =	simm.s32 $0xC900;
	_ =	swait.ge [sflag:s11], $0x50  }
0x1a2: {  	s29 =	simm.s32 $0xF300;
	s30 =	simm.s32 $0x11C00;
	[sflag:s11] =	ssyncset.done $0x0  }
0x1a3: {  	s17 =	simm.s32 $0x8;
	s4 =	simm.s32 $0x5;
	[sflag:s11] =	ssyncadd.s32 $0xFFFFFFB0  }
0x1a4: {  	s12 =	simm.s32 $0xC;
	s10 =	simm.s32 $0x6;
	_ =	swait.ge [sflag:s11], $0x50  }
0x1a5: {  	s18 =	simm.s32 $0xCA00;
	s20 =	simm.s32 $0xB;
	[sflag:s11] =	ssyncset.done $0x0  }
0x1a6: {  	s7 =	simm.s32 $0x9;
	s16 =	simm.s32 $0xC980;
	[sflag:s11] =	ssyncadd.s32 $0xFFFFFFB0  }
0x1a7: {  	[tilespmem:s29], [sflag:$0x8] =	stream.indirect.gather [hbm4b:s8+s28], $0x80, s2, s28, $0xb8;
	[tilespmem:$0x15800] =	vst v63  }
.LBB2_8:
0x1a8: {  	_ =	swait.ge [sflag:s17], $0x2800  }
0x1a9: {  	[sflag:s17] =	ssyncset.done $0x0  }
0x1aa: {  	[sflag:s17] =	ssyncadd.s32 $0xFFFFD800  }
0x1ab: {  	v2 =	vld [tilespmem:$0xF280];
	_ =	sdelay $0x7  }
0x1ac: {  	[tilespmem:v2+s31+$0x0] =	vst.idx.add.f32.msk $0xffff, v1  }
0x1ad: {  	v2 =	vld [tilespmem:$0xF290];
	_ =	sdelay $0x7  }
0x1ae: {  	[tilespmem:v2+s31+$0x0] =	vst.idx.add.f32.msk $0xffff, v1  }
0x1af: {  	v2 =	vld [tilespmem:$0xF2A0];
	_ =	sdelay $0x7  }
0x1b0: {  	[tilespmem:v2+s31+$0x0] =	vst.idx.add.f32.msk $0xffff, v1  }
0x1b1: {  	v2 =	vld [tilespmem:$0xF2B0];
	_ =	sdelay $0x7  }
0x1b2: {  	[tilespmem:v2+s31+$0x0] =	vst.idx.add.f32.msk $0xffff, v1  }
0x1b3: {  	v2 =	vld [tilespmem:$0xF2C0];
	_ =	sdelay $0x7  }
0x1b4: {  	s9 =	simm.s32 $0xF280;
	[tilespmem:v2+s31+$0x0] =	vst.idx.add.f32.msk $0xffff, v1  }
0x1b5: {  	[spmem:s5] =	stream.indirect.scatter.add.f32 [tilespmem:s29], [sflag:$0x9], $0x80, s9, s28, $0xb8;
	[tilespmem:$0x15800] =	vst v63  }
0x1b6: {  	_ =	swait.ge [sflag:s13], $0x2800  }
0x1b7: {  	s0 =	rddreg [dreg:$0x8]  }
0x1b8: {  	s24 =	simm.s32 $0xA000;
	[sflag:s13] =	ssyncset.done $0x0;
	s1 =	sadd.s32 s21, s0  }
0x1b9: {  	s15 =	rddreg [dreg:$0x7];
	[sflag:s13] =	ssyncadd.s32 $0xFFFFD800;
	s2 =	sadd.s32 $0x28, s1  }
0x1ba: {  	[tilespmem:s24], [sflag:$0x1] =	stream.linear.gather [hbm4b:s2+s6], $0x50, $0x38;
	[tilespmem:$0x15800] =	vst v63  }
0x1bb: {  	s2 =	sadd.s32 s21, s15  }
0x1bc: {  	s15 =	simm.s32 $0xA080;
	s0 =	sadd.s32 $0x28, s2  }
0x1bd: {  	[tilespmem:s15], [sflag:$0x1] =	stream.linear.gather [hbm4b:s0+s6], $0x50, $0x38;
	[tilespmem:$0x15800] =	vst v63  }
0x1be: {  	_ =	swait.ge [sflag:s14], $0x50  }
0x1bf: {  	[sflag:s14] =	ssyncset.done $0x0  }
0x1c0: {  	[sflag:s14] =	ssyncadd.s32 $0xFFFFFFB0  }
0x1c1: {  	_ =	swait.ge [sflag:s14], $0x50  }
0x1c2: {  	[sflag:s14] =	ssyncset.done $0x0  }
0x1c3: {  	[sflag:s14] =	ssyncadd.s32 $0xFFFFFFB0  }
0x1c4: {  	[tilespmem:s30], [sflag:$0xB] =	stream.indirect.gather [hbm4b:s8+s28], $0x80, s22, s28, $0xb8;
	[tilespmem:$0x15800] =	vst v63  }
0x1c5: {  	_ =	swait.ge [sflag:s20], $0x2800  }
0x1c6: {  	[sflag:s20] =	ssyncset.done $0x0  }
0x1c7: {  	[sflag:s20] =	ssyncadd.s32 $0xFFFFD800  }
0x1c8: {  	v2 =	vld [tilespmem:$0x11B80];
	_ =	sdelay $0x7  }
0x1c9: {  	[tilespmem:v2+s31+$0x0] =	vst.idx.add.f32.msk $0xffff, v1  }
0x1ca: {  	v2 =	vld [tilespmem:$0x11B90];
	_ =	sdelay $0x7  }
0x1cb: {  	[tilespmem:v2+s31+$0x0] =	vst.idx.add.f32.msk $0xffff, v1  }
0x1cc: {  	v2 =	vld [tilespmem:$0x11BA0];
	_ =	sdelay $0x7  }
0x1cd: {  	[tilespmem:v2+s31+$0x0] =	vst.idx.add.f32.msk $0xffff, v1  }
0x1ce: {  	v2 =	vld [tilespmem:$0x11BB0];
	_ =	sdelay $0x7  }
0x1cf: {  	[tilespmem:v2+s31+$0x0] =	vst.idx.add.f32.msk $0xffff, v1  }
0x1d0: {  	v2 =	vld [tilespmem:$0x11BC0];
	_ =	sdelay $0x7  }
0x1d1: {  	[tilespmem:v2+s31+$0x0] =	vst.idx.add.f32.msk $0xffff, v1  }
0x1d2: {  	[spmem:s5] =	stream.indirect.scatter.add.f32 [tilespmem:s30], [sflag:$0xC], $0x80, s23, s28, $0xb8;
	[tilespmem:$0x15800] =	vst v63  }
0x1d3: {  	_ =	swait.ge [sflag:s10], $0x2800  }
0x1d4: {  	[sflag:s10] =	ssyncset.done $0x0  }
0x1d5: {  	s0 =	sadd.s32 $0x32, s1;
	[sflag:s10] =	ssyncadd.s32 $0xFFFFD800  }
0x1d6: {  	[tilespmem:s25], [sflag:$0x4] =	stream.linear.gather [hbm4b:s0+s6], $0x50, $0x38;
	[tilespmem:$0x15800] =	vst v63  }
0x1d7: {  	s0 =	sadd.s32 $0x32, s2  }
0x1d8: {  	[tilespmem:s16], [sflag:$0x4] =	stream.linear.gather [hbm4b:s0+s6], $0x50, $0x38;
	[tilespmem:$0x15800] =	vst v63  }
0x1d9: {  	_ =	swait.ge [sflag:s26], $0x50  }
0x1da: {  	[sflag:s26] =	ssyncset.done $0x0  }
0x1db: {  	[sflag:s26] =	ssyncadd.s32 $0xFFFFFFB0  }
0x1dc: {  	_ =	swait.ge [sflag:s26], $0x50  }
0x1dd: {  	[sflag:s26] =	ssyncset.done $0x0  }
0x1de: {  	s0 =	simm.s32 $0xA100;
	[sflag:s26] =	ssyncadd.s32 $0xFFFFFFB0  }
0x1df: {  	[tilespmem:s0], [sflag:$0x2] =	stream.indirect.gather [hbm4b:s8+s28], $0x80, s24, s28, $0xb8;
	[tilespmem:$0x15800] =	vst v63  }
0x1e0: {  	_ =	swait.ge [sflag:s19], $0x2800  }
0x1e1: {  	[sflag:s19] =	ssyncset.done $0x0  }
0x1e2: {  	[sflag:s19] =	ssyncadd.s32 $0xFFFFD800  }
0x1e3: {  	v2 =	vld [tilespmem:$0xA080];
	_ =	sdelay $0x7  }
0x1e4: {  	[tilespmem:v2+s31+$0x0] =	vst.idx.add.f32.msk $0xffff, v1  }
0x1e5: {  	v2 =	vld [tilespmem:$0xA090];
	_ =	sdelay $0x7  }
0x1e6: {  	[tilespmem:v2+s31+$0x0] =	vst.idx.add.f32.msk $0xffff, v1  }
0x1e7: {  	v2 =	vld [tilespmem:$0xA0A0];
	_ =	sdelay $0x7  }
0x1e8: {  	[tilespmem:v2+s31+$0x0] =	vst.idx.add.f32.msk $0xffff, v1  }
0x1e9: {  	v2 =	vld [tilespmem:$0xA0B0];
	_ =	sdelay $0x7  }
0x1ea: {  	[tilespmem:v2+s31+$0x0] =	vst.idx.add.f32.msk $0xffff, v1  }
0x1eb: {  	v2 =	vld [tilespmem:$0xA0C0];
	_ =	sdelay $0x7  }
0x1ec: {  	[tilespmem:v2+s31+$0x0] =	vst.idx.add.f32.msk $0xffff, v1  }
0x1ed: {  	[spmem:s5] =	stream.indirect.scatter.add.f32 [tilespmem:s0], [sflag:$0x3], $0x80, s15, s28, $0xb8;
	[tilespmem:$0x15800] =	vst v63  }
0x1ee: {  	_ =	swait.ge [sflag:s7], $0x2800  }
0x1ef: {  	[sflag:s7] =	ssyncset.done $0x0  }
0x1f0: {  	s24 =	sadd.s32 $0x3C, s1;
	s15 =	simm.s32 $0xF200;
	[sflag:s7] =	ssyncadd.s32 $0xFFFFD800  }
0x1f1: {  	[tilespmem:s15], [sflag:$0x7] =	stream.linear.gather [hbm4b:s24+s6], $0x50, $0x38;
	[tilespmem:$0x15800] =	vst v63  }
0x1f2: {  	s24 =	sadd.s32 $0x3C, s2  }
0x1f3: {  	[tilespmem:s9], [sflag:$0x7] =	stream.linear.gather [hbm4b:s24+s6], $0x50, $0x38;
	[tilespmem:$0x15800] =	vst v63  }
0x1f4: {  	_ =	swait.ge [sflag:s3], $0x50  }
0x1f5: {  	[sflag:s3] =	ssyncset.done $0x0  }
0x1f6: {  	[sflag:s3] =	ssyncadd.s32 $0xFFFFFFB0  }
0x1f7: {  	_ =	swait.ge [sflag:s3], $0x50  }
0x1f8: {  	[sflag:s3] =	ssyncset.done $0x0  }
0x1f9: {  	[sflag:s3] =	ssyncadd.s32 $0xFFFFFFB0  }
0x1fa: {  	[tilespmem:s18], [sflag:$0x5] =	stream.indirect.gather [hbm4b:s8+s28], $0x80, s25, s28, $0xb8;
	[tilespmem:$0x15800] =	vst v63  }
0x1fb: {  	_ =	swait.ge [sflag:s4], $0x2800  }
0x1fc: {  	[sflag:s4] =	ssyncset.done $0x0  }
0x1fd: {  	[sflag:s4] =	ssyncadd.s32 $0xFFFFD800  }
0x1fe: {  	v2 =	vld [tilespmem:$0xC980];
	_ =	sdelay $0x7  }
0x1ff: {  	[tilespmem:v2+s31+$0x0] =	vst.idx.add.f32.msk $0xffff, v1  }
0x200: {  	v2 =	vld [tilespmem:$0xC990];
	_ =	sdelay $0x7  }
0x201: {  	[tilespmem:v2+s31+$0x0] =	vst.idx.add.f32.msk $0xffff, v1  }
0x202: {  	v2 =	vld [tilespmem:$0xC9A0];
	_ =	sdelay $0x7  }
0x203: {  	[tilespmem:v2+s31+$0x0] =	vst.idx.add.f32.msk $0xffff, v1  }
0x204: {  	v2 =	vld [tilespmem:$0xC9B0];
	_ =	sdelay $0x7  }
0x205: {  	[tilespmem:v2+s31+$0x0] =	vst.idx.add.f32.msk $0xffff, v1  }
0x206: {  	v2 =	vld [tilespmem:$0xC9C0];
	_ =	sdelay $0x7  }
0x207: {  	[tilespmem:v2+s31+$0x0] =	vst.idx.add.f32.msk $0xffff, v1  }
0x208: {  	[spmem:s5] =	stream.indirect.scatter.add.f32 [tilespmem:s18], [sflag:$0x6], $0x80, s16, s28, $0xb8;
	[tilespmem:$0x15800] =	vst v63  }
0x209: {  	_ =	swait.ge [sflag:s12], $0x2800  }
0x20a: {  	[sflag:s12] =	ssyncset.done $0x0  }
0x20b: {  	s9 =	sadd.s32 $0x46, s1;
	[sflag:s12] =	ssyncadd.s32 $0xFFFFD800  }
0x20c: {  	[tilespmem:s22], [sflag:$0xA] =	stream.linear.gather [hbm4b:s9+s6], $0x50, $0x38;
	[tilespmem:$0x15800] =	vst v63  }
0x20d: {  	s24 =	sadd.s32 $0x46, s2  }
0x20e: {  	[tilespmem:s23], [sflag:$0xA] =	stream.linear.gather [hbm4b:s24+s6], $0x50, $0x38;
	[tilespmem:$0x15800] =	vst v63  }
0x20f: {  	_ =	swait.ge [sflag:s11], $0x50  }
0x210: {  	p1 =	sne.s32 s21, $0x960;
	[sflag:s11] =	ssyncset.done $0x0  }
.Ltmp6:
0x211: {  	[sflag:s11] =	ssyncadd.s32 $0xFFFFFFB0;
	(pc) =	sbr.rel @p1 .LBB2_8-.Ltmp6, $4  }
0x212: {  	_ =	swait.ge [sflag:s11], $0x50  }
0x213: {  	[sflag:s11] =	ssyncset.done $0x0  }
0x214: {  	s21 =	sadd.s32 $0x28, s21;
	[sflag:s11] =	ssyncadd.s32 $0xFFFFFFB0  }
0x215: {  	[tilespmem:s29], [sflag:$0x8] =	stream.indirect.gather [hbm4b:s8+s28], $0x80, s15, s28, $0xb8;
	[tilespmem:$0x15800] =	vst v63  }
.Ltmp7:
0x216: {  	s21 =	rddreg [dreg:$0xd];
	(pc) =	sbr.rel .LBB2_10-.Ltmp7, $4  }
0x217: {  	s2 =	rddreg [dreg:$0xe]  }
0x218: {  	s19 =	rddreg [dreg:$0x11]  }
0x219: {  	s18 =	rddreg [dreg:$0x4]  }
0x21a: {  	s1 =	smov.u32 s8;
	s17 =	sld [smem:$0x7F3];
	s15 =	simm.s32 $0x6  }
.LBB2_11:
0x21b: {  	_ =	sfence.sel $0x180000  }
0x21c: {  	[bflag:$0x0] =	sbarrier.arrive $0xFFFF  }
0x21d: {  	_ =	strace $0x90000047  }
0x21e: {  	s0 =	stileid.u32;
	[bflag:$0x2] =	sbarrier.arrive $0xFFFF  }
0x21f: {  	p0 =	sne.s32 s0, $0x0;
	s0 =	rddreg [dreg:$0x6]  }
0x220: {  	s0 =	sadd.s32 @!p0 $0x100000, s0  }
0x221: {  	[sflag:s0] =	ssyncadd.tile.s32 @!p0 $0x1;
	_ =	shalt  }
.Lfunc_end2:
_tile_overlayer_lowered:
.L_overlay_start_2:
0x222: {  	(tag) =	ssettag $0x2  }
0x223: {  	s0 =	rddreg [dreg:$0x0];
	s2 =	stileid.u32  }
0x224: {  	s1 =	rddreg [dreg:$0x1];
	p0 =	sne.s32 s2, $0x0  }
0x225: {  	s3 =	rddreg [dreg:$0x2];
	[bflag:$0x3] =	sbarrier.arrive $0xFFFF;
	s2 =	simm.s32 @!p0 $0x1C0D  }
0x226: {  	[timem:s3], [sflag:s2] =	dma.local @!p0 [hbm:s0], s1  }
0x227: {  	s0 =	simm.s32 @!p0 $0xD  }
0x228: {  	_ =	swait.ge @!p0 [sflag:s0], s1  }
0x229: {  	s1 =	ssub.s32 @!p0 $0x0, s1;
	[sflag:s0] =	ssyncset.done @!p0 $0x0  }
0x22a: {  	[sflag:s0] =	ssyncadd.s32 @!p0 s1  }
0x22b: {  	[bflag:$0x3] =	sbarrier.arrive $0xFFFF  }
0x22c: {  	_ =	shalt  }

</sc_bundles>
